<compile_context>
chip_gen: v7x
topology: tpu7x:2x2x1
jax: 0.10.2.dev20260603
libtpu: 0.0.44.dev20260713+nightly
codegen_flags: <defaults>
</compile_context>

<pallas_src>
import functools

import jax
import jax.numpy as jnp
from jax import lax
from jax.experimental import pallas as pl
from jax.experimental.pallas import tpu as pltpu
from jax.experimental.pallas import tpu_sc as plsc

N = 10000
NP = 1024
E = 320000
D = 128
L = 3

NC = 2
NS = 16
NW = NC * NS
EPW = E // NW
C = 104
NCHUNK = EPW // C
TAIL = EPW - NCHUNK * C
ZR = 16
ZZ = 24
SLAB = (N // NS) // ZR * ZR
NPAD = 10240
SLABC = NPAD // NS


def _make_sc_segsum():
    mesh = plsc.VectorSubcoreMesh(core_axis_name="c", subcore_axis_name="s")

    out_type = [jax.ShapeDtypeStruct((NC, N, D), jnp.float32)]
    scratch = [
        pltpu.VMEM((NCHUNK, C), jnp.int32),
        pltpu.VMEM((TAIL,), jnp.int32),
        pltpu.VMEM((C, D), jnp.float32),
        pltpu.VMEM_SHARED((N, D), jnp.float32),
        pltpu.VMEM((EPW,), jnp.int32),
        pltpu.VMEM((C, D), jnp.float32),
        pltpu.SemaphoreType.DMA,
        pltpu.SemaphoreType.DMA,
        pltpu.SemaphoreType.DMA,
        pltpu.SemaphoreType.DMA,
    ]

    def body(*refs):
        (h_hbm, src_hbm, dstm_hbm, dstt_hbm, s_out, dst_v, dstt_v, rows_a,
         acc_sh, src_v, rows_b, sem_a, sem_b, sem_sa, sem_sb) = refs

        cid = lax.axis_index("c")
        sid = lax.axis_index("s")
        w = cid * NS + sid

        pltpu.sync_copy(dstm_hbm.at[w], dst_v)
        pltpu.sync_copy(dstt_hbm.at[w], dstt_v)
        pltpu.sync_copy(
            src_hbm.at[pl.ds(pl.multiple_of(w * EPW, 8), EPW)], src_v)

        def src_at(j, n=C):
            return src_v.at[pl.ds(pl.multiple_of(j * C, 8), n)]

        def zfill(i, _):
            rows_b[i // 8, pl.ds((i % 8) * 16, 16)] = jnp.zeros((16,), jnp.float32)
            return 0
        lax.fori_loop(0, C * 8, zfill, 0)

        for k in range(SLAB // C):
            r = sid * SLAB + k * C
            pltpu.sync_copy(rows_b, acc_sh.at[pl.ds(r, C)])
        pltpu.sync_copy(rows_b.at[pl.ds(0, ZR)], acc_sh.at[pl.ds(NS * SLAB, ZR)])
        plsc.subcore_barrier()

        def wait_g(buf, sem):
            pltpu.make_async_copy(h_hbm.at[dst_v.at[0]], buf, sem).wait()

        pltpu.async_copy(h_hbm.at[src_at(0)], rows_a, sem_a)

        def step(jj, _):
            b1 = 2 * jj + 1
            b2 = 2 * jj + 2
            gb = pltpu.async_copy(h_hbm.at[src_at(b1)], rows_b, sem_b)
            wait_g(rows_a, sem_a)
            sa = pltpu.async_copy(rows_a, acc_sh.at[dst_v.at[2 * jj]],
                                  sem_sa, add=True)
            sa.wait()
            pltpu.async_copy(h_hbm.at[src_at(b2)], rows_a, sem_a)
            gb.wait()
            sb = pltpu.async_copy(rows_b, acc_sh.at[dst_v.at[b1]],
                                  sem_sb, add=True)
            sb.wait()
            return 0
        lax.fori_loop(0, (NCHUNK - 2) // 2, step, 0)
        g95 = pltpu.async_copy(h_hbm.at[src_at(NCHUNK - 1)], rows_b, sem_b)
        wait_g(rows_a, sem_a)
        pltpu.sync_copy(rows_a, acc_sh.at[dst_v.at[NCHUNK - 2]], add=True)
        gt = pltpu.async_copy(h_hbm.at[src_at(NCHUNK, TAIL)],
                              rows_a.at[pl.ds(0, TAIL)], sem_a)
        g95.wait()
        pltpu.sync_copy(rows_b, acc_sh.at[dst_v.at[NCHUNK - 1]], add=True)
        gt.wait()
        pltpu.sync_copy(rows_a.at[pl.ds(0, TAIL)], acc_sh.at[dstt_v],
                        add=True)
        plsc.subcore_barrier()

        r0 = pl.multiple_of(sid * SLAB, 8)
        pltpu.sync_copy(acc_sh.at[pl.ds(r0, SLAB)],
                        s_out.at[cid, pl.ds(r0, SLAB)])
        pltpu.sync_copy(acc_sh.at[pl.ds(NS * SLAB, ZR)],
                        s_out.at[cid, pl.ds(NS * SLAB, ZR)])

    return pl.kernel(body, out_type=out_type, mesh=mesh,
                     scratch_types=scratch)


def _make_sc_deg():
    mesh = plsc.VectorSubcoreMesh(core_axis_name="c", subcore_axis_name="s")

    out_type = [jax.ShapeDtypeStruct((NC, 8, NPAD), jnp.float32)]
    scratch = [
        pltpu.VMEM((EPW,), jnp.int32),
        pltpu.VMEM((NPAD,), jnp.float32),
        pltpu.VMEM((NS, SLABC), jnp.float32),
        pltpu.VMEM((SLABC,), jnp.float32),
        pltpu.VMEM_SHARED((NS, NPAD), jnp.float32),
    ]

    def body(dst_hbm, out, dst_v, hist_v, slab_v, outv_v, hsh):
        cid = lax.axis_index("c")
        sid = lax.axis_index("s")
        w = cid * NS + sid
        pltpu.sync_copy(
            dst_hbm.at[pl.ds(pl.multiple_of(w * EPW, 8), EPW)], dst_v)

        zero16 = jnp.zeros((16,), jnp.float32)
        one16 = jnp.full((16,), 1.0, jnp.float32)

        def zh(i, _):
            hist_v[pl.ds(i * 16, 16)] = zero16
            return 0
        lax.fori_loop(0, NPAD // 16, zh, 0)

        def hchunk(i, _):
            idx = dst_v[pl.ds(i * 16, 16)]
            plsc.addupdate_scatter(hist_v, [idx], one16)
            return 0
        lax.fori_loop(0, EPW // 16, hchunk, 0)

        pltpu.sync_copy(hist_v, hsh.at[sid])
        plsc.subcore_barrier()

        c0 = pl.multiple_of(sid * SLABC, 128)
        pltpu.sync_copy(hsh.at[:, pl.ds(c0, SLABC)], slab_v)

        def red(q, _):
            acc = zero16
            for r in range(NS):
                acc = acc + slab_v[r, pl.ds(q * 16, 16)]
            outv_v[pl.ds(q * 16, 16)] = acc
            return 0
        lax.fori_loop(0, SLABC // 16, red, 0)

        pltpu.sync_copy(outv_v, out.at[cid, 0, pl.ds(c0, SLABC)])

    return pl.kernel(
        body, out_type=out_type, mesh=mesh, scratch_types=scratch,
        compiler_params=pltpu.CompilerParams(needs_layout_passes=False))


_sc_segsum = _make_sc_segsum()
_sc_deg = _make_sc_deg()


BN = 5000


def _dense_body(relu, h_ref, s0_ref, s1_ref, d_ref, ws_ref, wn_ref,
                b_ref, g_ref, be_ref, o_ref):
    neigh = s0_ref[0] + s1_ref[0]
    deg = d_ref[...]
    nm = neigh * (1.0 / jnp.maximum(deg, 1.0))
    y = (jnp.dot(h_ref[...], ws_ref[...], preferred_element_type=jnp.float32)
         + jnp.dot(nm, wn_ref[...], preferred_element_type=jnp.float32)
         + b_ref[...])
    mu = jnp.mean(y, axis=-1, keepdims=True)
    var = jnp.mean((y - mu) ** 2, axis=-1, keepdims=True)
    out = (y - mu) * lax.rsqrt(var + 1e-5) * g_ref[...] + be_ref[...]
    if relu:
        out = jnp.maximum(out, 0.0)
    o_ref[...] = out


def _dense_layer(h, s, dg, ws, wn, b, g, be, relu):
    return pl.pallas_call(
        functools.partial(_dense_body, relu),
        grid=(N // BN,),
        in_specs=[
            pl.BlockSpec((BN, D), lambda i: (i, 0)),
            pl.BlockSpec((1, BN, D), lambda i: (0, i, 0)),
            pl.BlockSpec((1, BN, D), lambda i: (1, i, 0)),
            pl.BlockSpec((BN, 1), lambda i: (i, 0)),
            pl.BlockSpec((D, D), lambda i: (0, 0)),
            pl.BlockSpec((D, D), lambda i: (0, 0)),
            pl.BlockSpec((1, D), lambda i: (0, 0)),
            pl.BlockSpec((1, D), lambda i: (0, 0)),
            pl.BlockSpec((1, D), lambda i: (0, 0)),
        ],
        out_specs=pl.BlockSpec((BN, D), lambda i: (i, 0)),
        out_shape=jax.ShapeDtypeStruct((N, D), jnp.float32),
    )(h, s, s, dg, ws, wn, b, g, be)


def _hp_body(xp_ref, wl_ref, bl_ref, g_ref, be_ref, o_ref):
    hp = xp_ref[...]
    for l in range(L):
        y = (jnp.dot(hp, wl_ref[l], preferred_element_type=jnp.float32)
             + bl_ref[l])
        mu = jnp.mean(y, axis=-1, keepdims=True)
        var = jnp.mean((y - mu) ** 2, axis=-1, keepdims=True)
        hp = (y - mu) * lax.rsqrt(var + 1e-5) * g_ref[l] + be_ref[l]
        if l < L - 1:
            hp = jnp.maximum(hp, 0.0)
    o_ref[...] = hp


def _hp_path(xp, wl, bl, g, be):
    return pl.pallas_call(
        _hp_body,
        out_shape=jax.ShapeDtypeStruct((NP, D), jnp.float32),
    )(xp, wl, bl, g, be)


def kernel(x, xp, edge_index, Ws, Wn, b, Wl, bl, gamma, beta):
    src = edge_index[0]
    dst1 = edge_index[1]
    dst2 = dst1.reshape(NW, EPW)
    dstm = dst2[:, :NCHUNK * C].reshape(NW, NCHUNK, C)
    dstt = dst2[:, NCHUNK * C:]
    b2 = b.reshape(L, 1, D)
    bl2 = bl.reshape(L, 1, D)
    g2 = gamma.reshape(L, 1, D)
    be2 = beta.reshape(L, 1, D)

    (dg3,) = _sc_deg(dst1)
    dg = (dg3[0, 0, :N] + dg3[1, 0, :N]).reshape(N, 1)

    h = x
    for l in range(L):
        (s,) = _sc_segsum(h, src, dstm, dstt)
        h = _dense_layer(h, s, dg, Ws[l], Wn[l], b2[l], g2[l], be2[l],
                         relu=(l < L - 1))
    hp = _hp_path(xp, Wl, bl2, g2, be2)
    return h, hp

# --- scband reference (transcript-rebuilt; emitter-appended) ---
"""Pipeline reference for scband-drkgmodel-50105088475140 (READ-ONLY COPY).

The authoritative reference and input builder live on the scoring server;
editing this copy changes nothing except your own understanding.
"""

import jax, jax.numpy as jnp
import numpy as np

N = 10000
NP = 1024
E = 320000
D = 128
L = 3


def layer_norm(h, g, b, eps=1e-5):
    mu = jnp.mean(h, axis=-1, keepdims=True)
    var = jnp.var(h, axis=-1, keepdims=True)
    return (h - mu) / jnp.sqrt(var + eps) * g + b


def setup_inputs(seed: int = 0):
    key = jax.random.key(seed)
    ks = jax.random.split(key, 10)
    x = jax.random.normal(ks[0], (N, D), dtype=jnp.float32)
    xp = jax.random.normal(ks[1], (NP, D), dtype=jnp.float32)
    edge_index = jax.random.randint(ks[2], (2, E), 0, N)
    s = 0.05
    Ws = jax.random.normal(ks[3], (L, D, D), dtype=jnp.float32) * s
    Wn = jax.random.normal(ks[4], (L, D, D), dtype=jnp.float32) * s
    b = jnp.zeros((L, D), dtype=jnp.float32)
    Wl = jax.random.normal(ks[5], (L, D, D), dtype=jnp.float32) * s
    bl = jnp.zeros((L, D), dtype=jnp.float32)
    gamma = jnp.ones((L, D), dtype=jnp.float32)
    beta = jnp.zeros((L, D), dtype=jnp.float32)
    return {"x": x, "xp": xp, "edge_index": edge_index, "Ws": Ws, "Wn": Wn, "b": b,
            "Wl": Wl, "bl": bl, "gamma": gamma, "beta": beta}


def reference(x, xp, edge_index, Ws, Wn, b, Wl, bl, gamma, beta):
    # DRKGModel forward (eval mode -> dropout is identity).
    # Each layer: HeteroGraphConv({rel: SAGEConv(in, hid, 'mean')}) on the message
    # graph + a parallel Linear path for the 'Pharmacologic Class' node type
    # (which has no incoming edges), both followed by shared LayerNorm and,
    # except for the last layer, ReLU (+ dropout, identity in eval).
    src = edge_index[0]
    dst = edge_index[1]
    num_nodes = x.shape[0]
    h = x
    hp = xp
    for l in range(L):
        # SAGEConv 'mean': fc_self(h_dst) + fc_neigh(mean of neighbor feats) + bias
        msg = jnp.take(h, src, axis=0)
        neigh_sum = jax.ops.segment_sum(msg, dst, num_segments=num_nodes)
        deg = jax.ops.segment_sum(jnp.ones_like(dst, dtype=h.dtype), dst, num_segments=num_nodes)
        neigh_mean = neigh_sum / jnp.maximum(deg, 1.0)[:, None]
        h_new = h @ Ws[l] + neigh_mean @ Wn[l] + b[l]
        hp = hp @ Wl[l] + bl[l]
        h_new = layer_norm(h_new, gamma[l], beta[l])
        hp = layer_norm(hp, gamma[l], beta[l])
        if l < L - 1:
            h_new = jax.nn.relu(h_new)
            hp = jax.nn.relu(hp)
        h = h_new
    # hidden_x = x | hidden_x; PC-node output sliced to dst count (identity here)
    return (h, hp)

if __name__ == "__main__":
    import jax
    _d = setup_inputs()
    print(jax.jit(kernel)(*tuple(_d.values())))

</pallas_src>

<mosaic_0001>
#map = affine_map<(d0, d1) -> (0)>
#map1 = affine_map<(d0, d1) -> (0, 0, 0)>
module attributes {stable_mosaic.version = 14 : i64} {
  func.func @body(%arg0: i32, %arg1: i32, %arg2: memref<320000xi32, #tpu.memory_space<hbm>>, %arg3: memref<2x8x10240xf32, #tpu.memory_space<hbm>>, %arg4: memref<10000xi32, #tpu.memory_space<vmem>>, %arg5: memref<10240xf32, #tpu.memory_space<vmem>>, %arg6: memref<16x640xf32, #tpu.memory_space<vmem>>, %arg7: memref<640xf32, #tpu.memory_space<vmem>>, %arg8: memref<16x10240xf32, #tpu.memory_space<vmem_shared>>) attributes {dimension_semantics = [#tpu.dimension_semantics<core_parallel>, #tpu.dimension_semantics<subcore_parallel>], iteration_bounds = array<i64: 2, 16>, scalar_prefetch = 0 : i64, scratch_operands = 5 : i64, tpu.core_type = #tpu.core_type<sc_vector_subcore>, window_params = [{transform_indices = #map}, {transform_indices = #map1}]} {
    %mul3A = arith.constant 16 : i32
    %mul3A_0 = arith.muli %arg0, %mul3A : i32
    %add3A = arith.addi %mul3A_0, %arg1 : i32
    %mul3A_1 = arith.constant 10000 : i32
    %mul3A_2 = arith.muli %add3A, %mul3A_1 : i32
    %multiple_of3A = tpu.assume_multiple %mul3A_2, 8 : i32
    "tpu.region"() ({
      %run_scoped3A_29 = tpu.sem_alloc : memref<!tpu.dma_semaphore, #tpu.memory_space<semaphore_mem>>
      %dma_start3A = tpu.memref_slice %arg2[%multiple_of3A] : memref<320000xi32, #tpu.memory_space<hbm>> -> memref<10000xi32, #tpu.memory_space<hbm>>
      %dma_start3A_30 = tpu.memref_slice %arg2[%multiple_of3A] : memref<320000xi32, #tpu.memory_space<hbm>> -> memref<10000xi32, #tpu.memory_space<hbm>>
      tpu.enqueue_dma source(%dma_start3A_30 : memref<10000xi32, #tpu.memory_space<hbm>>) target(%arg4 : memref<10000xi32, #tpu.memory_space<vmem>>) target_semaphore(%run_scoped3A_29 : memref<!tpu.dma_semaphore, #tpu.memory_space<semaphore_mem>>)
      %dma_wait3A = tpu.memref_slice %arg2[%multiple_of3A] : memref<320000xi32, #tpu.memory_space<hbm>> -> memref<10000xi32, #tpu.memory_space<hbm>>
      %dma_wait3A_31 = tpu.memref_slice %arg2[%multiple_of3A] : memref<320000xi32, #tpu.memory_space<hbm>> -> memref<10000xi32, #tpu.memory_space<hbm>>
      tpu.wait_dma2 semaphore(%run_scoped3A_29 : memref<!tpu.dma_semaphore, #tpu.memory_space<semaphore_mem>>) src(%dma_wait3A_31 : memref<10000xi32, #tpu.memory_space<hbm>>) dst(%arg4 : memref<10000xi32, #tpu.memory_space<vmem>>)
      tpu.yield
    }) : () -> ()
    %broadcast_in_dim3A = arith.constant 0.000000e+00 : f32
    %broadcast_in_dim3A_3 = vector.broadcast %broadcast_in_dim3A : f32 to vector<16xf32>
    %broadcast_in_dim3A_4 = arith.constant 1.000000e+00 : f32
    %broadcast_in_dim3A_5 = vector.broadcast %broadcast_in_dim3A_4 : f32 to vector<16xf32>
    %scan3A = arith.constant 0 : i32
    %scan3A_6 = arith.constant 0 : i32
    %scan3A_7 = arith.constant 640 : i32
    %scan3A_8 = arith.addi %scan3A_6, %scan3A_7 : i32
    %scan3A_9 = arith.constant 1 : i32
    %scan3A_10 = scf.for %scan3A_29 = %scan3A_6 to %scan3A_8 step %scan3A_9 iter_args(%scan3A_30 = %scan3A) -> (i32)  : i32 {
      %mul3A_31 = arith.constant 16 : i32
      %mul3A_32 = arith.muli %scan3A_29, %mul3A_31 : i32
      %swap3A = arith.index_cast %mul3A_32 : i32 to index
      %swap3A_33 = tpu.vector_load %arg5[%swap3A] {strides = array<i32>} : memref<10240xf32, #tpu.memory_space<vmem>>, vector<16xf32>,
      tpu.vector_store %arg5[%swap3A], %broadcast_in_dim3A_3 {strides = array<i32>} : memref<10240xf32, #tpu.memory_space<vmem>>, vector<16xf32>,
      %scan3A_34 = arith.constant 0 : i32
      scf.yield %scan3A_34 : i32
    }
    %scan3A_11 = arith.constant 640 : i32
    %scan3A_12 = arith.constant 0 : i32
    %scan3A_13 = arith.constant 0 : i32
    %scan3A_14 = arith.constant 625 : i32
    %scan3A_15 = arith.addi %scan3A_13, %scan3A_14 : i32
    %scan3A_16 = arith.constant 1 : i32
    %scan3A_17 = scf.for %scan3A_29 = %scan3A_13 to %scan3A_15 step %scan3A_16 iter_args(%scan3A_30 = %scan3A_12) -> (i32)  : i32 {
      %mul3A_31 = arith.constant 16 : i32
      %mul3A_32 = arith.muli %scan3A_29, %mul3A_31 : i32
      %get3A = arith.index_cast %mul3A_32 : i32 to index
      %get3A_33 = tpu.vector_load %arg4[%get3A] {strides = array<i32>} : memref<10000xi32, #tpu.memory_space<vmem>>, vector<16xi32>,
      tpu.vector_store_idx %arg5[%get3A_33], %broadcast_in_dim3A_5 {add = true} : memref<10240xf32, #tpu.memory_space<vmem>>[vector<16xi32>], vector<16xf32>,
      %scan3A_34 = arith.constant 0 : i32
      scf.yield %scan3A_34 : i32
    }
    %scan3A_18 = arith.constant 625 : i32
    "tpu.region"() ({
      %run_scoped3A_29 = tpu.sem_alloc : memref<!tpu.dma_semaphore, #tpu.memory_space<semaphore_mem>>
      %dma_start3A = arith.constant 0 : i32
      %dma_start3A_30 = tpu.memref_slice %arg8[%arg1, %dma_start3A] : memref<16x10240xf32, #tpu.memory_space<vmem_shared>> -> memref<1x10240xf32, #tpu.memory_space<vmem_shared>>
      %dma_start3A_31 = tpu.memref_squeeze %dma_start3A_30 : memref<1x10240xf32, #tpu.memory_space<vmem_shared>> -> memref<10240xf32, #tpu.memory_space<vmem_shared>>
      %dma_start3A_32 = arith.constant 0 : i32
      %dma_start3A_33 = tpu.memref_slice %arg8[%arg1, %dma_start3A_32] : memref<16x10240xf32, #tpu.memory_space<vmem_shared>> -> memref<1x10240xf32, #tpu.memory_space<vmem_shared>>
      %dma_start3A_34 = tpu.memref_squeeze %dma_start3A_33 : memref<1x10240xf32, #tpu.memory_space<vmem_shared>> -> memref<10240xf32, #tpu.memory_space<vmem_shared>>
      tpu.enqueue_dma source(%arg5 : memref<10240xf32, #tpu.memory_space<vmem>>) target(%dma_start3A_34 : memref<10240xf32, #tpu.memory_space<vmem_shared>>) target_semaphore(%run_scoped3A_29 : memref<!tpu.dma_semaphore, #tpu.memory_space<semaphore_mem>>)
      %dma_wait3A = arith.constant 0 : i32
      %dma_wait3A_35 = tpu.memref_slice %arg8[%arg1, %dma_wait3A] : memref<16x10240xf32, #tpu.memory_space<vmem_shared>> -> memref<1x10240xf32, #tpu.memory_space<vmem_shared>>
      %dma_wait3A_36 = tpu.memref_squeeze %dma_wait3A_35 : memref<1x10240xf32, #tpu.memory_space<vmem_shared>> -> memref<10240xf32, #tpu.memory_space<vmem_shared>>
      %dma_wait3A_37 = arith.constant 0 : i32
      %dma_wait3A_38 = tpu.memref_slice %arg8[%arg1, %dma_wait3A_37] : memref<16x10240xf32, #tpu.memory_space<vmem_shared>> -> memref<1x10240xf32, #tpu.memory_space<vmem_shared>>
      %dma_wait3A_39 = tpu.memref_squeeze %dma_wait3A_38 : memref<1x10240xf32, #tpu.memory_space<vmem_shared>> -> memref<10240xf32, #tpu.memory_space<vmem_shared>>
      tpu.wait_dma2 semaphore(%run_scoped3A_29 : memref<!tpu.dma_semaphore, #tpu.memory_space<semaphore_mem>>) src(%arg5 : memref<10240xf32, #tpu.memory_space<vmem>>) dst(%dma_wait3A_39 : memref<10240xf32, #tpu.memory_space<vmem_shared>>)
      tpu.yield
    }) : () -> ()
    %barrier3A = arith.constant 0 : index
    tpu.barrier barrier_id(%barrier3A)
    %mul3A_19 = arith.constant 640 : i32
    %mul3A_20 = arith.muli %arg1, %mul3A_19 : i32
    %multiple_of3A_21 = tpu.assume_multiple %mul3A_20, 128 : i32
    "tpu.region"() ({
      %run_scoped3A_29 = tpu.sem_alloc : memref<!tpu.dma_semaphore, #tpu.memory_space<semaphore_mem>>
      %dma_start3A = arith.constant 0 : i32
      %dma_start3A_30 = tpu.memref_slice %arg8[%dma_start3A, %multiple_of3A_21] : memref<16x10240xf32, #tpu.memory_space<vmem_shared>> -> memref<16x640xf32, #tpu.memory_space<vmem_shared>>
      %dma_start3A_31 = arith.constant 0 : i32
      %dma_start3A_32 = tpu.memref_slice %arg8[%dma_start3A_31, %multiple_of3A_21] : memref<16x10240xf32, #tpu.memory_space<vmem_shared>> -> memref<16x640xf32, #tpu.memory_space<vmem_shared>>
      tpu.enqueue_dma source(%dma_start3A_32 : memref<16x640xf32, #tpu.memory_space<vmem_shared>>) target(%arg6 : memref<16x640xf32, #tpu.memory_space<vmem>>) target_semaphore(%run_scoped3A_29 : memref<!tpu.dma_semaphore, #tpu.memory_space<semaphore_mem>>)
      %dma_wait3A = arith.constant 0 : i32
      %dma_wait3A_33 = tpu.memref_slice %arg8[%dma_wait3A, %multiple_of3A_21] : memref<16x10240xf32, #tpu.memory_space<vmem_shared>> -> memref<16x640xf32, #tpu.memory_space<vmem_shared>>
      %dma_wait3A_34 = arith.constant 0 : i32
      %dma_wait3A_35 = tpu.memref_slice %arg8[%dma_wait3A_34, %multiple_of3A_21] : memref<16x10240xf32, #tpu.memory_space<vmem_shared>> -> memref<16x640xf32, #tpu.memory_space<vmem_shared>>
      tpu.wait_dma2 semaphore(%run_scoped3A_29 : memref<!tpu.dma_semaphore, #tpu.memory_space<semaphore_mem>>) src(%dma_wait3A_35 : memref<16x640xf32, #tpu.memory_space<vmem_shared>>) dst(%arg6 : memref<16x640xf32, #tpu.memory_space<vmem>>)
      tpu.yield
    }) : () -> ()
    %scan3A_22 = arith.constant 0 : i32
    %scan3A_23 = arith.constant 0 : i32
    %scan3A_24 = arith.constant 40 : i32
    %scan3A_25 = arith.addi %scan3A_23, %scan3A_24 : i32
    %scan3A_26 = arith.constant 1 : i32
    %scan3A_27 = scf.for %scan3A_29 = %scan3A_23 to %scan3A_25 step %scan3A_26 iter_args(%scan3A_30 = %scan3A_22) -> (i32)  : i32 {
      %mul3A_31 = arith.constant 16 : i32
      %mul3A_32 = arith.muli %scan3A_29, %mul3A_31 : i32
      %get3A = arith.constant 0 : i32
      %get3A_33 = arith.index_cast %get3A : i32 to index
      %get3A_34 = arith.index_cast %mul3A_32 : i32 to index
      %get3A_35 = tpu.vector_load %arg6[%get3A_33, %get3A_34] {strides = array<i32>} : memref<16x640xf32, #tpu.memory_space<vmem>>, vector<16xf32>,
      %add3A_36 = arith.addf %broadcast_in_dim3A_3, %get3A_35 : vector<16xf32>
      %mul3A_37 = arith.constant 16 : i32
      %mul3A_38 = arith.muli %scan3A_29, %mul3A_37 : i32
      %get3A_39 = arith.constant 1 : i32
      %get3A_40 = arith.index_cast %get3A_39 : i32 to index
      %get3A_41 = arith.index_cast %mul3A_38 : i32 to index
      %get3A_42 = tpu.vector_load %arg6[%get3A_40, %get3A_41] {strides = array<i32>} : memref<16x640xf32, #tpu.memory_space<vmem>>, vector<16xf32>,
      %add3A_43 = arith.addf %add3A_36, %get3A_42 : vector<16xf32>
      %mul3A_44 = arith.constant 16 : i32
      %mul3A_45 = arith.muli %scan3A_29, %mul3A_44 : i32
      %get3A_46 = arith.constant 2 : i32
      %get3A_47 = arith.index_cast %get3A_46 : i32 to index
      %get3A_48 = arith.index_cast %mul3A_45 : i32 to index
      %get3A_49 = tpu.vector_load %arg6[%get3A_47, %get3A_48] {strides = array<i32>} : memref<16x640xf32, #tpu.memory_space<vmem>>, vector<16xf32>,
      %add3A_50 = arith.addf %add3A_43, %get3A_49 : vector<16xf32>
      %mul3A_51 = arith.constant 16 : i32
      %mul3A_52 = arith.muli %scan3A_29, %mul3A_51 : i32
      %get3A_53 = arith.constant 3 : i32
      %get3A_54 = arith.index_cast %get3A_53 : i32 to index
      %get3A_55 = arith.index_cast %mul3A_52 : i32 to index
      %get3A_56 = tpu.vector_load %arg6[%get3A_54, %get3A_55] {strides = array<i32>} : memref<16x640xf32, #tpu.memory_space<vmem>>, vector<16xf32>,
      %add3A_57 = arith.addf %add3A_50, %get3A_56 : vector<16xf32>
      %mul3A_58 = arith.constant 16 : i32
      %mul3A_59 = arith.muli %scan3A_29, %mul3A_58 : i32
      %get3A_60 = arith.constant 4 : i32
      %get3A_61 = arith.index_cast %get3A_60 : i32 to index
      %get3A_62 = arith.index_cast %mul3A_59 : i32 to index
      %get3A_63 = tpu.vector_load %arg6[%get3A_61, %get3A_62] {strides = array<i32>} : memref<16x640xf32, #tpu.memory_space<vmem>>, vector<16xf32>,
      %add3A_64 = arith.addf %add3A_57, %get3A_63 : vector<16xf32>
      %mul3A_65 = arith.constant 16 : i32
      %mul3A_66 = arith.muli %scan3A_29, %mul3A_65 : i32
      %get3A_67 = arith.constant 5 : i32
      %get3A_68 = arith.index_cast %get3A_67 : i32 to index
      %get3A_69 = arith.index_cast %mul3A_66 : i32 to index
      %get3A_70 = tpu.vector_load %arg6[%get3A_68, %get3A_69] {strides = array<i32>} : memref<16x640xf32, #tpu.memory_space<vmem>>, vector<16xf32>,
      %add3A_71 = arith.addf %add3A_64, %get3A_70 : vector<16xf32>
      %mul3A_72 = arith.constant 16 : i32
      %mul3A_73 = arith.muli %scan3A_29, %mul3A_72 : i32
      %get3A_74 = arith.constant 6 : i32
      %get3A_75 = arith.index_cast %get3A_74 : i32 to index
      %get3A_76 = arith.index_cast %mul3A_73 : i32 to index
      %get3A_77 = tpu.vector_load %arg6[%get3A_75, %get3A_76] {strides = array<i32>} : memref<16x640xf32, #tpu.memory_space<vmem>>, vector<16xf32>,
      %add3A_78 = arith.addf %add3A_71, %get3A_77 : vector<16xf32>
      %mul3A_79 = arith.constant 16 : i32
      %mul3A_80 = arith.muli %scan3A_29, %mul3A_79 : i32
      %get3A_81 = arith.constant 7 : i32
      %get3A_82 = arith.index_cast %get3A_81 : i32 to index
      %get3A_83 = arith.index_cast %mul3A_80 : i32 to index
      %get3A_84 = tpu.vector_load %arg6[%get3A_82, %get3A_83] {strides = array<i32>} : memref<16x640xf32, #tpu.memory_space<vmem>>, vector<16xf32>,
      %add3A_85 = arith.addf %add3A_78, %get3A_84 : vector<16xf32>
      %mul3A_86 = arith.constant 16 : i32
      %mul3A_87 = arith.muli %scan3A_29, %mul3A_86 : i32
      %get3A_88 = arith.constant 8 : i32
      %get3A_89 = arith.index_cast %get3A_88 : i32 to index
      %get3A_90 = arith.index_cast %mul3A_87 : i32 to index
      %get3A_91 = tpu.vector_load %arg6[%get3A_89, %get3A_90] {strides = array<i32>} : memref<16x640xf32, #tpu.memory_space<vmem>>, vector<16xf32>,
      %add3A_92 = arith.addf %add3A_85, %get3A_91 : vector<16xf32>
      %mul3A_93 = arith.constant 16 : i32
      %mul3A_94 = arith.muli %scan3A_29, %mul3A_93 : i32
      %get3A_95 = arith.constant 9 : i32
      %get3A_96 = arith.index_cast %get3A_95 : i32 to index
      %get3A_97 = arith.index_cast %mul3A_94 : i32 to index
      %get3A_98 = tpu.vector_load %arg6[%get3A_96, %get3A_97] {strides = array<i32>} : memref<16x640xf32, #tpu.memory_space<vmem>>, vector<16xf32>,
      %add3A_99 = arith.addf %add3A_92, %get3A_98 : vector<16xf32>
      %mul3A_100 = arith.constant 16 : i32
      %mul3A_101 = arith.muli %scan3A_29, %mul3A_100 : i32
      %get3A_102 = arith.constant 10 : i32
      %get3A_103 = arith.index_cast %get3A_102 : i32 to index
      %get3A_104 = arith.index_cast %mul3A_101 : i32 to index
      %get3A_105 = tpu.vector_load %arg6[%get3A_103, %get3A_104] {strides = array<i32>} : memref<16x640xf32, #tpu.memory_space<vmem>>, vector<16xf32>,
      %add3A_106 = arith.addf %add3A_99, %get3A_105 : vector<16xf32>
      %mul3A_107 = arith.constant 16 : i32
      %mul3A_108 = arith.muli %scan3A_29, %mul3A_107 : i32
      %get3A_109 = arith.constant 11 : i32
      %get3A_110 = arith.index_cast %get3A_109 : i32 to index
      %get3A_111 = arith.index_cast %mul3A_108 : i32 to index
      %get3A_112 = tpu.vector_load %arg6[%get3A_110, %get3A_111] {strides = array<i32>} : memref<16x640xf32, #tpu.memory_space<vmem>>, vector<16xf32>,
      %add3A_113 = arith.addf %add3A_106, %get3A_112 : vector<16xf32>
      %mul3A_114 = arith.constant 16 : i32
      %mul3A_115 = arith.muli %scan3A_29, %mul3A_114 : i32
      %get3A_116 = arith.constant 12 : i32
      %get3A_117 = arith.index_cast %get3A_116 : i32 to index
      %get3A_118 = arith.index_cast %mul3A_115 : i32 to index
      %get3A_119 = tpu.vector_load %arg6[%get3A_117, %get3A_118] {strides = array<i32>} : memref<16x640xf32, #tpu.memory_space<vmem>>, vector<16xf32>,
      %add3A_120 = arith.addf %add3A_113, %get3A_119 : vector<16xf32>
      %mul3A_121 = arith.constant 16 : i32
      %mul3A_122 = arith.muli %scan3A_29, %mul3A_121 : i32
      %get3A_123 = arith.constant 13 : i32
      %get3A_124 = arith.index_cast %get3A_123 : i32 to index
      %get3A_125 = arith.index_cast %mul3A_122 : i32 to index
      %get3A_126 = tpu.vector_load %arg6[%get3A_124, %get3A_125] {strides = array<i32>} : memref<16x640xf32, #tpu.memory_space<vmem>>, vector<16xf32>,
      %add3A_127 = arith.addf %add3A_120, %get3A_126 : vector<16xf32>
      %mul3A_128 = arith.constant 16 : i32
      %mul3A_129 = arith.muli %scan3A_29, %mul3A_128 : i32
      %get3A_130 = arith.constant 14 : i32
      %get3A_131 = arith.index_cast %get3A_130 : i32 to index
      %get3A_132 = arith.index_cast %mul3A_129 : i32 to index
      %get3A_133 = tpu.vector_load %arg6[%get3A_131, %get3A_132] {strides = array<i32>} : memref<16x640xf32, #tpu.memory_space<vmem>>, vector<16xf32>,
      %add3A_134 = arith.addf %add3A_127, %get3A_133 : vector<16xf32>
      %mul3A_135 = arith.constant 16 : i32
      %mul3A_136 = arith.muli %scan3A_29, %mul3A_135 : i32
      %get3A_137 = arith.constant 15 : i32
      %get3A_138 = arith.index_cast %get3A_137 : i32 to index
      %get3A_139 = arith.index_cast %mul3A_136 : i32 to index
      %get3A_140 = tpu.vector_load %arg6[%get3A_138, %get3A_139] {strides = array<i32>} : memref<16x640xf32, #tpu.memory_space<vmem>>, vector<16xf32>,
      %add3A_141 = arith.addf %add3A_134, %get3A_140 : vector<16xf32>
      %mul3A_142 = arith.constant 16 : i32
      %mul3A_143 = arith.muli %scan3A_29, %mul3A_142 : i32
      %swap3A = arith.index_cast %mul3A_143 : i32 to index
      %swap3A_144 = tpu.vector_load %arg7[%swap3A] {strides = array<i32>} : memref<640xf32, #tpu.memory_space<vmem>>, vector<16xf32>,
      tpu.vector_store %arg7[%swap3A], %add3A_141 {strides = array<i32>} : memref<640xf32, #tpu.memory_space<vmem>>, vector<16xf32>,
      %scan3A_145 = arith.constant 0 : i32
      scf.yield %scan3A_145 : i32
    }
    %scan3A_28 = arith.constant 40 : i32
    %run_scoped3A = arith.constant 0 : i32
    "tpu.region"() ({
      %run_scoped3A_29 = tpu.sem_alloc : memref<!tpu.dma_semaphore, #tpu.memory_space<semaphore_mem>>
      %dma_start3A = tpu.memref_slice %arg3[%arg0, %run_scoped3A, %multiple_of3A_21] : memref<2x8x10240xf32, #tpu.memory_space<hbm>> -> memref<1x1x640xf32, #tpu.memory_space<hbm>>
      %dma_start3A_30 = tpu.memref_squeeze %dma_start3A : memref<1x1x640xf32, #tpu.memory_space<hbm>> -> memref<640xf32, #tpu.memory_space<hbm>>
      %dma_start3A_31 = tpu.memref_slice %arg3[%arg0, %run_scoped3A, %multiple_of3A_21] : memref<2x8x10240xf32, #tpu.memory_space<hbm>> -> memref<1x1x640xf32, #tpu.memory_space<hbm>>
      %dma_start3A_32 = tpu.memref_squeeze %dma_start3A_31 : memref<1x1x640xf32, #tpu.memory_space<hbm>> -> memref<640xf32, #tpu.memory_space<hbm>>
      tpu.enqueue_dma source(%arg7 : memref<640xf32, #tpu.memory_space<vmem>>) target(%dma_start3A_32 : memref<640xf32, #tpu.memory_space<hbm>>) target_semaphore(%run_scoped3A_29 : memref<!tpu.dma_semaphore, #tpu.memory_space<semaphore_mem>>)
      %dma_wait3A = tpu.memref_slice %arg3[%arg0, %run_scoped3A, %multiple_of3A_21] : memref<2x8x10240xf32, #tpu.memory_space<hbm>> -> memref<1x1x640xf32, #tpu.memory_space<hbm>>
      %dma_wait3A_33 = tpu.memref_squeeze %dma_wait3A : memref<1x1x640xf32, #tpu.memory_space<hbm>> -> memref<640xf32, #tpu.memory_space<hbm>>
      %dma_wait3A_34 = tpu.memref_slice %arg3[%arg0, %run_scoped3A, %multiple_of3A_21] : memref<2x8x10240xf32, #tpu.memory_space<hbm>> -> memref<1x1x640xf32, #tpu.memory_space<hbm>>
      %dma_wait3A_35 = tpu.memref_squeeze %dma_wait3A_34 : memref<1x1x640xf32, #tpu.memory_space<hbm>> -> memref<640xf32, #tpu.memory_space<hbm>>
      tpu.wait_dma2 semaphore(%run_scoped3A_29 : memref<!tpu.dma_semaphore, #tpu.memory_space<semaphore_mem>>) src(%arg7 : memref<640xf32, #tpu.memory_space<vmem>>) dst(%dma_wait3A_35 : memref<640xf32, #tpu.memory_space<hbm>>)
      tpu.yield
    }) : () -> ()
    return
  }
}

#map = affine_map<(d0, d1) -> (0, 0)>
#map1 = affine_map<(d0, d1) -> (0)>
#map2 = affine_map<(d0, d1) -> (0, 0, 0)>
module attributes {stable_mosaic.version = 14 : i64} {
  func.func @body(%arg0: i32, %arg1: i32, %arg2: memref<10000x128xf32, #tpu.memory_space<hbm>>, %arg3: memref<320000xi32, #tpu.memory_space<hbm>>, %arg4: memref<32x96x104xi32, #tpu.memory_space<hbm>>, %arg5: memref<32x16xi32, #tpu.memory_space<hbm>>, %arg6: memref<2x10000x128xf32, #tpu.memory_space<hbm>>, %arg7: memref<96x104xi32, #tpu.memory_space<vmem>>, %arg8: memref<16xi32, #tpu.memory_space<vmem>>, %arg9: memref<104x128xf32, #tpu.memory_space<vmem>>, %arg10: memref<10000x128xf32, #tpu.memory_space<vmem_shared>>, %arg11: memref<10000xi32, #tpu.memory_space<vmem>>, %arg12: memref<104x128xf32, #tpu.memory_space<vmem>>, %arg13: memref<!tpu.dma_semaphore, #tpu.memory_space<semaphore_mem>>, %arg14: memref<!tpu.dma_semaphore, #tpu.memory_space<semaphore_mem>>, %arg15: memref<!tpu.dma_semaphore, #tpu.memory_space<semaphore_mem>>, %arg16: memref<!tpu.dma_semaphore, #tpu.memory_space<semaphore_mem>>) attributes {dimension_semantics = [#tpu.dimension_semantics<core_parallel>, #tpu.dimension_semantics<subcore_parallel>], iteration_bounds = array<i64: 2, 16>, scalar_prefetch = 0 : i64, scratch_operands = 10 : i64, tpu.core_type = #tpu.core_type<sc_vector_subcore>, window_params = [{transform_indices = #map}, {transform_indices = #map1}, {transform_indices = #map2}, {transform_indices = #map}, {transform_indices = #map2}]} {
    %mul3A = arith.constant 16 : i32
    %mul3A_0 = arith.muli %arg0, %mul3A : i32
    %add3A = arith.addi %mul3A_0, %arg1 : i32
    "tpu.region"() ({
      %run_scoped3A_82 = tpu.sem_alloc : memref<!tpu.dma_semaphore, #tpu.memory_space<semaphore_mem>>
      %dma_start3A_83 = arith.constant 0 : i32
      %dma_start3A_84 = arith.constant 0 : i32
      %dma_start3A_85 = tpu.memref_slice %arg4[%add3A, %dma_start3A_83, %dma_start3A_84] : memref<32x96x104xi32, #tpu.memory_space<hbm>> -> memref<1x96x104xi32, #tpu.memory_space<hbm>>
      %dma_start3A_86 = tpu.memref_squeeze %dma_start3A_85 : memref<1x96x104xi32, #tpu.memory_space<hbm>> -> memref<96x104xi32, #tpu.memory_space<hbm>>
      %dma_start3A_87 = arith.constant 0 : i32
      %dma_start3A_88 = arith.constant 0 : i32
      %dma_start3A_89 = tpu.memref_slice %arg4[%add3A, %dma_start3A_87, %dma_start3A_88] : memref<32x96x104xi32, #tpu.memory_space<hbm>> -> memref<1x96x104xi32, #tpu.memory_space<hbm>>
      %dma_start3A_90 = tpu.memref_squeeze %dma_start3A_89 : memref<1x96x104xi32, #tpu.memory_space<hbm>> -> memref<96x104xi32, #tpu.memory_space<hbm>>
      tpu.enqueue_dma source(%dma_start3A_90 : memref<96x104xi32, #tpu.memory_space<hbm>>) target(%arg7 : memref<96x104xi32, #tpu.memory_space<vmem>>) target_semaphore(%run_scoped3A_82 : memref<!tpu.dma_semaphore, #tpu.memory_space<semaphore_mem>>)
      %dma_wait3A_91 = arith.constant 0 : i32
      %dma_wait3A_92 = arith.constant 0 : i32
      %dma_wait3A_93 = tpu.memref_slice %arg4[%add3A, %dma_wait3A_91, %dma_wait3A_92] : memref<32x96x104xi32, #tpu.memory_space<hbm>> -> memref<1x96x104xi32, #tpu.memory_space<hbm>>
      %dma_wait3A_94 = tpu.memref_squeeze %dma_wait3A_93 : memref<1x96x104xi32, #tpu.memory_space<hbm>> -> memref<96x104xi32, #tpu.memory_space<hbm>>
      %dma_wait3A_95 = arith.constant 0 : i32
      %dma_wait3A_96 = arith.constant 0 : i32
      %dma_wait3A_97 = tpu.memref_slice %arg4[%add3A, %dma_wait3A_95, %dma_wait3A_96] : memref<32x96x104xi32, #tpu.memory_space<hbm>> -> memref<1x96x104xi32, #tpu.memory_space<hbm>>
      %dma_wait3A_98 = tpu.memref_squeeze %dma_wait3A_97 : memref<1x96x104xi32, #tpu.memory_space<hbm>> -> memref<96x104xi32, #tpu.memory_space<hbm>>
      tpu.wait_dma2 semaphore(%run_scoped3A_82 : memref<!tpu.dma_semaphore, #tpu.memory_space<semaphore_mem>>) src(%dma_wait3A_98 : memref<96x104xi32, #tpu.memory_space<hbm>>) dst(%arg7 : memref<96x104xi32, #tpu.memory_space<vmem>>)
      tpu.yield
    }) : () -> ()
    "tpu.region"() ({
      %run_scoped3A_82 = tpu.sem_alloc : memref<!tpu.dma_semaphore, #tpu.memory_space<semaphore_mem>>
      %dma_start3A_83 = arith.constant 0 : i32
      %dma_start3A_84 = tpu.memref_slice %arg5[%add3A, %dma_start3A_83] : memref<32x16xi32, #tpu.memory_space<hbm>> -> memref<1x16xi32, #tpu.memory_space<hbm>>
      %dma_start3A_85 = tpu.memref_squeeze %dma_start3A_84 : memref<1x16xi32, #tpu.memory_space<hbm>> -> memref<16xi32, #tpu.memory_space<hbm>>
      %dma_start3A_86 = arith.constant 0 : i32
      %dma_start3A_87 = tpu.memref_slice %arg5[%add3A, %dma_start3A_86] : memref<32x16xi32, #tpu.memory_space<hbm>> -> memref<1x16xi32, #tpu.memory_space<hbm>>
      %dma_start3A_88 = tpu.memref_squeeze %dma_start3A_87 : memref<1x16xi32, #tpu.memory_space<hbm>> -> memref<16xi32, #tpu.memory_space<hbm>>
      tpu.enqueue_dma source(%dma_start3A_88 : memref<16xi32, #tpu.memory_space<hbm>>) target(%arg8 : memref<16xi32, #tpu.memory_space<vmem>>) target_semaphore(%run_scoped3A_82 : memref<!tpu.dma_semaphore, #tpu.memory_space<semaphore_mem>>)
      %dma_wait3A_89 = arith.constant 0 : i32
      %dma_wait3A_90 = tpu.memref_slice %arg5[%add3A, %dma_wait3A_89] : memref<32x16xi32, #tpu.memory_space<hbm>> -> memref<1x16xi32, #tpu.memory_space<hbm>>
      %dma_wait3A_91 = tpu.memref_squeeze %dma_wait3A_90 : memref<1x16xi32, #tpu.memory_space<hbm>> -> memref<16xi32, #tpu.memory_space<hbm>>
      %dma_wait3A_92 = arith.constant 0 : i32
      %dma_wait3A_93 = tpu.memref_slice %arg5[%add3A, %dma_wait3A_92] : memref<32x16xi32, #tpu.memory_space<hbm>> -> memref<1x16xi32, #tpu.memory_space<hbm>>
      %dma_wait3A_94 = tpu.memref_squeeze %dma_wait3A_93 : memref<1x16xi32, #tpu.memory_space<hbm>> -> memref<16xi32, #tpu.memory_space<hbm>>
      tpu.wait_dma2 semaphore(%run_scoped3A_82 : memref<!tpu.dma_semaphore, #tpu.memory_space<semaphore_mem>>) src(%dma_wait3A_94 : memref<16xi32, #tpu.memory_space<hbm>>) dst(%arg8 : memref<16xi32, #tpu.memory_space<vmem>>)
      tpu.yield
    }) : () -> ()
    %mul3A_1 = arith.constant 10000 : i32
    %mul3A_2 = arith.muli %add3A, %mul3A_1 : i32
    %multiple_of3A = tpu.assume_multiple %mul3A_2, 8 : i32
    "tpu.region"() ({
      %run_scoped3A_82 = tpu.sem_alloc : memref<!tpu.dma_semaphore, #tpu.memory_space<semaphore_mem>>
      %dma_start3A_83 = tpu.memref_slice %arg3[%multiple_of3A] : memref<320000xi32, #tpu.memory_space<hbm>> -> memref<10000xi32, #tpu.memory_space<hbm>>
      %dma_start3A_84 = tpu.memref_slice %arg3[%multiple_of3A] : memref<320000xi32, #tpu.memory_space<hbm>> -> memref<10000xi32, #tpu.memory_space<hbm>>
      tpu.enqueue_dma source(%dma_start3A_84 : memref<10000xi32, #tpu.memory_space<hbm>>) target(%arg11 : memref<10000xi32, #tpu.memory_space<vmem>>) target_semaphore(%run_scoped3A_82 : memref<!tpu.dma_semaphore, #tpu.memory_space<semaphore_mem>>)
      %dma_wait3A_85 = tpu.memref_slice %arg3[%multiple_of3A] : memref<320000xi32, #tpu.memory_space<hbm>> -> memref<10000xi32, #tpu.memory_space<hbm>>
      %dma_wait3A_86 = tpu.memref_slice %arg3[%multiple_of3A] : memref<320000xi32, #tpu.memory_space<hbm>> -> memref<10000xi32, #tpu.memory_space<hbm>>
      tpu.wait_dma2 semaphore(%run_scoped3A_82 : memref<!tpu.dma_semaphore, #tpu.memory_space<semaphore_mem>>) src(%dma_wait3A_86 : memref<10000xi32, #tpu.memory_space<hbm>>) dst(%arg11 : memref<10000xi32, #tpu.memory_space<vmem>>)
      tpu.yield
    }) : () -> ()
    %scan3A = arith.constant 0 : i32
    %scan3A_3 = arith.constant 0 : i32
    %scan3A_4 = arith.constant 832 : i32
    %scan3A_5 = arith.addi %scan3A_3, %scan3A_4 : i32
    %scan3A_6 = arith.constant 1 : i32
    %scan3A_7 = scf.for %scan3A_82 = %scan3A_3 to %scan3A_5 step %scan3A_6 iter_args(%scan3A_83 = %scan3A) -> (i32)  : i32 {
      %broadcast_in_dim3A = arith.constant 0.000000e+00 : f32
      %broadcast_in_dim3A_84 = vector.broadcast %broadcast_in_dim3A : f32 to vector<16xf32>
      %jit3A = arith.constant 8 : i32
      %div3A = arith.divsi %scan3A_82, %jit3A : i32
      %sign3A = arith.constant 0 : i32
      %sign3A_85 = arith.cmpi sgt, %scan3A_82, %sign3A : i32
      %sign3A_86 = arith.extui %sign3A_85 : i1 to i32
      %sign3A_87 = arith.constant 0 : i32
      %sign3A_88 = arith.cmpi slt, %scan3A_82, %sign3A_87 : i32
      %sign3A_89 = arith.extui %sign3A_88 : i1 to i32
      %sign3A_90 = arith.subi %sign3A_86, %sign3A_89 : i32
      %sign3A_91 = arith.constant 0 : i32
      %sign3A_92 = arith.cmpi sgt, %jit3A, %sign3A_91 : i32
      %sign3A_93 = arith.extui %sign3A_92 : i1 to i32
      %sign3A_94 = arith.constant 0 : i32
      %sign3A_95 = arith.cmpi slt, %jit3A, %sign3A_94 : i32
      %sign3A_96 = arith.extui %sign3A_95 : i1 to i32
      %sign3A_97 = arith.subi %sign3A_93, %sign3A_96 : i32
      %ne3A = arith.cmpi ne, %sign3A_90, %sign3A_97 : i32
      %rem3A = arith.remsi %scan3A_82, %jit3A : i32
      %ne3A_98 = arith.constant 0 : i32
      %ne3A_99 = arith.cmpi ne, %rem3A, %ne3A_98 : i32
      %and3A = arith.andi %ne3A, %ne3A_99 : i1
      %sub3A = arith.constant 1 : i32
      %sub3A_100 = arith.subi %div3A, %sub3A : i32
      %select_n3A = arith.select %and3A, %sub3A_100, %div3A : i32
      %jit3A_101 = arith.constant 8 : i32
      %eq3A = arith.constant 0 : i32
      %eq3A_102 = arith.cmpi eq, %jit3A_101, %eq3A : i32
      %jit3A_103 = arith.constant 1 : i32
      %select_n3A_104 = arith.select %eq3A_102, %jit3A_103, %jit3A_101 : i32
      %rem3A_105 = arith.remsi %scan3A_82, %select_n3A_104 : i32
      %ne3A_106 = arith.constant 0 : i32
      %ne3A_107 = arith.cmpi ne, %rem3A_105, %ne3A_106 : i32
      %lt3A = arith.constant 0 : i32
      %lt3A_108 = arith.cmpi slt, %rem3A_105, %lt3A : i32
      %lt3A_109 = arith.constant 0 : i32
      %lt3A_110 = arith.cmpi slt, %select_n3A_104, %lt3A_109 : i32
      %ne3A_111 = arith.xori %lt3A_108, %lt3A_110 : i1
      %and3A_112 = arith.andi %ne3A_111, %ne3A_107 : i1
      %add3A_113 = arith.addi %rem3A_105, %select_n3A_104 : i32
      %select_n3A_114 = arith.select %and3A_112, %add3A_113, %rem3A_105 : i32
      %mul3A_115 = arith.constant 16 : i32
      %mul3A_116 = arith.muli %select_n3A_114, %mul3A_115 : i32
      %swap3A = arith.index_cast %select_n3A : i32 to index
      %swap3A_117 = arith.index_cast %mul3A_116 : i32 to index
      %swap3A_118 = tpu.vector_load %arg12[%swap3A, %swap3A_117] {strides = array<i32>} : memref<104x128xf32, #tpu.memory_space<vmem>>, vector<1x16xf32>,
      %swap3A_119 = vector.shape_cast %swap3A_118 : vector<1x16xf32> to vector<16xf32>
      %swap3A_120 = vector.shape_cast %broadcast_in_dim3A_84 : vector<16xf32> to vector<1x16xf32>
      tpu.vector_store %arg12[%swap3A, %swap3A_117], %swap3A_120 {strides = array<i32>} : memref<104x128xf32, #tpu.memory_space<vmem>>, vector<1x16xf32>,
      %scan3A_121 = arith.constant 0 : i32
      scf.yield %scan3A_121 : i32
    }
    %scan3A_8 = arith.constant 832 : i32
    %mul3A_9 = arith.constant 624 : i32
    %mul3A_10 = arith.muli %arg1, %mul3A_9 : i32
    %add3A_11 = arith.constant 0 : i32
    %add3A_12 = arith.addi %mul3A_10, %add3A_11 : i32
    "tpu.region"() ({
      %run_scoped3A_82 = tpu.sem_alloc : memref<!tpu.dma_semaphore, #tpu.memory_space<semaphore_mem>>
      %dma_start3A_83 = arith.constant 0 : i32
      %dma_start3A_84 = tpu.memref_slice %arg10[%add3A_12, %dma_start3A_83] : memref<10000x128xf32, #tpu.memory_space<vmem_shared>> -> memref<104x128xf32, #tpu.memory_space<vmem_shared>>
      %dma_start3A_85 = arith.constant 0 : i32
      %dma_start3A_86 = tpu.memref_slice %arg10[%add3A_12, %dma_start3A_85] : memref<10000x128xf32, #tpu.memory_space<vmem_shared>> -> memref<104x128xf32, #tpu.memory_space<vmem_shared>>
      tpu.enqueue_dma source(%arg12 : memref<104x128xf32, #tpu.memory_space<vmem>>) target(%dma_start3A_86 : memref<104x128xf32, #tpu.memory_space<vmem_shared>>) target_semaphore(%run_scoped3A_82 : memref<!tpu.dma_semaphore, #tpu.memory_space<semaphore_mem>>)
      %dma_wait3A_87 = arith.constant 0 : i32
      %dma_wait3A_88 = tpu.memref_slice %arg10[%add3A_12, %dma_wait3A_87] : memref<10000x128xf32, #tpu.memory_space<vmem_shared>> -> memref<104x128xf32, #tpu.memory_space<vmem_shared>>
      %dma_wait3A_89 = arith.constant 0 : i32
      %dma_wait3A_90 = tpu.memref_slice %arg10[%add3A_12, %dma_wait3A_89] : memref<10000x128xf32, #tpu.memory_space<vmem_shared>> -> memref<104x128xf32, #tpu.memory_space<vmem_shared>>
      tpu.wait_dma2 semaphore(%run_scoped3A_82 : memref<!tpu.dma_semaphore, #tpu.memory_space<semaphore_mem>>) src(%arg12 : memref<104x128xf32, #tpu.memory_space<vmem>>) dst(%dma_wait3A_90 : memref<104x128xf32, #tpu.memory_space<vmem_shared>>)
      tpu.yield
    }) : () -> ()
    %mul3A_13 = arith.constant 624 : i32
    %mul3A_14 = arith.muli %arg1, %mul3A_13 : i32
    %add3A_15 = arith.constant 104 : i32
    %add3A_16 = arith.addi %mul3A_14, %add3A_15 : i32
    "tpu.region"() ({
      %run_scoped3A_82 = tpu.sem_alloc : memref<!tpu.dma_semaphore, #tpu.memory_space<semaphore_mem>>
      %dma_start3A_83 = arith.constant 0 : i32
      %dma_start3A_84 = tpu.memref_slice %arg10[%add3A_16, %dma_start3A_83] : memref<10000x128xf32, #tpu.memory_space<vmem_shared>> -> memref<104x128xf32, #tpu.memory_space<vmem_shared>>
      %dma_start3A_85 = arith.constant 0 : i32
      %dma_start3A_86 = tpu.memref_slice %arg10[%add3A_16, %dma_start3A_85] : memref<10000x128xf32, #tpu.memory_space<vmem_shared>> -> memref<104x128xf32, #tpu.memory_space<vmem_shared>>
      tpu.enqueue_dma source(%arg12 : memref<104x128xf32, #tpu.memory_space<vmem>>) target(%dma_start3A_86 : memref<104x128xf32, #tpu.memory_space<vmem_shared>>) target_semaphore(%run_scoped3A_82 : memref<!tpu.dma_semaphore, #tpu.memory_space<semaphore_mem>>)
      %dma_wait3A_87 = arith.constant 0 : i32
      %dma_wait3A_88 = tpu.memref_slice %arg10[%add3A_16, %dma_wait3A_87] : memref<10000x128xf32, #tpu.memory_space<vmem_shared>> -> memref<104x128xf32, #tpu.memory_space<vmem_shared>>
      %dma_wait3A_89 = arith.constant 0 : i32
      %dma_wait3A_90 = tpu.memref_slice %arg10[%add3A_16, %dma_wait3A_89] : memref<10000x128xf32, #tpu.memory_space<vmem_shared>> -> memref<104x128xf32, #tpu.memory_space<vmem_shared>>
      tpu.wait_dma2 semaphore(%run_scoped3A_82 : memref<!tpu.dma_semaphore, #tpu.memory_space<semaphore_mem>>) src(%arg12 : memref<104x128xf32, #tpu.memory_space<vmem>>) dst(%dma_wait3A_90 : memref<104x128xf32, #tpu.memory_space<vmem_shared>>)
      tpu.yield
    }) : () -> ()
    %mul3A_17 = arith.constant 624 : i32
    %mul3A_18 = arith.muli %arg1, %mul3A_17 : i32
    %add3A_19 = arith.constant 208 : i32
    %add3A_20 = arith.addi %mul3A_18, %add3A_19 : i32
    "tpu.region"() ({
      %run_scoped3A_82 = tpu.sem_alloc : memref<!tpu.dma_semaphore, #tpu.memory_space<semaphore_mem>>
      %dma_start3A_83 = arith.constant 0 : i32
      %dma_start3A_84 = tpu.memref_slice %arg10[%add3A_20, %dma_start3A_83] : memref<10000x128xf32, #tpu.memory_space<vmem_shared>> -> memref<104x128xf32, #tpu.memory_space<vmem_shared>>
      %dma_start3A_85 = arith.constant 0 : i32
      %dma_start3A_86 = tpu.memref_slice %arg10[%add3A_20, %dma_start3A_85] : memref<10000x128xf32, #tpu.memory_space<vmem_shared>> -> memref<104x128xf32, #tpu.memory_space<vmem_shared>>
      tpu.enqueue_dma source(%arg12 : memref<104x128xf32, #tpu.memory_space<vmem>>) target(%dma_start3A_86 : memref<104x128xf32, #tpu.memory_space<vmem_shared>>) target_semaphore(%run_scoped3A_82 : memref<!tpu.dma_semaphore, #tpu.memory_space<semaphore_mem>>)
      %dma_wait3A_87 = arith.constant 0 : i32
      %dma_wait3A_88 = tpu.memref_slice %arg10[%add3A_20, %dma_wait3A_87] : memref<10000x128xf32, #tpu.memory_space<vmem_shared>> -> memref<104x128xf32, #tpu.memory_space<vmem_shared>>
      %dma_wait3A_89 = arith.constant 0 : i32
      %dma_wait3A_90 = tpu.memref_slice %arg10[%add3A_20, %dma_wait3A_89] : memref<10000x128xf32, #tpu.memory_space<vmem_shared>> -> memref<104x128xf32, #tpu.memory_space<vmem_shared>>
      tpu.wait_dma2 semaphore(%run_scoped3A_82 : memref<!tpu.dma_semaphore, #tpu.memory_space<semaphore_mem>>) src(%arg12 : memref<104x128xf32, #tpu.memory_space<vmem>>) dst(%dma_wait3A_90 : memref<104x128xf32, #tpu.memory_space<vmem_shared>>)
      tpu.yield
    }) : () -> ()
    %mul3A_21 = arith.constant 624 : i32
    %mul3A_22 = arith.muli %arg1, %mul3A_21 : i32
    %add3A_23 = arith.constant 312 : i32
    %add3A_24 = arith.addi %mul3A_22, %add3A_23 : i32
    "tpu.region"() ({
      %run_scoped3A_82 = tpu.sem_alloc : memref<!tpu.dma_semaphore, #tpu.memory_space<semaphore_mem>>
      %dma_start3A_83 = arith.constant 0 : i32
      %dma_start3A_84 = tpu.memref_slice %arg10[%add3A_24, %dma_start3A_83] : memref<10000x128xf32, #tpu.memory_space<vmem_shared>> -> memref<104x128xf32, #tpu.memory_space<vmem_shared>>
      %dma_start3A_85 = arith.constant 0 : i32
      %dma_start3A_86 = tpu.memref_slice %arg10[%add3A_24, %dma_start3A_85] : memref<10000x128xf32, #tpu.memory_space<vmem_shared>> -> memref<104x128xf32, #tpu.memory_space<vmem_shared>>
      tpu.enqueue_dma source(%arg12 : memref<104x128xf32, #tpu.memory_space<vmem>>) target(%dma_start3A_86 : memref<104x128xf32, #tpu.memory_space<vmem_shared>>) target_semaphore(%run_scoped3A_82 : memref<!tpu.dma_semaphore, #tpu.memory_space<semaphore_mem>>)
      %dma_wait3A_87 = arith.constant 0 : i32
      %dma_wait3A_88 = tpu.memref_slice %arg10[%add3A_24, %dma_wait3A_87] : memref<10000x128xf32, #tpu.memory_space<vmem_shared>> -> memref<104x128xf32, #tpu.memory_space<vmem_shared>>
      %dma_wait3A_89 = arith.constant 0 : i32
      %dma_wait3A_90 = tpu.memref_slice %arg10[%add3A_24, %dma_wait3A_89] : memref<10000x128xf32, #tpu.memory_space<vmem_shared>> -> memref<104x128xf32, #tpu.memory_space<vmem_shared>>
      tpu.wait_dma2 semaphore(%run_scoped3A_82 : memref<!tpu.dma_semaphore, #tpu.memory_space<semaphore_mem>>) src(%arg12 : memref<104x128xf32, #tpu.memory_space<vmem>>) dst(%dma_wait3A_90 : memref<104x128xf32, #tpu.memory_space<vmem_shared>>)
      tpu.yield
    }) : () -> ()
    %mul3A_25 = arith.constant 624 : i32
    %mul3A_26 = arith.muli %arg1, %mul3A_25 : i32
    %add3A_27 = arith.constant 416 : i32
    %add3A_28 = arith.addi %mul3A_26, %add3A_27 : i32
    "tpu.region"() ({
      %run_scoped3A_82 = tpu.sem_alloc : memref<!tpu.dma_semaphore, #tpu.memory_space<semaphore_mem>>
      %dma_start3A_83 = arith.constant 0 : i32
      %dma_start3A_84 = tpu.memref_slice %arg10[%add3A_28, %dma_start3A_83] : memref<10000x128xf32, #tpu.memory_space<vmem_shared>> -> memref<104x128xf32, #tpu.memory_space<vmem_shared>>
      %dma_start3A_85 = arith.constant 0 : i32
      %dma_start3A_86 = tpu.memref_slice %arg10[%add3A_28, %dma_start3A_85] : memref<10000x128xf32, #tpu.memory_space<vmem_shared>> -> memref<104x128xf32, #tpu.memory_space<vmem_shared>>
      tpu.enqueue_dma source(%arg12 : memref<104x128xf32, #tpu.memory_space<vmem>>) target(%dma_start3A_86 : memref<104x128xf32, #tpu.memory_space<vmem_shared>>) target_semaphore(%run_scoped3A_82 : memref<!tpu.dma_semaphore, #tpu.memory_space<semaphore_mem>>)
      %dma_wait3A_87 = arith.constant 0 : i32
      %dma_wait3A_88 = tpu.memref_slice %arg10[%add3A_28, %dma_wait3A_87] : memref<10000x128xf32, #tpu.memory_space<vmem_shared>> -> memref<104x128xf32, #tpu.memory_space<vmem_shared>>
      %dma_wait3A_89 = arith.constant 0 : i32
      %dma_wait3A_90 = tpu.memref_slice %arg10[%add3A_28, %dma_wait3A_89] : memref<10000x128xf32, #tpu.memory_space<vmem_shared>> -> memref<104x128xf32, #tpu.memory_space<vmem_shared>>
      tpu.wait_dma2 semaphore(%run_scoped3A_82 : memref<!tpu.dma_semaphore, #tpu.memory_space<semaphore_mem>>) src(%arg12 : memref<104x128xf32, #tpu.memory_space<vmem>>) dst(%dma_wait3A_90 : memref<104x128xf32, #tpu.memory_space<vmem_shared>>)
      tpu.yield
    }) : () -> ()
    %mul3A_29 = arith.constant 624 : i32
    %mul3A_30 = arith.muli %arg1, %mul3A_29 : i32
    %add3A_31 = arith.constant 520 : i32
    %add3A_32 = arith.addi %mul3A_30, %add3A_31 : i32
    "tpu.region"() ({
      %run_scoped3A_82 = tpu.sem_alloc : memref<!tpu.dma_semaphore, #tpu.memory_space<semaphore_mem>>
      %dma_start3A_83 = arith.constant 0 : i32
      %dma_start3A_84 = tpu.memref_slice %arg10[%add3A_32, %dma_start3A_83] : memref<10000x128xf32, #tpu.memory_space<vmem_shared>> -> memref<104x128xf32, #tpu.memory_space<vmem_shared>>
      %dma_start3A_85 = arith.constant 0 : i32
      %dma_start3A_86 = tpu.memref_slice %arg10[%add3A_32, %dma_start3A_85] : memref<10000x128xf32, #tpu.memory_space<vmem_shared>> -> memref<104x128xf32, #tpu.memory_space<vmem_shared>>
      tpu.enqueue_dma source(%arg12 : memref<104x128xf32, #tpu.memory_space<vmem>>) target(%dma_start3A_86 : memref<104x128xf32, #tpu.memory_space<vmem_shared>>) target_semaphore(%run_scoped3A_82 : memref<!tpu.dma_semaphore, #tpu.memory_space<semaphore_mem>>)
      %dma_wait3A_87 = arith.constant 0 : i32
      %dma_wait3A_88 = tpu.memref_slice %arg10[%add3A_32, %dma_wait3A_87] : memref<10000x128xf32, #tpu.memory_space<vmem_shared>> -> memref<104x128xf32, #tpu.memory_space<vmem_shared>>
      %dma_wait3A_89 = arith.constant 0 : i32
      %dma_wait3A_90 = tpu.memref_slice %arg10[%add3A_32, %dma_wait3A_89] : memref<10000x128xf32, #tpu.memory_space<vmem_shared>> -> memref<104x128xf32, #tpu.memory_space<vmem_shared>>
      tpu.wait_dma2 semaphore(%run_scoped3A_82 : memref<!tpu.dma_semaphore, #tpu.memory_space<semaphore_mem>>) src(%arg12 : memref<104x128xf32, #tpu.memory_space<vmem>>) dst(%dma_wait3A_90 : memref<104x128xf32, #tpu.memory_space<vmem_shared>>)
      tpu.yield
    }) : () -> ()
    "tpu.region"() ({
      %run_scoped3A_82 = tpu.sem_alloc : memref<!tpu.dma_semaphore, #tpu.memory_space<semaphore_mem>>
      %dma_start3A_83 = arith.constant 0 : i32
      %dma_start3A_84 = arith.constant 0 : i32
      %dma_start3A_85 = tpu.memref_slice %arg12[%dma_start3A_83, %dma_start3A_84] : memref<104x128xf32, #tpu.memory_space<vmem>> -> memref<16x128xf32, #tpu.memory_space<vmem>>
      %dma_start3A_86 = arith.constant 9984 : i32
      %dma_start3A_87 = arith.constant 0 : i32
      %dma_start3A_88 = tpu.memref_slice %arg10[%dma_start3A_86, %dma_start3A_87] : memref<10000x128xf32, #tpu.memory_space<vmem_shared>> -> memref<16x128xf32, #tpu.memory_space<vmem_shared>>
      %dma_start3A_89 = arith.constant 9984 : i32
      %dma_start3A_90 = arith.constant 0 : i32
      %dma_start3A_91 = tpu.memref_slice %arg10[%dma_start3A_89, %dma_start3A_90] : memref<10000x128xf32, #tpu.memory_space<vmem_shared>> -> memref<16x128xf32, #tpu.memory_space<vmem_shared>>
      %dma_start3A_92 = arith.constant 0 : i32
      %dma_start3A_93 = arith.constant 0 : i32
      %dma_start3A_94 = tpu.memref_slice %arg12[%dma_start3A_92, %dma_start3A_93] : memref<104x128xf32, #tpu.memory_space<vmem>> -> memref<16x128xf32, #tpu.memory_space<vmem>>
      tpu.enqueue_dma source(%dma_start3A_94 : memref<16x128xf32, #tpu.memory_space<vmem>>) target(%dma_start3A_91 : memref<16x128xf32, #tpu.memory_space<vmem_shared>>) target_semaphore(%run_scoped3A_82 : memref<!tpu.dma_semaphore, #tpu.memory_space<semaphore_mem>>)
      %dma_wait3A_95 = arith.constant 0 : i32
      %dma_wait3A_96 = arith.constant 0 : i32
      %dma_wait3A_97 = tpu.memref_slice %arg12[%dma_wait3A_95, %dma_wait3A_96] : memref<104x128xf32, #tpu.memory_space<vmem>> -> memref<16x128xf32, #tpu.memory_space<vmem>>
      %dma_wait3A_98 = arith.constant 9984 : i32
      %dma_wait3A_99 = arith.constant 0 : i32
      %dma_wait3A_100 = tpu.memref_slice %arg10[%dma_wait3A_98, %dma_wait3A_99] : memref<10000x128xf32, #tpu.memory_space<vmem_shared>> -> memref<16x128xf32, #tpu.memory_space<vmem_shared>>
      %dma_wait3A_101 = arith.constant 9984 : i32
      %dma_wait3A_102 = arith.constant 0 : i32
      %dma_wait3A_103 = tpu.memref_slice %arg10[%dma_wait3A_101, %dma_wait3A_102] : memref<10000x128xf32, #tpu.memory_space<vmem_shared>> -> memref<16x128xf32, #tpu.memory_space<vmem_shared>>
      %dma_wait3A_104 = arith.constant 0 : i32
      %dma_wait3A_105 = arith.constant 0 : i32
      %dma_wait3A_106 = tpu.memref_slice %arg12[%dma_wait3A_104, %dma_wait3A_105] : memref<104x128xf32, #tpu.memory_space<vmem>> -> memref<16x128xf32, #tpu.memory_space<vmem>>
      tpu.wait_dma2 semaphore(%run_scoped3A_82 : memref<!tpu.dma_semaphore, #tpu.memory_space<semaphore_mem>>) src(%dma_wait3A_106 : memref<16x128xf32, #tpu.memory_space<vmem>>) dst(%dma_wait3A_103 : memref<16x128xf32, #tpu.memory_space<vmem_shared>>)
      tpu.yield
    }) : () -> ()
    %barrier3A = arith.constant 0 : index
    tpu.barrier barrier_id(%barrier3A)
    %multiple_of3A_33 = arith.constant 0 : i32
    %multiple_of3A_34 = tpu.assume_multiple %multiple_of3A_33, 8 : i32
    %dma_start3A = tpu.memref_slice %arg11[%multiple_of3A_34] : memref<10000xi32, #tpu.memory_space<vmem>> -> memref<104xi32, #tpu.memory_space<vmem>>
    %dma_start3A_35 = arith.constant 0 : i32
    %dma_start3A_36 = arith.constant 0 : i32
    %dma_start3A_37 = tpu.memref_slice %arg2[%dma_start3A_35, %dma_start3A_36] : memref<10000x128xf32, #tpu.memory_space<hbm>> -> memref<10000x128xf32, #tpu.memory_space<hbm>>
    tpu.enqueue_indirect_dma source(%dma_start3A_37 : memref<10000x128xf32, #tpu.memory_space<hbm>>) target(%arg9 : memref<104x128xf32, #tpu.memory_space<vmem>>) offsets(%dma_start3A : memref<104xi32, #tpu.memory_space<vmem>>) semaphore(%arg13 : memref<!tpu.dma_semaphore, #tpu.memory_space<semaphore_mem>>)
    %scan3A_38 = arith.constant 0 : i32
    %scan3A_39 = arith.constant 0 : i32
    %scan3A_40 = arith.constant 47 : i32
    %scan3A_41 = arith.addi %scan3A_39, %scan3A_40 : i32
    %scan3A_42 = arith.constant 1 : i32
    %scan3A_43 = scf.for %scan3A_82 = %scan3A_39 to %scan3A_41 step %scan3A_42 iter_args(%scan3A_83 = %scan3A_38) -> (i32)  : i32 {
      %mul3A_84 = arith.constant 2 : i32
      %mul3A_85 = arith.muli %mul3A_84, %scan3A_82 : i32
      %add3A_86 = arith.constant 1 : i32
      %add3A_87 = arith.addi %mul3A_85, %add3A_86 : i32
      %mul3A_88 = arith.constant 2 : i32
      %mul3A_89 = arith.muli %mul3A_88, %scan3A_82 : i32
      %add3A_90 = arith.constant 2 : i32
      %add3A_91 = arith.addi %mul3A_89, %add3A_90 : i32
      %mul3A_92 = arith.constant 104 : i32
      %mul3A_93 = arith.muli %add3A_87, %mul3A_92 : i32
      %multiple_of3A_94 = tpu.assume_multiple %mul3A_93, 8 : i32
      %dma_start3A_95 = tpu.memref_slice %arg11[%multiple_of3A_94] : memref<10000xi32, #tpu.memory_space<vmem>> -> memref<104xi32, #tpu.memory_space<vmem>>
      %dma_start3A_96 = arith.constant 0 : i32
      %dma_start3A_97 = arith.constant 0 : i32
      %dma_start3A_98 = tpu.memref_slice %arg2[%dma_start3A_96, %dma_start3A_97] : memref<10000x128xf32, #tpu.memory_space<hbm>> -> memref<10000x128xf32, #tpu.memory_space<hbm>>
      tpu.enqueue_indirect_dma source(%dma_start3A_98 : memref<10000x128xf32, #tpu.memory_space<hbm>>) target(%arg12 : memref<104x128xf32, #tpu.memory_space<vmem>>) offsets(%dma_start3A_95 : memref<104xi32, #tpu.memory_space<vmem>>) semaphore(%arg14 : memref<!tpu.dma_semaphore, #tpu.memory_space<semaphore_mem>>)
      %dma_wait3A_99 = arith.constant 0 : i32
      %dma_wait3A_100 = arith.constant 0 : i32
      %dma_wait3A_101 = tpu.memref_slice %arg7[%dma_wait3A_99, %dma_wait3A_100] : memref<96x104xi32, #tpu.memory_space<vmem>> -> memref<1x104xi32, #tpu.memory_space<vmem>>
      %dma_wait3A_102 = tpu.memref_squeeze %dma_wait3A_101 : memref<1x104xi32, #tpu.memory_space<vmem>> -> memref<104xi32, #tpu.memory_space<vmem>>
      %dma_wait3A_103 = arith.constant 0 : i32
      %dma_wait3A_104 = arith.constant 0 : i32
      %dma_wait3A_105 = tpu.memref_slice %arg2[%dma_wait3A_103, %dma_wait3A_104] : memref<10000x128xf32, #tpu.memory_space<hbm>> -> memref<10000x128xf32, #tpu.memory_space<hbm>>
      tpu.wait_indirect_dma semaphore(%arg13 : memref<!tpu.dma_semaphore, #tpu.memory_space<semaphore_mem>>) src(%dma_wait3A_105 : memref<10000x128xf32, #tpu.memory_space<hbm>>) dst(%arg9 : memref<104x128xf32, #tpu.memory_space<vmem>>)
      %mul3A_106 = arith.constant 2 : i32
      %mul3A_107 = arith.muli %mul3A_106, %scan3A_82 : i32
      %dma_start3A_108 = arith.constant 0 : i32
      %dma_start3A_109 = tpu.memref_slice %arg7[%mul3A_107, %dma_start3A_108] : memref<96x104xi32, #tpu.memory_space<vmem>> -> memref<1x104xi32, #tpu.memory_space<vmem>>
      %dma_start3A_110 = tpu.memref_squeeze %dma_start3A_109 : memref<1x104xi32, #tpu.memory_space<vmem>> -> memref<104xi32, #tpu.memory_space<vmem>>
      %dma_start3A_111 = arith.constant 0 : i32
      %dma_start3A_112 = arith.constant 0 : i32
      %dma_start3A_113 = tpu.memref_slice %arg10[%dma_start3A_111, %dma_start3A_112] : memref<10000x128xf32, #tpu.memory_space<vmem_shared>> -> memref<10000x128xf32, #tpu.memory_space<vmem_shared>>
      tpu.enqueue_indirect_dma source(%arg9 : memref<104x128xf32, #tpu.memory_space<vmem>>) target(%dma_start3A_113 : memref<10000x128xf32, #tpu.memory_space<vmem_shared>>) offsets(%dma_start3A_110 : memref<104xi32, #tpu.memory_space<vmem>>) semaphore(%arg15 : memref<!tpu.dma_semaphore, #tpu.memory_space<semaphore_mem>>) {add = true}
      %dma_wait3A_114 = arith.constant 0 : i32
      %dma_wait3A_115 = tpu.memref_slice %arg7[%mul3A_107, %dma_wait3A_114] : memref<96x104xi32, #tpu.memory_space<vmem>> -> memref<1x104xi32, #tpu.memory_space<vmem>>
      %dma_wait3A_116 = tpu.memref_squeeze %dma_wait3A_115 : memref<1x104xi32, #tpu.memory_space<vmem>> -> memref<104xi32, #tpu.memory_space<vmem>>
      %dma_wait3A_117 = arith.constant 0 : i32
      %dma_wait3A_118 = arith.constant 0 : i32
      %dma_wait3A_119 = tpu.memref_slice %arg10[%dma_wait3A_117, %dma_wait3A_118] : memref<10000x128xf32, #tpu.memory_space<vmem_shared>> -> memref<10000x128xf32, #tpu.memory_space<vmem_shared>>
      tpu.wait_indirect_dma semaphore(%arg15 : memref<!tpu.dma_semaphore, #tpu.memory_space<semaphore_mem>>) src(%arg9 : memref<104x128xf32, #tpu.memory_space<vmem>>) dst(%dma_wait3A_119 : memref<10000x128xf32, #tpu.memory_space<vmem_shared>>)
      %mul3A_120 = arith.constant 104 : i32
      %mul3A_121 = arith.muli %add3A_91, %mul3A_120 : i32
      %multiple_of3A_122 = tpu.assume_multiple %mul3A_121, 8 : i32
      %dma_start3A_123 = tpu.memref_slice %arg11[%multiple_of3A_122] : memref<10000xi32, #tpu.memory_space<vmem>> -> memref<104xi32, #tpu.memory_space<vmem>>
      %dma_start3A_124 = arith.constant 0 : i32
      %dma_start3A_125 = arith.constant 0 : i32
      %dma_start3A_126 = tpu.memref_slice %arg2[%dma_start3A_124, %dma_start3A_125] : memref<10000x128xf32, #tpu.memory_space<hbm>> -> memref<10000x128xf32, #tpu.memory_space<hbm>>
      tpu.enqueue_indirect_dma source(%dma_start3A_126 : memref<10000x128xf32, #tpu.memory_space<hbm>>) target(%arg9 : memref<104x128xf32, #tpu.memory_space<vmem>>) offsets(%dma_start3A_123 : memref<104xi32, #tpu.memory_space<vmem>>) semaphore(%arg13 : memref<!tpu.dma_semaphore, #tpu.memory_space<semaphore_mem>>)
      %dma_wait3A_127 = tpu.memref_slice %arg11[%multiple_of3A_94] : memref<10000xi32, #tpu.memory_space<vmem>> -> memref<104xi32, #tpu.memory_space<vmem>>
      %dma_wait3A_128 = arith.constant 0 : i32
      %dma_wait3A_129 = arith.constant 0 : i32
      %dma_wait3A_130 = tpu.memref_slice %arg2[%dma_wait3A_128, %dma_wait3A_129] : memref<10000x128xf32, #tpu.memory_space<hbm>> -> memref<10000x128xf32, #tpu.memory_space<hbm>>
      tpu.wait_indirect_dma semaphore(%arg14 : memref<!tpu.dma_semaphore, #tpu.memory_space<semaphore_mem>>) src(%dma_wait3A_130 : memref<10000x128xf32, #tpu.memory_space<hbm>>) dst(%arg12 : memref<104x128xf32, #tpu.memory_space<vmem>>)
      %dma_start3A_131 = arith.constant 0 : i32
      %dma_start3A_132 = tpu.memref_slice %arg7[%add3A_87, %dma_start3A_131] : memref<96x104xi32, #tpu.memory_space<vmem>> -> memref<1x104xi32, #tpu.memory_space<vmem>>
      %dma_start3A_133 = tpu.memref_squeeze %dma_start3A_132 : memref<1x104xi32, #tpu.memory_space<vmem>> -> memref<104xi32, #tpu.memory_space<vmem>>
      %dma_start3A_134 = arith.constant 0 : i32
      %dma_start3A_135 = arith.constant 0 : i32
      %dma_start3A_136 = tpu.memref_slice %arg10[%dma_start3A_134, %dma_start3A_135] : memref<10000x128xf32, #tpu.memory_space<vmem_shared>> -> memref<10000x128xf32, #tpu.memory_space<vmem_shared>>
      tpu.enqueue_indirect_dma source(%arg12 : memref<104x128xf32, #tpu.memory_space<vmem>>) target(%dma_start3A_136 : memref<10000x128xf32, #tpu.memory_space<vmem_shared>>) offsets(%dma_start3A_133 : memref<104xi32, #tpu.memory_space<vmem>>) semaphore(%arg16 : memref<!tpu.dma_semaphore, #tpu.memory_space<semaphore_mem>>) {add = true}
      %dma_wait3A_137 = arith.constant 0 : i32
      %dma_wait3A_138 = tpu.memref_slice %arg7[%add3A_87, %dma_wait3A_137] : memref<96x104xi32, #tpu.memory_space<vmem>> -> memref<1x104xi32, #tpu.memory_space<vmem>>
      %dma_wait3A_139 = tpu.memref_squeeze %dma_wait3A_138 : memref<1x104xi32, #tpu.memory_space<vmem>> -> memref<104xi32, #tpu.memory_space<vmem>>
      %dma_wait3A_140 = arith.constant 0 : i32
      %dma_wait3A_141 = arith.constant 0 : i32
      %dma_wait3A_142 = tpu.memref_slice %arg10[%dma_wait3A_140, %dma_wait3A_141] : memref<10000x128xf32, #tpu.memory_space<vmem_shared>> -> memref<10000x128xf32, #tpu.memory_space<vmem_shared>>
      tpu.wait_indirect_dma semaphore(%arg16 : memref<!tpu.dma_semaphore, #tpu.memory_space<semaphore_mem>>) src(%arg12 : memref<104x128xf32, #tpu.memory_space<vmem>>) dst(%dma_wait3A_142 : memref<10000x128xf32, #tpu.memory_space<vmem_shared>>)
      %scan3A_143 = arith.constant 0 : i32
      scf.yield %scan3A_143 : i32
    }
    %scan3A_44 = arith.constant 47 : i32
    %multiple_of3A_45 = arith.constant 9880 : i32
    %multiple_of3A_46 = tpu.assume_multiple %multiple_of3A_45, 8 : i32
    %dma_start3A_47 = tpu.memref_slice %arg11[%multiple_of3A_46] : memref<10000xi32, #tpu.memory_space<vmem>> -> memref<104xi32, #tpu.memory_space<vmem>>
    %dma_start3A_48 = arith.constant 0 : i32
    %dma_start3A_49 = arith.constant 0 : i32
    %dma_start3A_50 = tpu.memref_slice %arg2[%dma_start3A_48, %dma_start3A_49] : memref<10000x128xf32, #tpu.memory_space<hbm>> -> memref<10000x128xf32, #tpu.memory_space<hbm>>
    tpu.enqueue_indirect_dma source(%dma_start3A_50 : memref<10000x128xf32, #tpu.memory_space<hbm>>) target(%arg12 : memref<104x128xf32, #tpu.memory_space<vmem>>) offsets(%dma_start3A_47 : memref<104xi32, #tpu.memory_space<vmem>>) semaphore(%arg14 : memref<!tpu.dma_semaphore, #tpu.memory_space<semaphore_mem>>)
    %dma_wait3A = arith.constant 0 : i32
    %dma_wait3A_51 = arith.constant 0 : i32
    %dma_wait3A_52 = tpu.memref_slice %arg7[%dma_wait3A, %dma_wait3A_51] : memref<96x104xi32, #tpu.memory_space<vmem>> -> memref<1x104xi32, #tpu.memory_space<vmem>>
    %dma_wait3A_53 = tpu.memref_squeeze %dma_wait3A_52 : memref<1x104xi32, #tpu.memory_space<vmem>> -> memref<104xi32, #tpu.memory_space<vmem>>
    %dma_wait3A_54 = arith.constant 0 : i32
    %dma_wait3A_55 = arith.constant 0 : i32
    %dma_wait3A_56 = tpu.memref_slice %arg2[%dma_wait3A_54, %dma_wait3A_55] : memref<10000x128xf32, #tpu.memory_space<hbm>> -> memref<10000x128xf32, #tpu.memory_space<hbm>>
    tpu.wait_indirect_dma semaphore(%arg13 : memref<!tpu.dma_semaphore, #tpu.memory_space<semaphore_mem>>) src(%dma_wait3A_56 : memref<10000x128xf32, #tpu.memory_space<hbm>>) dst(%arg9 : memref<104x128xf32, #tpu.memory_space<vmem>>)
    %run_scoped3A = arith.constant 94 : i32
    "tpu.region"() ({
      %run_scoped3A_82 = tpu.sem_alloc : memref<!tpu.dma_semaphore, #tpu.memory_space<semaphore_mem>>
      %dma_start3A_83 = arith.constant 0 : i32
      %dma_start3A_84 = tpu.memref_slice %arg7[%run_scoped3A, %dma_start3A_83] : memref<96x104xi32, #tpu.memory_space<vmem>> -> memref<1x104xi32, #tpu.memory_space<vmem>>
      %dma_start3A_85 = tpu.memref_squeeze %dma_start3A_84 : memref<1x104xi32, #tpu.memory_space<vmem>> -> memref<104xi32, #tpu.memory_space<vmem>>
      %dma_start3A_86 = arith.constant 0 : i32
      %dma_start3A_87 = arith.constant 0 : i32
      %dma_start3A_88 = tpu.memref_slice %arg10[%dma_start3A_86, %dma_start3A_87] : memref<10000x128xf32, #tpu.memory_space<vmem_shared>> -> memref<10000x128xf32, #tpu.memory_space<vmem_shared>>
      tpu.enqueue_indirect_dma source(%arg9 : memref<104x128xf32, #tpu.memory_space<vmem>>) target(%dma_start3A_88 : memref<10000x128xf32, #tpu.memory_space<vmem_shared>>) offsets(%dma_start3A_85 : memref<104xi32, #tpu.memory_space<vmem>>) semaphore(%run_scoped3A_82 : memref<!tpu.dma_semaphore, #tpu.memory_space<semaphore_mem>>) {add = true}
      %dma_wait3A_89 = arith.constant 0 : i32
      %dma_wait3A_90 = tpu.memref_slice %arg7[%run_scoped3A, %dma_wait3A_89] : memref<96x104xi32, #tpu.memory_space<vmem>> -> memref<1x104xi32, #tpu.memory_space<vmem>>
      %dma_wait3A_91 = tpu.memref_squeeze %dma_wait3A_90 : memref<1x104xi32, #tpu.memory_space<vmem>> -> memref<104xi32, #tpu.memory_space<vmem>>
      %dma_wait3A_92 = arith.constant 0 : i32
      %dma_wait3A_93 = arith.constant 0 : i32
      %dma_wait3A_94 = tpu.memref_slice %arg10[%dma_wait3A_92, %dma_wait3A_93] : memref<10000x128xf32, #tpu.memory_space<vmem_shared>> -> memref<10000x128xf32, #tpu.memory_space<vmem_shared>>
      tpu.wait_indirect_dma semaphore(%run_scoped3A_82 : memref<!tpu.dma_semaphore, #tpu.memory_space<semaphore_mem>>) src(%arg9 : memref<104x128xf32, #tpu.memory_space<vmem>>) dst(%dma_wait3A_94 : memref<10000x128xf32, #tpu.memory_space<vmem_shared>>)
      tpu.yield
    }) : () -> ()
    %multiple_of3A_57 = arith.constant 9984 : i32
    %multiple_of3A_58 = tpu.assume_multiple %multiple_of3A_57, 8 : i32
    %dma_start3A_59 = arith.constant 0 : i32
    %dma_start3A_60 = arith.constant 0 : i32
    %dma_start3A_61 = tpu.memref_slice %arg9[%dma_start3A_59, %dma_start3A_60] : memref<104x128xf32, #tpu.memory_space<vmem>> -> memref<16x128xf32, #tpu.memory_space<vmem>>
    %dma_start3A_62 = tpu.memref_slice %arg11[%multiple_of3A_58] : memref<10000xi32, #tpu.memory_space<vmem>> -> memref<16xi32, #tpu.memory_space<vmem>>
    %dma_start3A_63 = arith.constant 0 : i32
    %dma_start3A_64 = arith.constant 0 : i32
    %dma_start3A_65 = tpu.memref_slice %arg2[%dma_start3A_63, %dma_start3A_64] : memref<10000x128xf32, #tpu.memory_space<hbm>> -> memref<10000x128xf32, #tpu.memory_space<hbm>>
    tpu.enqueue_indirect_dma source(%dma_start3A_65 : memref<10000x128xf32, #tpu.memory_space<hbm>>) target(%dma_start3A_61 : memref<16x128xf32, #tpu.memory_space<vmem>>) offsets(%dma_start3A_62 : memref<16xi32, #tpu.memory_space<vmem>>) semaphore(%arg13 : memref<!tpu.dma_semaphore, #tpu.memory_space<semaphore_mem>>)
    %dma_wait3A_66 = tpu.memref_slice %arg11[%multiple_of3A_46] : memref<10000xi32, #tpu.memory_space<vmem>> -> memref<104xi32, #tpu.memory_space<vmem>>
    %dma_wait3A_67 = arith.constant 0 : i32
    %dma_wait3A_68 = arith.constant 0 : i32
    %dma_wait3A_69 = tpu.memref_slice %arg2[%dma_wait3A_67, %dma_wait3A_68] : memref<10000x128xf32, #tpu.memory_space<hbm>> -> memref<10000x128xf32, #tpu.memory_space<hbm>>
    tpu.wait_indirect_dma semaphore(%arg14 : memref<!tpu.dma_semaphore, #tpu.memory_space<semaphore_mem>>) src(%dma_wait3A_69 : memref<10000x128xf32, #tpu.memory_space<hbm>>) dst(%arg12 : memref<104x128xf32, #tpu.memory_space<vmem>>)
    %run_scoped3A_70 = arith.constant 95 : i32
    "tpu.region"() ({
      %run_scoped3A_82 = tpu.sem_alloc : memref<!tpu.dma_semaphore, #tpu.memory_space<semaphore_mem>>
      %dma_start3A_83 = arith.constant 0 : i32
      %dma_start3A_84 = tpu.memref_slice %arg7[%run_scoped3A_70, %dma_start3A_83] : memref<96x104xi32, #tpu.memory_space<vmem>> -> memref<1x104xi32, #tpu.memory_space<vmem>>
      %dma_start3A_85 = tpu.memref_squeeze %dma_start3A_84 : memref<1x104xi32, #tpu.memory_space<vmem>> -> memref<104xi32, #tpu.memory_space<vmem>>
      %dma_start3A_86 = arith.constant 0 : i32
      %dma_start3A_87 = arith.constant 0 : i32
      %dma_start3A_88 = tpu.memref_slice %arg10[%dma_start3A_86, %dma_start3A_87] : memref<10000x128xf32, #tpu.memory_space<vmem_shared>> -> memref<10000x128xf32, #tpu.memory_space<vmem_shared>>
      tpu.enqueue_indirect_dma source(%arg12 : memref<104x128xf32, #tpu.memory_space<vmem>>) target(%dma_start3A_88 : memref<10000x128xf32, #tpu.memory_space<vmem_shared>>) offsets(%dma_start3A_85 : memref<104xi32, #tpu.memory_space<vmem>>) semaphore(%run_scoped3A_82 : memref<!tpu.dma_semaphore, #tpu.memory_space<semaphore_mem>>) {add = true}
      %dma_wait3A_89 = arith.constant 0 : i32
      %dma_wait3A_90 = tpu.memref_slice %arg7[%run_scoped3A_70, %dma_wait3A_89] : memref<96x104xi32, #tpu.memory_space<vmem>> -> memref<1x104xi32, #tpu.memory_space<vmem>>
      %dma_wait3A_91 = tpu.memref_squeeze %dma_wait3A_90 : memref<1x104xi32, #tpu.memory_space<vmem>> -> memref<104xi32, #tpu.memory_space<vmem>>
      %dma_wait3A_92 = arith.constant 0 : i32
      %dma_wait3A_93 = arith.constant 0 : i32
      %dma_wait3A_94 = tpu.memref_slice %arg10[%dma_wait3A_92, %dma_wait3A_93] : memref<10000x128xf32, #tpu.memory_space<vmem_shared>> -> memref<10000x128xf32, #tpu.memory_space<vmem_shared>>
      tpu.wait_indirect_dma semaphore(%run_scoped3A_82 : memref<!tpu.dma_semaphore, #tpu.memory_space<semaphore_mem>>) src(%arg12 : memref<104x128xf32, #tpu.memory_space<vmem>>) dst(%dma_wait3A_94 : memref<10000x128xf32, #tpu.memory_space<vmem_shared>>)
      tpu.yield
    }) : () -> ()
    %dma_wait3A_71 = arith.constant 0 : i32
    %dma_wait3A_72 = arith.constant 0 : i32
    %dma_wait3A_73 = tpu.memref_slice %arg9[%dma_wait3A_71, %dma_wait3A_72] : memref<104x128xf32, #tpu.memory_space<vmem>> -> memref<16x128xf32, #tpu.memory_space<vmem>>
    %dma_wait3A_74 = tpu.memref_slice %arg11[%multiple_of3A_58] : memref<10000xi32, #tpu.memory_space<vmem>> -> memref<16xi32, #tpu.memory_space<vmem>>
    %dma_wait3A_75 = arith.constant 0 : i32
    %dma_wait3A_76 = arith.constant 0 : i32
    %dma_wait3A_77 = tpu.memref_slice %arg2[%dma_wait3A_75, %dma_wait3A_76] : memref<10000x128xf32, #tpu.memory_space<hbm>> -> memref<10000x128xf32, #tpu.memory_space<hbm>>
    tpu.wait_indirect_dma semaphore(%arg13 : memref<!tpu.dma_semaphore, #tpu.memory_space<semaphore_mem>>) src(%dma_wait3A_77 : memref<10000x128xf32, #tpu.memory_space<hbm>>) dst(%dma_wait3A_73 : memref<16x128xf32, #tpu.memory_space<vmem>>)
    "tpu.region"() ({
      %run_scoped3A_82 = tpu.sem_alloc : memref<!tpu.dma_semaphore, #tpu.memory_space<semaphore_mem>>
      %dma_start3A_83 = arith.constant 0 : i32
      %dma_start3A_84 = arith.constant 0 : i32
      %dma_start3A_85 = tpu.memref_slice %arg9[%dma_start3A_83, %dma_start3A_84] : memref<104x128xf32, #tpu.memory_space<vmem>> -> memref<16x128xf32, #tpu.memory_space<vmem>>
      %dma_start3A_86 = arith.constant 0 : i32
      %dma_start3A_87 = arith.constant 0 : i32
      %dma_start3A_88 = tpu.memref_slice %arg10[%dma_start3A_86, %dma_start3A_87] : memref<10000x128xf32, #tpu.memory_space<vmem_shared>> -> memref<10000x128xf32, #tpu.memory_space<vmem_shared>>
      tpu.enqueue_indirect_dma source(%dma_start3A_85 : memref<16x128xf32, #tpu.memory_space<vmem>>) target(%dma_start3A_88 : memref<10000x128xf32, #tpu.memory_space<vmem_shared>>) offsets(%arg8 : memref<16xi32, #tpu.memory_space<vmem>>) semaphore(%run_scoped3A_82 : memref<!tpu.dma_semaphore, #tpu.memory_space<semaphore_mem>>) {add = true}
      %dma_wait3A_89 = arith.constant 0 : i32
      %dma_wait3A_90 = arith.constant 0 : i32
      %dma_wait3A_91 = tpu.memref_slice %arg9[%dma_wait3A_89, %dma_wait3A_90] : memref<104x128xf32, #tpu.memory_space<vmem>> -> memref<16x128xf32, #tpu.memory_space<vmem>>
      %dma_wait3A_92 = arith.constant 0 : i32
      %dma_wait3A_93 = arith.constant 0 : i32
      %dma_wait3A_94 = tpu.memref_slice %arg10[%dma_wait3A_92, %dma_wait3A_93] : memref<10000x128xf32, #tpu.memory_space<vmem_shared>> -> memref<10000x128xf32, #tpu.memory_space<vmem_shared>>
      tpu.wait_indirect_dma semaphore(%run_scoped3A_82 : memref<!tpu.dma_semaphore, #tpu.memory_space<semaphore_mem>>) src(%dma_wait3A_91 : memref<16x128xf32, #tpu.memory_space<vmem>>) dst(%dma_wait3A_94 : memref<10000x128xf32, #tpu.memory_space<vmem_shared>>)
      tpu.yield
    }) : () -> ()
    %barrier3A_78 = arith.constant 0 : index
    tpu.barrier barrier_id(%barrier3A_78)
    %mul3A_79 = arith.constant 624 : i32
    %mul3A_80 = arith.muli %arg1, %mul3A_79 : i32
    %multiple_of3A_81 = tpu.assume_multiple %mul3A_80, 8 : i32
    "tpu.region"() ({
      %run_scoped3A_82 = tpu.sem_alloc : memref<!tpu.dma_semaphore, #tpu.memory_space<semaphore_mem>>
      %dma_start3A_83 = arith.constant 0 : i32
      %dma_start3A_84 = tpu.memref_slice %arg6[%arg0, %multiple_of3A_81, %dma_start3A_83] : memref<2x10000x128xf32, #tpu.memory_space<hbm>> -> memref<1x624x128xf32, #tpu.memory_space<hbm>>
      %dma_start3A_85 = tpu.memref_squeeze %dma_start3A_84 : memref<1x624x128xf32, #tpu.memory_space<hbm>> -> memref<624x128xf32, #tpu.memory_space<hbm>>
      %dma_start3A_86 = arith.constant 0 : i32
      %dma_start3A_87 = tpu.memref_slice %arg10[%multiple_of3A_81, %dma_start3A_86] : memref<10000x128xf32, #tpu.memory_space<vmem_shared>> -> memref<624x128xf32, #tpu.memory_space<vmem_shared>>
      tpu.enqueue_dma source(%dma_start3A_87 : memref<624x128xf32, #tpu.memory_space<vmem_shared>>) target(%dma_start3A_85 : memref<624x128xf32, #tpu.memory_space<hbm>>) target_semaphore(%run_scoped3A_82 : memref<!tpu.dma_semaphore, #tpu.memory_space<semaphore_mem>>)
      %dma_wait3A_88 = arith.constant 0 : i32
      %dma_wait3A_89 = tpu.memref_slice %arg6[%arg0, %multiple_of3A_81, %dma_wait3A_88] : memref<2x10000x128xf32, #tpu.memory_space<hbm>> -> memref<1x624x128xf32, #tpu.memory_space<hbm>>
      %dma_wait3A_90 = tpu.memref_squeeze %dma_wait3A_89 : memref<1x624x128xf32, #tpu.memory_space<hbm>> -> memref<624x128xf32, #tpu.memory_space<hbm>>
      %dma_wait3A_91 = arith.constant 0 : i32
      %dma_wait3A_92 = tpu.memref_slice %arg10[%multiple_of3A_81, %dma_wait3A_91] : memref<10000x128xf32, #tpu.memory_space<vmem_shared>> -> memref<624x128xf32, #tpu.memory_space<vmem_shared>>
      tpu.wait_dma2 semaphore(%run_scoped3A_82 : memref<!tpu.dma_semaphore, #tpu.memory_space<semaphore_mem>>) src(%dma_wait3A_92 : memref<624x128xf32, #tpu.memory_space<vmem_shared>>) dst(%dma_wait3A_90 : memref<624x128xf32, #tpu.memory_space<hbm>>)
      tpu.yield
    }) : () -> ()
    "tpu.region"() ({
      %run_scoped3A_82 = tpu.sem_alloc : memref<!tpu.dma_semaphore, #tpu.memory_space<semaphore_mem>>
      %dma_start3A_83 = arith.constant 9984 : i32
      %dma_start3A_84 = arith.constant 0 : i32
      %dma_start3A_85 = tpu.memref_slice %arg6[%arg0, %dma_start3A_83, %dma_start3A_84] : memref<2x10000x128xf32, #tpu.memory_space<hbm>> -> memref<1x16x128xf32, #tpu.memory_space<hbm>>
      %dma_start3A_86 = tpu.memref_squeeze %dma_start3A_85 : memref<1x16x128xf32, #tpu.memory_space<hbm>> -> memref<16x128xf32, #tpu.memory_space<hbm>>
      %dma_start3A_87 = arith.constant 9984 : i32
      %dma_start3A_88 = arith.constant 0 : i32
      %dma_start3A_89 = tpu.memref_slice %arg10[%dma_start3A_87, %dma_start3A_88] : memref<10000x128xf32, #tpu.memory_space<vmem_shared>> -> memref<16x128xf32, #tpu.memory_space<vmem_shared>>
      tpu.enqueue_dma source(%dma_start3A_89 : memref<16x128xf32, #tpu.memory_space<vmem_shared>>) target(%dma_start3A_86 : memref<16x128xf32, #tpu.memory_space<hbm>>) target_semaphore(%run_scoped3A_82 : memref<!tpu.dma_semaphore, #tpu.memory_space<semaphore_mem>>)
      %dma_wait3A_90 = arith.constant 9984 : i32
      %dma_wait3A_91 = arith.constant 0 : i32
      %dma_wait3A_92 = tpu.memref_slice %arg6[%arg0, %dma_wait3A_90, %dma_wait3A_91] : memref<2x10000x128xf32, #tpu.memory_space<hbm>> -> memref<1x16x128xf32, #tpu.memory_space<hbm>>
      %dma_wait3A_93 = tpu.memref_squeeze %dma_wait3A_92 : memref<1x16x128xf32, #tpu.memory_space<hbm>> -> memref<16x128xf32, #tpu.memory_space<hbm>>
      %dma_wait3A_94 = arith.constant 9984 : i32
      %dma_wait3A_95 = arith.constant 0 : i32
      %dma_wait3A_96 = tpu.memref_slice %arg10[%dma_wait3A_94, %dma_wait3A_95] : memref<10000x128xf32, #tpu.memory_space<vmem_shared>> -> memref<16x128xf32, #tpu.memory_space<vmem_shared>>
      tpu.wait_dma2 semaphore(%run_scoped3A_82 : memref<!tpu.dma_semaphore, #tpu.memory_space<semaphore_mem>>) src(%dma_wait3A_96 : memref<16x128xf32, #tpu.memory_space<vmem_shared>>) dst(%dma_wait3A_93 : memref<16x128xf32, #tpu.memory_space<hbm>>)
      tpu.yield
    }) : () -> ()
    return
  }
}

#map = affine_map<(d0, d1) -> (0, 0)>
#map1 = affine_map<(d0, d1) -> (0)>
#map2 = affine_map<(d0, d1) -> (0, 0, 0)>
module attributes {stable_mosaic.version = 14 : i64} {
  func.func @body(%arg0: i32, %arg1: i32, %arg2: memref<10000x128xf32, #tpu.memory_space<hbm>>, %arg3: memref<320000xi32, #tpu.memory_space<hbm>>, %arg4: memref<32x96x104xi32, #tpu.memory_space<hbm>>, %arg5: memref<32x16xi32, #tpu.memory_space<hbm>>, %arg6: memref<2x10000x128xf32, #tpu.memory_space<hbm>>, %arg7: memref<96x104xi32, #tpu.memory_space<vmem>>, %arg8: memref<16xi32, #tpu.memory_space<vmem>>, %arg9: memref<104x128xf32, #tpu.memory_space<vmem>>, %arg10: memref<10000x128xf32, #tpu.memory_space<vmem_shared>>, %arg11: memref<10000xi32, #tpu.memory_space<vmem>>, %arg12: memref<104x128xf32, #tpu.memory_space<vmem>>, %arg13: memref<!tpu.dma_semaphore, #tpu.memory_space<semaphore_mem>>, %arg14: memref<!tpu.dma_semaphore, #tpu.memory_space<semaphore_mem>>, %arg15: memref<!tpu.dma_semaphore, #tpu.memory_space<semaphore_mem>>, %arg16: memref<!tpu.dma_semaphore, #tpu.memory_space<semaphore_mem>>) attributes {dimension_semantics = [#tpu.dimension_semantics<core_parallel>, #tpu.dimension_semantics<subcore_parallel>], iteration_bounds = array<i64: 2, 16>, scalar_prefetch = 0 : i64, scratch_operands = 10 : i64, tpu.core_type = #tpu.core_type<sc_vector_subcore>, window_params = [{transform_indices = #map}, {transform_indices = #map1}, {transform_indices = #map2}, {transform_indices = #map}, {transform_indices = #map2}]} {
    %mul3A = arith.constant 16 : i32
    %mul3A_0 = arith.muli %arg0, %mul3A : i32
    %add3A = arith.addi %mul3A_0, %arg1 : i32
    "tpu.region"() ({
      %run_scoped3A_82 = tpu.sem_alloc : memref<!tpu.dma_semaphore, #tpu.memory_space<semaphore_mem>>
      %dma_start3A_83 = arith.constant 0 : i32
      %dma_start3A_84 = arith.constant 0 : i32
      %dma_start3A_85 = tpu.memref_slice %arg4[%add3A, %dma_start3A_83, %dma_start3A_84] : memref<32x96x104xi32, #tpu.memory_space<hbm>> -> memref<1x96x104xi32, #tpu.memory_space<hbm>>
      %dma_start3A_86 = tpu.memref_squeeze %dma_start3A_85 : memref<1x96x104xi32, #tpu.memory_space<hbm>> -> memref<96x104xi32, #tpu.memory_space<hbm>>
      %dma_start3A_87 = arith.constant 0 : i32
      %dma_start3A_88 = arith.constant 0 : i32
      %dma_start3A_89 = tpu.memref_slice %arg4[%add3A, %dma_start3A_87, %dma_start3A_88] : memref<32x96x104xi32, #tpu.memory_space<hbm>> -> memref<1x96x104xi32, #tpu.memory_space<hbm>>
      %dma_start3A_90 = tpu.memref_squeeze %dma_start3A_89 : memref<1x96x104xi32, #tpu.memory_space<hbm>> -> memref<96x104xi32, #tpu.memory_space<hbm>>
      tpu.enqueue_dma source(%dma_start3A_90 : memref<96x104xi32, #tpu.memory_space<hbm>>) target(%arg7 : memref<96x104xi32, #tpu.memory_space<vmem>>) target_semaphore(%run_scoped3A_82 : memref<!tpu.dma_semaphore, #tpu.memory_space<semaphore_mem>>)
      %dma_wait3A_91 = arith.constant 0 : i32
      %dma_wait3A_92 = arith.constant 0 : i32
      %dma_wait3A_93 = tpu.memref_slice %arg4[%add3A, %dma_wait3A_91, %dma_wait3A_92] : memref<32x96x104xi32, #tpu.memory_space<hbm>> -> memref<1x96x104xi32, #tpu.memory_space<hbm>>
      %dma_wait3A_94 = tpu.memref_squeeze %dma_wait3A_93 : memref<1x96x104xi32, #tpu.memory_space<hbm>> -> memref<96x104xi32, #tpu.memory_space<hbm>>
      %dma_wait3A_95 = arith.constant 0 : i32
      %dma_wait3A_96 = arith.constant 0 : i32
      %dma_wait3A_97 = tpu.memref_slice %arg4[%add3A, %dma_wait3A_95, %dma_wait3A_96] : memref<32x96x104xi32, #tpu.memory_space<hbm>> -> memref<1x96x104xi32, #tpu.memory_space<hbm>>
      %dma_wait3A_98 = tpu.memref_squeeze %dma_wait3A_97 : memref<1x96x104xi32, #tpu.memory_space<hbm>> -> memref<96x104xi32, #tpu.memory_space<hbm>>
      tpu.wait_dma2 semaphore(%run_scoped3A_82 : memref<!tpu.dma_semaphore, #tpu.memory_space<semaphore_mem>>) src(%dma_wait3A_98 : memref<96x104xi32, #tpu.memory_space<hbm>>) dst(%arg7 : memref<96x104xi32, #tpu.memory_space<vmem>>)
      tpu.yield
    }) : () -> ()
    "tpu.region"() ({
      %run_scoped3A_82 = tpu.sem_alloc : memref<!tpu.dma_semaphore, #tpu.memory_space<semaphore_mem>>
      %dma_start3A_83 = arith.constant 0 : i32
      %dma_start3A_84 = tpu.memref_slice %arg5[%add3A, %dma_start3A_83] : memref<32x16xi32, #tpu.memory_space<hbm>> -> memref<1x16xi32, #tpu.memory_space<hbm>>
      %dma_start3A_85 = tpu.memref_squeeze %dma_start3A_84 : memref<1x16xi32, #tpu.memory_space<hbm>> -> memref<16xi32, #tpu.memory_space<hbm>>
      %dma_start3A_86 = arith.constant 0 : i32
      %dma_start3A_87 = tpu.memref_slice %arg5[%add3A, %dma_start3A_86] : memref<32x16xi32, #tpu.memory_space<hbm>> -> memref<1x16xi32, #tpu.memory_space<hbm>>
      %dma_start3A_88 = tpu.memref_squeeze %dma_start3A_87 : memref<1x16xi32, #tpu.memory_space<hbm>> -> memref<16xi32, #tpu.memory_space<hbm>>
      tpu.enqueue_dma source(%dma_start3A_88 : memref<16xi32, #tpu.memory_space<hbm>>) target(%arg8 : memref<16xi32, #tpu.memory_space<vmem>>) target_semaphore(%run_scoped3A_82 : memref<!tpu.dma_semaphore, #tpu.memory_space<semaphore_mem>>)
      %dma_wait3A_89 = arith.constant 0 : i32
      %dma_wait3A_90 = tpu.memref_slice %arg5[%add3A, %dma_wait3A_89] : memref<32x16xi32, #tpu.memory_space<hbm>> -> memref<1x16xi32, #tpu.memory_space<hbm>>
      %dma_wait3A_91 = tpu.memref_squeeze %dma_wait3A_90 : memref<1x16xi32, #tpu.memory_space<hbm>> -> memref<16xi32, #tpu.memory_space<hbm>>
      %dma_wait3A_92 = arith.constant 0 : i32
      %dma_wait3A_93 = tpu.memref_slice %arg5[%add3A, %dma_wait3A_92] : memref<32x16xi32, #tpu.memory_space<hbm>> -> memref<1x16xi32, #tpu.memory_space<hbm>>
      %dma_wait3A_94 = tpu.memref_squeeze %dma_wait3A_93 : memref<1x16xi32, #tpu.memory_space<hbm>> -> memref<16xi32, #tpu.memory_space<hbm>>
      tpu.wait_dma2 semaphore(%run_scoped3A_82 : memref<!tpu.dma_semaphore, #tpu.memory_space<semaphore_mem>>) src(%dma_wait3A_94 : memref<16xi32, #tpu.memory_space<hbm>>) dst(%arg8 : memref<16xi32, #tpu.memory_space<vmem>>)
      tpu.yield
    }) : () -> ()
    %mul3A_1 = arith.constant 10000 : i32
    %mul3A_2 = arith.muli %add3A, %mul3A_1 : i32
    %multiple_of3A = tpu.assume_multiple %mul3A_2, 8 : i32
    "tpu.region"() ({
      %run_scoped3A_82 = tpu.sem_alloc : memref<!tpu.dma_semaphore, #tpu.memory_space<semaphore_mem>>
      %dma_start3A_83 = tpu.memref_slice %arg3[%multiple_of3A] : memref<320000xi32, #tpu.memory_space<hbm>> -> memref<10000xi32, #tpu.memory_space<hbm>>
      %dma_start3A_84 = tpu.memref_slice %arg3[%multiple_of3A] : memref<320000xi32, #tpu.memory_space<hbm>> -> memref<10000xi32, #tpu.memory_space<hbm>>
      tpu.enqueue_dma source(%dma_start3A_84 : memref<10000xi32, #tpu.memory_space<hbm>>) target(%arg11 : memref<10000xi32, #tpu.memory_space<vmem>>) target_semaphore(%run_scoped3A_82 : memref<!tpu.dma_semaphore, #tpu.memory_space<semaphore_mem>>)
      %dma_wait3A_85 = tpu.memref_slice %arg3[%multiple_of3A] : memref<320000xi32, #tpu.memory_space<hbm>> -> memref<10000xi32, #tpu.memory_space<hbm>>
      %dma_wait3A_86 = tpu.memref_slice %arg3[%multiple_of3A] : memref<320000xi32, #tpu.memory_space<hbm>> -> memref<10000xi32, #tpu.memory_space<hbm>>
      tpu.wait_dma2 semaphore(%run_scoped3A_82 : memref<!tpu.dma_semaphore, #tpu.memory_space<semaphore_mem>>) src(%dma_wait3A_86 : memref<10000xi32, #tpu.memory_space<hbm>>) dst(%arg11 : memref<10000xi32, #tpu.memory_space<vmem>>)
      tpu.yield
    }) : () -> ()
    %scan3A = arith.constant 0 : i32
    %scan3A_3 = arith.constant 0 : i32
    %scan3A_4 = arith.constant 832 : i32
    %scan3A_5 = arith.addi %scan3A_3, %scan3A_4 : i32
    %scan3A_6 = arith.constant 1 : i32
    %scan3A_7 = scf.for %scan3A_82 = %scan3A_3 to %scan3A_5 step %scan3A_6 iter_args(%scan3A_83 = %scan3A) -> (i32)  : i32 {
      %broadcast_in_dim3A = arith.constant 0.000000e+00 : f32
      %broadcast_in_dim3A_84 = vector.broadcast %broadcast_in_dim3A : f32 to vector<16xf32>
      %jit3A = arith.constant 8 : i32
      %div3A = arith.divsi %scan3A_82, %jit3A : i32
      %sign3A = arith.constant 0 : i32
      %sign3A_85 = arith.cmpi sgt, %scan3A_82, %sign3A : i32
      %sign3A_86 = arith.extui %sign3A_85 : i1 to i32
      %sign3A_87 = arith.constant 0 : i32
      %sign3A_88 = arith.cmpi slt, %scan3A_82, %sign3A_87 : i32
      %sign3A_89 = arith.extui %sign3A_88 : i1 to i32
      %sign3A_90 = arith.subi %sign3A_86, %sign3A_89 : i32
      %sign3A_91 = arith.constant 0 : i32
      %sign3A_92 = arith.cmpi sgt, %jit3A, %sign3A_91 : i32
      %sign3A_93 = arith.extui %sign3A_92 : i1 to i32
      %sign3A_94 = arith.constant 0 : i32
      %sign3A_95 = arith.cmpi slt, %jit3A, %sign3A_94 : i32
      %sign3A_96 = arith.extui %sign3A_95 : i1 to i32
      %sign3A_97 = arith.subi %sign3A_93, %sign3A_96 : i32
      %ne3A = arith.cmpi ne, %sign3A_90, %sign3A_97 : i32
      %rem3A = arith.remsi %scan3A_82, %jit3A : i32
      %ne3A_98 = arith.constant 0 : i32
      %ne3A_99 = arith.cmpi ne, %rem3A, %ne3A_98 : i32
      %and3A = arith.andi %ne3A, %ne3A_99 : i1
      %sub3A = arith.constant 1 : i32
      %sub3A_100 = arith.subi %div3A, %sub3A : i32
      %select_n3A = arith.select %and3A, %sub3A_100, %div3A : i32
      %jit3A_101 = arith.constant 8 : i32
      %eq3A = arith.constant 0 : i32
      %eq3A_102 = arith.cmpi eq, %jit3A_101, %eq3A : i32
      %jit3A_103 = arith.constant 1 : i32
      %select_n3A_104 = arith.select %eq3A_102, %jit3A_103, %jit3A_101 : i32
      %rem3A_105 = arith.remsi %scan3A_82, %select_n3A_104 : i32
      %ne3A_106 = arith.constant 0 : i32
      %ne3A_107 = arith.cmpi ne, %rem3A_105, %ne3A_106 : i32
      %lt3A = arith.constant 0 : i32
      %lt3A_108 = arith.cmpi slt, %rem3A_105, %lt3A : i32
      %lt3A_109 = arith.constant 0 : i32
      %lt3A_110 = arith.cmpi slt, %select_n3A_104, %lt3A_109 : i32
      %ne3A_111 = arith.xori %lt3A_108, %lt3A_110 : i1
      %and3A_112 = arith.andi %ne3A_111, %ne3A_107 : i1
      %add3A_113 = arith.addi %rem3A_105, %select_n3A_104 : i32
      %select_n3A_114 = arith.select %and3A_112, %add3A_113, %rem3A_105 : i32
      %mul3A_115 = arith.constant 16 : i32
      %mul3A_116 = arith.muli %select_n3A_114, %mul3A_115 : i32
      %swap3A = arith.index_cast %select_n3A : i32 to index
      %swap3A_117 = arith.index_cast %mul3A_116 : i32 to index
      %swap3A_118 = tpu.vector_load %arg12[%swap3A, %swap3A_117] {strides = array<i32>} : memref<104x128xf32, #tpu.memory_space<vmem>>, vector<1x16xf32>,
      %swap3A_119 = vector.shape_cast %swap3A_118 : vector<1x16xf32> to vector<16xf32>
      %swap3A_120 = vector.shape_cast %broadcast_in_dim3A_84 : vector<16xf32> to vector<1x16xf32>
      tpu.vector_store %arg12[%swap3A, %swap3A_117], %swap3A_120 {strides = array<i32>} : memref<104x128xf32, #tpu.memory_space<vmem>>, vector<1x16xf32>,
      %scan3A_121 = arith.constant 0 : i32
      scf.yield %scan3A_121 : i32
    }
    %scan3A_8 = arith.constant 832 : i32
    %mul3A_9 = arith.constant 624 : i32
    %mul3A_10 = arith.muli %arg1, %mul3A_9 : i32
    %add3A_11 = arith.constant 0 : i32
    %add3A_12 = arith.addi %mul3A_10, %add3A_11 : i32
    "tpu.region"() ({
      %run_scoped3A_82 = tpu.sem_alloc : memref<!tpu.dma_semaphore, #tpu.memory_space<semaphore_mem>>
      %dma_start3A_83 = arith.constant 0 : i32
      %dma_start3A_84 = tpu.memref_slice %arg10[%add3A_12, %dma_start3A_83] : memref<10000x128xf32, #tpu.memory_space<vmem_shared>> -> memref<104x128xf32, #tpu.memory_space<vmem_shared>>
      %dma_start3A_85 = arith.constant 0 : i32
      %dma_start3A_86 = tpu.memref_slice %arg10[%add3A_12, %dma_start3A_85] : memref<10000x128xf32, #tpu.memory_space<vmem_shared>> -> memref<104x128xf32, #tpu.memory_space<vmem_shared>>
      tpu.enqueue_dma source(%arg12 : memref<104x128xf32, #tpu.memory_space<vmem>>) target(%dma_start3A_86 : memref<104x128xf32, #tpu.memory_space<vmem_shared>>) target_semaphore(%run_scoped3A_82 : memref<!tpu.dma_semaphore, #tpu.memory_space<semaphore_mem>>)
      %dma_wait3A_87 = arith.constant 0 : i32
      %dma_wait3A_88 = tpu.memref_slice %arg10[%add3A_12, %dma_wait3A_87] : memref<10000x128xf32, #tpu.memory_space<vmem_shared>> -> memref<104x128xf32, #tpu.memory_space<vmem_shared>>
      %dma_wait3A_89 = arith.constant 0 : i32
      %dma_wait3A_90 = tpu.memref_slice %arg10[%add3A_12, %dma_wait3A_89] : memref<10000x128xf32, #tpu.memory_space<vmem_shared>> -> memref<104x128xf32, #tpu.memory_space<vmem_shared>>
      tpu.wait_dma2 semaphore(%run_scoped3A_82 : memref<!tpu.dma_semaphore, #tpu.memory_space<semaphore_mem>>) src(%arg12 : memref<104x128xf32, #tpu.memory_space<vmem>>) dst(%dma_wait3A_90 : memref<104x128xf32, #tpu.memory_space<vmem_shared>>)
      tpu.yield
    }) : () -> ()
    %mul3A_13 = arith.constant 624 : i32
    %mul3A_14 = arith.muli %arg1, %mul3A_13 : i32
    %add3A_15 = arith.constant 104 : i32
    %add3A_16 = arith.addi %mul3A_14, %add3A_15 : i32
    "tpu.region"() ({
      %run_scoped3A_82 = tpu.sem_alloc : memref<!tpu.dma_semaphore, #tpu.memory_space<semaphore_mem>>
      %dma_start3A_83 = arith.constant 0 : i32
      %dma_start3A_84 = tpu.memref_slice %arg10[%add3A_16, %dma_start3A_83] : memref<10000x128xf32, #tpu.memory_space<vmem_shared>> -> memref<104x128xf32, #tpu.memory_space<vmem_shared>>
      %dma_start3A_85 = arith.constant 0 : i32
      %dma_start3A_86 = tpu.memref_slice %arg10[%add3A_16, %dma_start3A_85] : memref<10000x128xf32, #tpu.memory_space<vmem_shared>> -> memref<104x128xf32, #tpu.memory_space<vmem_shared>>
      tpu.enqueue_dma source(%arg12 : memref<104x128xf32, #tpu.memory_space<vmem>>) target(%dma_start3A_86 : memref<104x128xf32, #tpu.memory_space<vmem_shared>>) target_semaphore(%run_scoped3A_82 : memref<!tpu.dma_semaphore, #tpu.memory_space<semaphore_mem>>)
      %dma_wait3A_87 = arith.constant 0 : i32
      %dma_wait3A_88 = tpu.memref_slice %arg10[%add3A_16, %dma_wait3A_87] : memref<10000x128xf32, #tpu.memory_space<vmem_shared>> -> memref<104x128xf32, #tpu.memory_space<vmem_shared>>
      %dma_wait3A_89 = arith.constant 0 : i32
      %dma_wait3A_90 = tpu.memref_slice %arg10[%add3A_16, %dma_wait3A_89] : memref<10000x128xf32, #tpu.memory_space<vmem_shared>> -> memref<104x128xf32, #tpu.memory_space<vmem_shared>>
      tpu.wait_dma2 semaphore(%run_scoped3A_82 : memref<!tpu.dma_semaphore, #tpu.memory_space<semaphore_mem>>) src(%arg12 : memref<104x128xf32, #tpu.memory_space<vmem>>) dst(%dma_wait3A_90 : memref<104x128xf32, #tpu.memory_space<vmem_shared>>)
      tpu.yield
    }) : () -> ()
    %mul3A_17 = arith.constant 624 : i32
    %mul3A_18 = arith.muli %arg1, %mul3A_17 : i32
    %add3A_19 = arith.constant 208 : i32
    %add3A_20 = arith.addi %mul3A_18, %add3A_19 : i32
    "tpu.region"() ({
      %run_scoped3A_82 = tpu.sem_alloc : memref<!tpu.dma_semaphore, #tpu.memory_space<semaphore_mem>>
      %dma_start3A_83 = arith.constant 0 : i32
      %dma_start3A_84 = tpu.memref_slice %arg10[%add3A_20, %dma_start3A_83] : memref<10000x128xf32, #tpu.memory_space<vmem_shared>> -> memref<104x128xf32, #tpu.memory_space<vmem_shared>>
      %dma_start3A_85 = arith.constant 0 : i32
      %dma_start3A_86 = tpu.memref_slice %arg10[%add3A_20, %dma_start3A_85] : memref<10000x128xf32, #tpu.memory_space<vmem_shared>> -> memref<104x128xf32, #tpu.memory_space<vmem_shared>>
      tpu.enqueue_dma source(%arg12 : memref<104x128xf32, #tpu.memory_space<vmem>>) target(%dma_start3A_86 : memref<104x128xf32, #tpu.memory_space<vmem_shared>>) target_semaphore(%run_scoped3A_82 : memref<!tpu.dma_semaphore, #tpu.memory_space<semaphore_mem>>)
      %dma_wait3A_87 = arith.constant 0 : i32
      %dma_wait3A_88 = tpu.memref_slice %arg10[%add3A_20, %dma_wait3A_87] : memref<10000x128xf32, #tpu.memory_space<vmem_shared>> -> memref<104x128xf32, #tpu.memory_space<vmem_shared>>
      %dma_wait3A_89 = arith.constant 0 : i32
      %dma_wait3A_90 = tpu.memref_slice %arg10[%add3A_20, %dma_wait3A_89] : memref<10000x128xf32, #tpu.memory_space<vmem_shared>> -> memref<104x128xf32, #tpu.memory_space<vmem_shared>>
      tpu.wait_dma2 semaphore(%run_scoped3A_82 : memref<!tpu.dma_semaphore, #tpu.memory_space<semaphore_mem>>) src(%arg12 : memref<104x128xf32, #tpu.memory_space<vmem>>) dst(%dma_wait3A_90 : memref<104x128xf32, #tpu.memory_space<vmem_shared>>)
      tpu.yield
    }) : () -> ()
    %mul3A_21 = arith.constant 624 : i32
    %mul3A_22 = arith.muli %arg1, %mul3A_21 : i32
    %add3A_23 = arith.constant 312 : i32
    %add3A_24 = arith.addi %mul3A_22, %add3A_23 : i32
    "tpu.region"() ({
      %run_scoped3A_82 = tpu.sem_alloc : memref<!tpu.dma_semaphore, #tpu.memory_space<semaphore_mem>>
      %dma_start3A_83 = arith.constant 0 : i32
      %dma_start3A_84 = tpu.memref_slice %arg10[%add3A_24, %dma_start3A_83] : memref<10000x128xf32, #tpu.memory_space<vmem_shared>> -> memref<104x128xf32, #tpu.memory_space<vmem_shared>>
      %dma_start3A_85 = arith.constant 0 : i32
      %dma_start3A_86 = tpu.memref_slice %arg10[%add3A_24, %dma_start3A_85] : memref<10000x128xf32, #tpu.memory_space<vmem_shared>> -> memref<104x128xf32, #tpu.memory_space<vmem_shared>>
      tpu.enqueue_dma source(%arg12 : memref<104x128xf32, #tpu.memory_space<vmem>>) target(%dma_start3A_86 : memref<104x128xf32, #tpu.memory_space<vmem_shared>>) target_semaphore(%run_scoped3A_82 : memref<!tpu.dma_semaphore, #tpu.memory_space<semaphore_mem>>)
      %dma_wait3A_87 = arith.constant 0 : i32
      %dma_wait3A_88 = tpu.memref_slice %arg10[%add3A_24, %dma_wait3A_87] : memref<10000x128xf32, #tpu.memory_space<vmem_shared>> -> memref<104x128xf32, #tpu.memory_space<vmem_shared>>
      %dma_wait3A_89 = arith.constant 0 : i32
      %dma_wait3A_90 = tpu.memref_slice %arg10[%add3A_24, %dma_wait3A_89] : memref<10000x128xf32, #tpu.memory_space<vmem_shared>> -> memref<104x128xf32, #tpu.memory_space<vmem_shared>>
      tpu.wait_dma2 semaphore(%run_scoped3A_82 : memref<!tpu.dma_semaphore, #tpu.memory_space<semaphore_mem>>) src(%arg12 : memref<104x128xf32, #tpu.memory_space<vmem>>) dst(%dma_wait3A_90 : memref<104x128xf32, #tpu.memory_space<vmem_shared>>)
      tpu.yield
    }) : () -> ()
    %mul3A_25 = arith.constant 624 : i32
    %mul3A_26 = arith.muli %arg1, %mul3A_25 : i32
    %add3A_27 = arith.constant 416 : i32
    %add3A_28 = arith.addi %mul3A_26, %add3A_27 : i32
    "tpu.region"() ({
      %run_scoped3A_82 = tpu.sem_alloc : memref<!tpu.dma_semaphore, #tpu.memory_space<semaphore_mem>>
      %dma_start3A_83 = arith.constant 0 : i32
      %dma_start3A_84 = tpu.memref_slice %arg10[%add3A_28, %dma_start3A_83] : memref<10000x128xf32, #tpu.memory_space<vmem_shared>> -> memref<104x128xf32, #tpu.memory_space<vmem_shared>>
      %dma_start3A_85 = arith.constant 0 : i32
      %dma_start3A_86 = tpu.memref_slice %arg10[%add3A_28, %dma_start3A_85] : memref<10000x128xf32, #tpu.memory_space<vmem_shared>> -> memref<104x128xf32, #tpu.memory_space<vmem_shared>>
      tpu.enqueue_dma source(%arg12 : memref<104x128xf32, #tpu.memory_space<vmem>>) target(%dma_start3A_86 : memref<104x128xf32, #tpu.memory_space<vmem_shared>>) target_semaphore(%run_scoped3A_82 : memref<!tpu.dma_semaphore, #tpu.memory_space<semaphore_mem>>)
      %dma_wait3A_87 = arith.constant 0 : i32
      %dma_wait3A_88 = tpu.memref_slice %arg10[%add3A_28, %dma_wait3A_87] : memref<10000x128xf32, #tpu.memory_space<vmem_shared>> -> memref<104x128xf32, #tpu.memory_space<vmem_shared>>
      %dma_wait3A_89 = arith.constant 0 : i32
      %dma_wait3A_90 = tpu.memref_slice %arg10[%add3A_28, %dma_wait3A_89] : memref<10000x128xf32, #tpu.memory_space<vmem_shared>> -> memref<104x128xf32, #tpu.memory_space<vmem_shared>>
      tpu.wait_dma2 semaphore(%run_scoped3A_82 : memref<!tpu.dma_semaphore, #tpu.memory_space<semaphore_mem>>) src(%arg12 : memref<104x128xf32, #tpu.memory_space<vmem>>) dst(%dma_wait3A_90 : memref<104x128xf32, #tpu.memory_space<vmem_shared>>)
      tpu.yield
    }) : () -> ()
    %mul3A_29 = arith.constant 624 : i32
    %mul3A_30 = arith.muli %arg1, %mul3A_29 : i32
    %add3A_31 = arith.constant 520 : i32
    %add3A_32 = arith.addi %mul3A_30, %add3A_31 : i32
    "tpu.region"() ({
      %run_scoped3A_82 = tpu.sem_alloc : memref<!tpu.dma_semaphore, #tpu.memory_space<semaphore_mem>>
      %dma_start3A_83 = arith.constant 0 : i32
      %dma_start3A_84 = tpu.memref_slice %arg10[%add3A_32, %dma_start3A_83] : memref<10000x128xf32, #tpu.memory_space<vmem_shared>> -> memref<104x128xf32, #tpu.memory_space<vmem_shared>>
      %dma_start3A_85 = arith.constant 0 : i32
      %dma_start3A_86 = tpu.memref_slice %arg10[%add3A_32, %dma_start3A_85] : memref<10000x128xf32, #tpu.memory_space<vmem_shared>> -> memref<104x128xf32, #tpu.memory_space<vmem_shared>>
      tpu.enqueue_dma source(%arg12 : memref<104x128xf32, #tpu.memory_space<vmem>>) target(%dma_start3A_86 : memref<104x128xf32, #tpu.memory_space<vmem_shared>>) target_semaphore(%run_scoped3A_82 : memref<!tpu.dma_semaphore, #tpu.memory_space<semaphore_mem>>)
      %dma_wait3A_87 = arith.constant 0 : i32
      %dma_wait3A_88 = tpu.memref_slice %arg10[%add3A_32, %dma_wait3A_87] : memref<10000x128xf32, #tpu.memory_space<vmem_shared>> -> memref<104x128xf32, #tpu.memory_space<vmem_shared>>
      %dma_wait3A_89 = arith.constant 0 : i32
      %dma_wait3A_90 = tpu.memref_slice %arg10[%add3A_32, %dma_wait3A_89] : memref<10000x128xf32, #tpu.memory_space<vmem_shared>> -> memref<104x128xf32, #tpu.memory_space<vmem_shared>>
      tpu.wait_dma2 semaphore(%run_scoped3A_82 : memref<!tpu.dma_semaphore, #tpu.memory_space<semaphore_mem>>) src(%arg12 : memref<104x128xf32, #tpu.memory_space<vmem>>) dst(%dma_wait3A_90 : memref<104x128xf32, #tpu.memory_space<vmem_shared>>)
      tpu.yield
    }) : () -> ()
    "tpu.region"() ({
      %run_scoped3A_82 = tpu.sem_alloc : memref<!tpu.dma_semaphore, #tpu.memory_space<semaphore_mem>>
      %dma_start3A_83 = arith.constant 0 : i32
      %dma_start3A_84 = arith.constant 0 : i32
      %dma_start3A_85 = tpu.memref_slice %arg12[%dma_start3A_83, %dma_start3A_84] : memref<104x128xf32, #tpu.memory_space<vmem>> -> memref<16x128xf32, #tpu.memory_space<vmem>>
      %dma_start3A_86 = arith.constant 9984 : i32
      %dma_start3A_87 = arith.constant 0 : i32
      %dma_start3A_88 = tpu.memref_slice %arg10[%dma_start3A_86, %dma_start3A_87] : memref<10000x128xf32, #tpu.memory_space<vmem_shared>> -> memref<16x128xf32, #tpu.memory_space<vmem_shared>>
      %dma_start3A_89 = arith.constant 9984 : i32
      %dma_start3A_90 = arith.constant 0 : i32
      %dma_start3A_91 = tpu.memref_slice %arg10[%dma_start3A_89, %dma_start3A_90] : memref<10000x128xf32, #tpu.memory_space<vmem_shared>> -> memref<16x128xf32, #tpu.memory_space<vmem_shared>>
      %dma_start3A_92 = arith.constant 0 : i32
      %dma_start3A_93 = arith.constant 0 : i32
      %dma_start3A_94 = tpu.memref_slice %arg12[%dma_start3A_92, %dma_start3A_93] : memref<104x128xf32, #tpu.memory_space<vmem>> -> memref<16x128xf32, #tpu.memory_space<vmem>>
      tpu.enqueue_dma source(%dma_start3A_94 : memref<16x128xf32, #tpu.memory_space<vmem>>) target(%dma_start3A_91 : memref<16x128xf32, #tpu.memory_space<vmem_shared>>) target_semaphore(%run_scoped3A_82 : memref<!tpu.dma_semaphore, #tpu.memory_space<semaphore_mem>>)
      %dma_wait3A_95 = arith.constant 0 : i32
      %dma_wait3A_96 = arith.constant 0 : i32
      %dma_wait3A_97 = tpu.memref_slice %arg12[%dma_wait3A_95, %dma_wait3A_96] : memref<104x128xf32, #tpu.memory_space<vmem>> -> memref<16x128xf32, #tpu.memory_space<vmem>>
      %dma_wait3A_98 = arith.constant 9984 : i32
      %dma_wait3A_99 = arith.constant 0 : i32
      %dma_wait3A_100 = tpu.memref_slice %arg10[%dma_wait3A_98, %dma_wait3A_99] : memref<10000x128xf32, #tpu.memory_space<vmem_shared>> -> memref<16x128xf32, #tpu.memory_space<vmem_shared>>
      %dma_wait3A_101 = arith.constant 9984 : i32
      %dma_wait3A_102 = arith.constant 0 : i32
      %dma_wait3A_103 = tpu.memref_slice %arg10[%dma_wait3A_101, %dma_wait3A_102] : memref<10000x128xf32, #tpu.memory_space<vmem_shared>> -> memref<16x128xf32, #tpu.memory_space<vmem_shared>>
      %dma_wait3A_104 = arith.constant 0 : i32
      %dma_wait3A_105 = arith.constant 0 : i32
      %dma_wait3A_106 = tpu.memref_slice %arg12[%dma_wait3A_104, %dma_wait3A_105] : memref<104x128xf32, #tpu.memory_space<vmem>> -> memref<16x128xf32, #tpu.memory_space<vmem>>
      tpu.wait_dma2 semaphore(%run_scoped3A_82 : memref<!tpu.dma_semaphore, #tpu.memory_space<semaphore_mem>>) src(%dma_wait3A_106 : memref<16x128xf32, #tpu.memory_space<vmem>>) dst(%dma_wait3A_103 : memref<16x128xf32, #tpu.memory_space<vmem_shared>>)
      tpu.yield
    }) : () -> ()
    %barrier3A = arith.constant 0 : index
    tpu.barrier barrier_id(%barrier3A)
    %multiple_of3A_33 = arith.constant 0 : i32
    %multiple_of3A_34 = tpu.assume_multiple %multiple_of3A_33, 8 : i32
    %dma_start3A = tpu.memref_slice %arg11[%multiple_of3A_34] : memref<10000xi32, #tpu.memory_space<vmem>> -> memref<104xi32, #tpu.memory_space<vmem>>
    %dma_start3A_35 = arith.constant 0 : i32
    %dma_start3A_36 = arith.constant 0 : i32
    %dma_start3A_37 = tpu.memref_slice %arg2[%dma_start3A_35, %dma_start3A_36] : memref<10000x128xf32, #tpu.memory_space<hbm>> -> memref<10000x128xf32, #tpu.memory_space<hbm>>
    tpu.enqueue_indirect_dma source(%dma_start3A_37 : memref<10000x128xf32, #tpu.memory_space<hbm>>) target(%arg9 : memref<104x128xf32, #tpu.memory_space<vmem>>) offsets(%dma_start3A : memref<104xi32, #tpu.memory_space<vmem>>) semaphore(%arg13 : memref<!tpu.dma_semaphore, #tpu.memory_space<semaphore_mem>>)
    %scan3A_38 = arith.constant 0 : i32
    %scan3A_39 = arith.constant 0 : i32
    %scan3A_40 = arith.constant 47 : i32
    %scan3A_41 = arith.addi %scan3A_39, %scan3A_40 : i32
    %scan3A_42 = arith.constant 1 : i32
    %scan3A_43 = scf.for %scan3A_82 = %scan3A_39 to %scan3A_41 step %scan3A_42 iter_args(%scan3A_83 = %scan3A_38) -> (i32)  : i32 {
      %mul3A_84 = arith.constant 2 : i32
      %mul3A_85 = arith.muli %mul3A_84, %scan3A_82 : i32
      %add3A_86 = arith.constant 1 : i32
      %add3A_87 = arith.addi %mul3A_85, %add3A_86 : i32
      %mul3A_88 = arith.constant 2 : i32
      %mul3A_89 = arith.muli %mul3A_88, %scan3A_82 : i32
      %add3A_90 = arith.constant 2 : i32
      %add3A_91 = arith.addi %mul3A_89, %add3A_90 : i32
      %mul3A_92 = arith.constant 104 : i32
      %mul3A_93 = arith.muli %add3A_87, %mul3A_92 : i32
      %multiple_of3A_94 = tpu.assume_multiple %mul3A_93, 8 : i32
      %dma_start3A_95 = tpu.memref_slice %arg11[%multiple_of3A_94] : memref<10000xi32, #tpu.memory_space<vmem>> -> memref<104xi32, #tpu.memory_space<vmem>>
      %dma_start3A_96 = arith.constant 0 : i32
      %dma_start3A_97 = arith.constant 0 : i32
      %dma_start3A_98 = tpu.memref_slice %arg2[%dma_start3A_96, %dma_start3A_97] : memref<10000x128xf32, #tpu.memory_space<hbm>> -> memref<10000x128xf32, #tpu.memory_space<hbm>>
      tpu.enqueue_indirect_dma source(%dma_start3A_98 : memref<10000x128xf32, #tpu.memory_space<hbm>>) target(%arg12 : memref<104x128xf32, #tpu.memory_space<vmem>>) offsets(%dma_start3A_95 : memref<104xi32, #tpu.memory_space<vmem>>) semaphore(%arg14 : memref<!tpu.dma_semaphore, #tpu.memory_space<semaphore_mem>>)
      %dma_wait3A_99 = arith.constant 0 : i32
      %dma_wait3A_100 = arith.constant 0 : i32
      %dma_wait3A_101 = tpu.memref_slice %arg7[%dma_wait3A_99, %dma_wait3A_100] : memref<96x104xi32, #tpu.memory_space<vmem>> -> memref<1x104xi32, #tpu.memory_space<vmem>>
      %dma_wait3A_102 = tpu.memref_squeeze %dma_wait3A_101 : memref<1x104xi32, #tpu.memory_space<vmem>> -> memref<104xi32, #tpu.memory_space<vmem>>
      %dma_wait3A_103 = arith.constant 0 : i32
      %dma_wait3A_104 = arith.constant 0 : i32
      %dma_wait3A_105 = tpu.memref_slice %arg2[%dma_wait3A_103, %dma_wait3A_104] : memref<10000x128xf32, #tpu.memory_space<hbm>> -> memref<10000x128xf32, #tpu.memory_space<hbm>>
      tpu.wait_indirect_dma semaphore(%arg13 : memref<!tpu.dma_semaphore, #tpu.memory_space<semaphore_mem>>) src(%dma_wait3A_105 : memref<10000x128xf32, #tpu.memory_space<hbm>>) dst(%arg9 : memref<104x128xf32, #tpu.memory_space<vmem>>)
      %mul3A_106 = arith.constant 2 : i32
      %mul3A_107 = arith.muli %mul3A_106, %scan3A_82 : i32
      %dma_start3A_108 = arith.constant 0 : i32
      %dma_start3A_109 = tpu.memref_slice %arg7[%mul3A_107, %dma_start3A_108] : memref<96x104xi32, #tpu.memory_space<vmem>> -> memref<1x104xi32, #tpu.memory_space<vmem>>
      %dma_start3A_110 = tpu.memref_squeeze %dma_start3A_109 : memref<1x104xi32, #tpu.memory_space<vmem>> -> memref<104xi32, #tpu.memory_space<vmem>>
      %dma_start3A_111 = arith.constant 0 : i32
      %dma_start3A_112 = arith.constant 0 : i32
      %dma_start3A_113 = tpu.memref_slice %arg10[%dma_start3A_111, %dma_start3A_112] : memref<10000x128xf32, #tpu.memory_space<vmem_shared>> -> memref<10000x128xf32, #tpu.memory_space<vmem_shared>>
      tpu.enqueue_indirect_dma source(%arg9 : memref<104x128xf32, #tpu.memory_space<vmem>>) target(%dma_start3A_113 : memref<10000x128xf32, #tpu.memory_space<vmem_shared>>) offsets(%dma_start3A_110 : memref<104xi32, #tpu.memory_space<vmem>>) semaphore(%arg15 : memref<!tpu.dma_semaphore, #tpu.memory_space<semaphore_mem>>) {add = true}
      %dma_wait3A_114 = arith.constant 0 : i32
      %dma_wait3A_115 = tpu.memref_slice %arg7[%mul3A_107, %dma_wait3A_114] : memref<96x104xi32, #tpu.memory_space<vmem>> -> memref<1x104xi32, #tpu.memory_space<vmem>>
      %dma_wait3A_116 = tpu.memref_squeeze %dma_wait3A_115 : memref<1x104xi32, #tpu.memory_space<vmem>> -> memref<104xi32, #tpu.memory_space<vmem>>
      %dma_wait3A_117 = arith.constant 0 : i32
      %dma_wait3A_118 = arith.constant 0 : i32
      %dma_wait3A_119 = tpu.memref_slice %arg10[%dma_wait3A_117, %dma_wait3A_118] : memref<10000x128xf32, #tpu.memory_space<vmem_shared>> -> memref<10000x128xf32, #tpu.memory_space<vmem_shared>>
      tpu.wait_indirect_dma semaphore(%arg15 : memref<!tpu.dma_semaphore, #tpu.memory_space<semaphore_mem>>) src(%arg9 : memref<104x128xf32, #tpu.memory_space<vmem>>) dst(%dma_wait3A_119 : memref<10000x128xf32, #tpu.memory_space<vmem_shared>>)
      %mul3A_120 = arith.constant 104 : i32
      %mul3A_121 = arith.muli %add3A_91, %mul3A_120 : i32
      %multiple_of3A_122 = tpu.assume_multiple %mul3A_121, 8 : i32
      %dma_start3A_123 = tpu.memref_slice %arg11[%multiple_of3A_122] : memref<10000xi32, #tpu.memory_space<vmem>> -> memref<104xi32, #tpu.memory_space<vmem>>
      %dma_start3A_124 = arith.constant 0 : i32
      %dma_start3A_125 = arith.constant 0 : i32
      %dma_start3A_126 = tpu.memref_slice %arg2[%dma_start3A_124, %dma_start3A_125] : memref<10000x128xf32, #tpu.memory_space<hbm>> -> memref<10000x128xf32, #tpu.memory_space<hbm>>
      tpu.enqueue_indirect_dma source(%dma_start3A_126 : memref<10000x128xf32, #tpu.memory_space<hbm>>) target(%arg9 : memref<104x128xf32, #tpu.memory_space<vmem>>) offsets(%dma_start3A_123 : memref<104xi32, #tpu.memory_space<vmem>>) semaphore(%arg13 : memref<!tpu.dma_semaphore, #tpu.memory_space<semaphore_mem>>)
      %dma_wait3A_127 = tpu.memref_slice %arg11[%multiple_of3A_94] : memref<10000xi32, #tpu.memory_space<vmem>> -> memref<104xi32, #tpu.memory_space<vmem>>
      %dma_wait3A_128 = arith.constant 0 : i32
      %dma_wait3A_129 = arith.constant 0 : i32
      %dma_wait3A_130 = tpu.memref_slice %arg2[%dma_wait3A_128, %dma_wait3A_129] : memref<10000x128xf32, #tpu.memory_space<hbm>> -> memref<10000x128xf32, #tpu.memory_space<hbm>>
      tpu.wait_indirect_dma semaphore(%arg14 : memref<!tpu.dma_semaphore, #tpu.memory_space<semaphore_mem>>) src(%dma_wait3A_130 : memref<10000x128xf32, #tpu.memory_space<hbm>>) dst(%arg12 : memref<104x128xf32, #tpu.memory_space<vmem>>)
      %dma_start3A_131 = arith.constant 0 : i32
      %dma_start3A_132 = tpu.memref_slice %arg7[%add3A_87, %dma_start3A_131] : memref<96x104xi32, #tpu.memory_space<vmem>> -> memref<1x104xi32, #tpu.memory_space<vmem>>
      %dma_start3A_133 = tpu.memref_squeeze %dma_start3A_132 : memref<1x104xi32, #tpu.memory_space<vmem>> -> memref<104xi32, #tpu.memory_space<vmem>>
      %dma_start3A_134 = arith.constant 0 : i32
      %dma_start3A_135 = arith.constant 0 : i32
      %dma_start3A_136 = tpu.memref_slice %arg10[%dma_start3A_134, %dma_start3A_135] : memref<10000x128xf32, #tpu.memory_space<vmem_shared>> -> memref<10000x128xf32, #tpu.memory_space<vmem_shared>>
      tpu.enqueue_indirect_dma source(%arg12 : memref<104x128xf32, #tpu.memory_space<vmem>>) target(%dma_start3A_136 : memref<10000x128xf32, #tpu.memory_space<vmem_shared>>) offsets(%dma_start3A_133 : memref<104xi32, #tpu.memory_space<vmem>>) semaphore(%arg16 : memref<!tpu.dma_semaphore, #tpu.memory_space<semaphore_mem>>) {add = true}
      %dma_wait3A_137 = arith.constant 0 : i32
      %dma_wait3A_138 = tpu.memref_slice %arg7[%add3A_87, %dma_wait3A_137] : memref<96x104xi32, #tpu.memory_space<vmem>> -> memref<1x104xi32, #tpu.memory_space<vmem>>
      %dma_wait3A_139 = tpu.memref_squeeze %dma_wait3A_138 : memref<1x104xi32, #tpu.memory_space<vmem>> -> memref<104xi32, #tpu.memory_space<vmem>>
      %dma_wait3A_140 = arith.constant 0 : i32
      %dma_wait3A_141 = arith.constant 0 : i32
      %dma_wait3A_142 = tpu.memref_slice %arg10[%dma_wait3A_140, %dma_wait3A_141] : memref<10000x128xf32, #tpu.memory_space<vmem_shared>> -> memref<10000x128xf32, #tpu.memory_space<vmem_shared>>
      tpu.wait_indirect_dma semaphore(%arg16 : memref<!tpu.dma_semaphore, #tpu.memory_space<semaphore_mem>>) src(%arg12 : memref<104x128xf32, #tpu.memory_space<vmem>>) dst(%dma_wait3A_142 : memref<10000x128xf32, #tpu.memory_space<vmem_shared>>)
      %scan3A_143 = arith.constant 0 : i32
      scf.yield %scan3A_143 : i32
    }
    %scan3A_44 = arith.constant 47 : i32
    %multiple_of3A_45 = arith.constant 9880 : i32
    %multiple_of3A_46 = tpu.assume_multiple %multiple_of3A_45, 8 : i32
    %dma_start3A_47 = tpu.memref_slice %arg11[%multiple_of3A_46] : memref<10000xi32, #tpu.memory_space<vmem>> -> memref<104xi32, #tpu.memory_space<vmem>>
    %dma_start3A_48 = arith.constant 0 : i32
    %dma_start3A_49 = arith.constant 0 : i32
    %dma_start3A_50 = tpu.memref_slice %arg2[%dma_start3A_48, %dma_start3A_49] : memref<10000x128xf32, #tpu.memory_space<hbm>> -> memref<10000x128xf32, #tpu.memory_space<hbm>>
    tpu.enqueue_indirect_dma source(%dma_start3A_50 : memref<10000x128xf32, #tpu.memory_space<hbm>>) target(%arg12 : memref<104x128xf32, #tpu.memory_space<vmem>>) offsets(%dma_start3A_47 : memref<104xi32, #tpu.memory_space<vmem>>) semaphore(%arg14 : memref<!tpu.dma_semaphore, #tpu.memory_space<semaphore_mem>>)
    %dma_wait3A = arith.constant 0 : i32
    %dma_wait3A_51 = arith.constant 0 : i32
    %dma_wait3A_52 = tpu.memref_slice %arg7[%dma_wait3A, %dma_wait3A_51] : memref<96x104xi32, #tpu.memory_space<vmem>> -> memref<1x104xi32, #tpu.memory_space<vmem>>
    %dma_wait3A_53 = tpu.memref_squeeze %dma_wait3A_52 : memref<1x104xi32, #tpu.memory_space<vmem>> -> memref<104xi32, #tpu.memory_space<vmem>>
    %dma_wait3A_54 = arith.constant 0 : i32
    %dma_wait3A_55 = arith.constant 0 : i32
    %dma_wait3A_56 = tpu.memref_slice %arg2[%dma_wait3A_54, %dma_wait3A_55] : memref<10000x128xf32, #tpu.memory_space<hbm>> -> memref<10000x128xf32, #tpu.memory_space<hbm>>
    tpu.wait_indirect_dma semaphore(%arg13 : memref<!tpu.dma_semaphore, #tpu.memory_space<semaphore_mem>>) src(%dma_wait3A_56 : memref<10000x128xf32, #tpu.memory_space<hbm>>) dst(%arg9 : memref<104x128xf32, #tpu.memory_space<vmem>>)
    %run_scoped3A = arith.constant 94 : i32
    "tpu.region"() ({
      %run_scoped3A_82 = tpu.sem_alloc : memref<!tpu.dma_semaphore, #tpu.memory_space<semaphore_mem>>
      %dma_start3A_83 = arith.constant 0 : i32
      %dma_start3A_84 = tpu.memref_slice %arg7[%run_scoped3A, %dma_start3A_83] : memref<96x104xi32, #tpu.memory_space<vmem>> -> memref<1x104xi32, #tpu.memory_space<vmem>>
      %dma_start3A_85 = tpu.memref_squeeze %dma_start3A_84 : memref<1x104xi32, #tpu.memory_space<vmem>> -> memref<104xi32, #tpu.memory_space<vmem>>
      %dma_start3A_86 = arith.constant 0 : i32
      %dma_start3A_87 = arith.constant 0 : i32
      %dma_start3A_88 = tpu.memref_slice %arg10[%dma_start3A_86, %dma_start3A_87] : memref<10000x128xf32, #tpu.memory_space<vmem_shared>> -> memref<10000x128xf32, #tpu.memory_space<vmem_shared>>
      tpu.enqueue_indirect_dma source(%arg9 : memref<104x128xf32, #tpu.memory_space<vmem>>) target(%dma_start3A_88 : memref<10000x128xf32, #tpu.memory_space<vmem_shared>>) offsets(%dma_start3A_85 : memref<104xi32, #tpu.memory_space<vmem>>) semaphore(%run_scoped3A_82 : memref<!tpu.dma_semaphore, #tpu.memory_space<semaphore_mem>>) {add = true}
      %dma_wait3A_89 = arith.constant 0 : i32
      %dma_wait3A_90 = tpu.memref_slice %arg7[%run_scoped3A, %dma_wait3A_89] : memref<96x104xi32, #tpu.memory_space<vmem>> -> memref<1x104xi32, #tpu.memory_space<vmem>>
      %dma_wait3A_91 = tpu.memref_squeeze %dma_wait3A_90 : memref<1x104xi32, #tpu.memory_space<vmem>> -> memref<104xi32, #tpu.memory_space<vmem>>
      %dma_wait3A_92 = arith.constant 0 : i32
      %dma_wait3A_93 = arith.constant 0 : i32
      %dma_wait3A_94 = tpu.memref_slice %arg10[%dma_wait3A_92, %dma_wait3A_93] : memref<10000x128xf32, #tpu.memory_space<vmem_shared>> -> memref<10000x128xf32, #tpu.memory_space<vmem_shared>>
      tpu.wait_indirect_dma semaphore(%run_scoped3A_82 : memref<!tpu.dma_semaphore, #tpu.memory_space<semaphore_mem>>) src(%arg9 : memref<104x128xf32, #tpu.memory_space<vmem>>) dst(%dma_wait3A_94 : memref<10000x128xf32, #tpu.memory_space<vmem_shared>>)
      tpu.yield
    }) : () -> ()
    %multiple_of3A_57 = arith.constant 9984 : i32
    %multiple_of3A_58 = tpu.assume_multiple %multiple_of3A_57, 8 : i32
    %dma_start3A_59 = arith.constant 0 : i32
    %dma_start3A_60 = arith.constant 0 : i32
    %dma_start3A_61 = tpu.memref_slice %arg9[%dma_start3A_59, %dma_start3A_60] : memref<104x128xf32, #tpu.memory_space<vmem>> -> memref<16x128xf32, #tpu.memory_space<vmem>>
    %dma_start3A_62 = tpu.memref_slice %arg11[%multiple_of3A_58] : memref<10000xi32, #tpu.memory_space<vmem>> -> memref<16xi32, #tpu.memory_space<vmem>>
    %dma_start3A_63 = arith.constant 0 : i32
    %dma_start3A_64 = arith.constant 0 : i32
    %dma_start3A_65 = tpu.memref_slice %arg2[%dma_start3A_63, %dma_start3A_64] : memref<10000x128xf32, #tpu.memory_space<hbm>> -> memref<10000x128xf32, #tpu.memory_space<hbm>>
    tpu.enqueue_indirect_dma source(%dma_start3A_65 : memref<10000x128xf32, #tpu.memory_space<hbm>>) target(%dma_start3A_61 : memref<16x128xf32, #tpu.memory_space<vmem>>) offsets(%dma_start3A_62 : memref<16xi32, #tpu.memory_space<vmem>>) semaphore(%arg13 : memref<!tpu.dma_semaphore, #tpu.memory_space<semaphore_mem>>)
    %dma_wait3A_66 = tpu.memref_slice %arg11[%multiple_of3A_46] : memref<10000xi32, #tpu.memory_space<vmem>> -> memref<104xi32, #tpu.memory_space<vmem>>
    %dma_wait3A_67 = arith.constant 0 : i32
    %dma_wait3A_68 = arith.constant 0 : i32
    %dma_wait3A_69 = tpu.memref_slice %arg2[%dma_wait3A_67, %dma_wait3A_68] : memref<10000x128xf32, #tpu.memory_space<hbm>> -> memref<10000x128xf32, #tpu.memory_space<hbm>>
    tpu.wait_indirect_dma semaphore(%arg14 : memref<!tpu.dma_semaphore, #tpu.memory_space<semaphore_mem>>) src(%dma_wait3A_69 : memref<10000x128xf32, #tpu.memory_space<hbm>>) dst(%arg12 : memref<104x128xf32, #tpu.memory_space<vmem>>)
    %run_scoped3A_70 = arith.constant 95 : i32
    "tpu.region"() ({
      %run_scoped3A_82 = tpu.sem_alloc : memref<!tpu.dma_semaphore, #tpu.memory_space<semaphore_mem>>
      %dma_start3A_83 = arith.constant 0 : i32
      %dma_start3A_84 = tpu.memref_slice %arg7[%run_scoped3A_70, %dma_start3A_83] : memref<96x104xi32, #tpu.memory_space<vmem>> -> memref<1x104xi32, #tpu.memory_space<vmem>>
      %dma_start3A_85 = tpu.memref_squeeze %dma_start3A_84 : memref<1x104xi32, #tpu.memory_space<vmem>> -> memref<104xi32, #tpu.memory_space<vmem>>
      %dma_start3A_86 = arith.constant 0 : i32
      %dma_start3A_87 = arith.constant 0 : i32
      %dma_start3A_88 = tpu.memref_slice %arg10[%dma_start3A_86, %dma_start3A_87] : memref<10000x128xf32, #tpu.memory_space<vmem_shared>> -> memref<10000x128xf32, #tpu.memory_space<vmem_shared>>
      tpu.enqueue_indirect_dma source(%arg12 : memref<104x128xf32, #tpu.memory_space<vmem>>) target(%dma_start3A_88 : memref<10000x128xf32, #tpu.memory_space<vmem_shared>>) offsets(%dma_start3A_85 : memref<104xi32, #tpu.memory_space<vmem>>) semaphore(%run_scoped3A_82 : memref<!tpu.dma_semaphore, #tpu.memory_space<semaphore_mem>>) {add = true}
      %dma_wait3A_89 = arith.constant 0 : i32
      %dma_wait3A_90 = tpu.memref_slice %arg7[%run_scoped3A_70, %dma_wait3A_89] : memref<96x104xi32, #tpu.memory_space<vmem>> -> memref<1x104xi32, #tpu.memory_space<vmem>>
      %dma_wait3A_91 = tpu.memref_squeeze %dma_wait3A_90 : memref<1x104xi32, #tpu.memory_space<vmem>> -> memref<104xi32, #tpu.memory_space<vmem>>
      %dma_wait3A_92 = arith.constant 0 : i32
      %dma_wait3A_93 = arith.constant 0 : i32
      %dma_wait3A_94 = tpu.memref_slice %arg10[%dma_wait3A_92, %dma_wait3A_93] : memref<10000x128xf32, #tpu.memory_space<vmem_shared>> -> memref<10000x128xf32, #tpu.memory_space<vmem_shared>>
      tpu.wait_indirect_dma semaphore(%run_scoped3A_82 : memref<!tpu.dma_semaphore, #tpu.memory_space<semaphore_mem>>) src(%arg12 : memref<104x128xf32, #tpu.memory_space<vmem>>) dst(%dma_wait3A_94 : memref<10000x128xf32, #tpu.memory_space<vmem_shared>>)
      tpu.yield
    }) : () -> ()
    %dma_wait3A_71 = arith.constant 0 : i32
    %dma_wait3A_72 = arith.constant 0 : i32
    %dma_wait3A_73 = tpu.memref_slice %arg9[%dma_wait3A_71, %dma_wait3A_72] : memref<104x128xf32, #tpu.memory_space<vmem>> -> memref<16x128xf32, #tpu.memory_space<vmem>>
    %dma_wait3A_74 = tpu.memref_slice %arg11[%multiple_of3A_58] : memref<10000xi32, #tpu.memory_space<vmem>> -> memref<16xi32, #tpu.memory_space<vmem>>
    %dma_wait3A_75 = arith.constant 0 : i32
    %dma_wait3A_76 = arith.constant 0 : i32
    %dma_wait3A_77 = tpu.memref_slice %arg2[%dma_wait3A_75, %dma_wait3A_76] : memref<10000x128xf32, #tpu.memory_space<hbm>> -> memref<10000x128xf32, #tpu.memory_space<hbm>>
    tpu.wait_indirect_dma semaphore(%arg13 : memref<!tpu.dma_semaphore, #tpu.memory_space<semaphore_mem>>) src(%dma_wait3A_77 : memref<10000x128xf32, #tpu.memory_space<hbm>>) dst(%dma_wait3A_73 : memref<16x128xf32, #tpu.memory_space<vmem>>)
    "tpu.region"() ({
      %run_scoped3A_82 = tpu.sem_alloc : memref<!tpu.dma_semaphore, #tpu.memory_space<semaphore_mem>>
      %dma_start3A_83 = arith.constant 0 : i32
      %dma_start3A_84 = arith.constant 0 : i32
      %dma_start3A_85 = tpu.memref_slice %arg9[%dma_start3A_83, %dma_start3A_84] : memref<104x128xf32, #tpu.memory_space<vmem>> -> memref<16x128xf32, #tpu.memory_space<vmem>>
      %dma_start3A_86 = arith.constant 0 : i32
      %dma_start3A_87 = arith.constant 0 : i32
      %dma_start3A_88 = tpu.memref_slice %arg10[%dma_start3A_86, %dma_start3A_87] : memref<10000x128xf32, #tpu.memory_space<vmem_shared>> -> memref<10000x128xf32, #tpu.memory_space<vmem_shared>>
      tpu.enqueue_indirect_dma source(%dma_start3A_85 : memref<16x128xf32, #tpu.memory_space<vmem>>) target(%dma_start3A_88 : memref<10000x128xf32, #tpu.memory_space<vmem_shared>>) offsets(%arg8 : memref<16xi32, #tpu.memory_space<vmem>>) semaphore(%run_scoped3A_82 : memref<!tpu.dma_semaphore, #tpu.memory_space<semaphore_mem>>) {add = true}
      %dma_wait3A_89 = arith.constant 0 : i32
      %dma_wait3A_90 = arith.constant 0 : i32
      %dma_wait3A_91 = tpu.memref_slice %arg9[%dma_wait3A_89, %dma_wait3A_90] : memref<104x128xf32, #tpu.memory_space<vmem>> -> memref<16x128xf32, #tpu.memory_space<vmem>>
      %dma_wait3A_92 = arith.constant 0 : i32
      %dma_wait3A_93 = arith.constant 0 : i32
      %dma_wait3A_94 = tpu.memref_slice %arg10[%dma_wait3A_92, %dma_wait3A_93] : memref<10000x128xf32, #tpu.memory_space<vmem_shared>> -> memref<10000x128xf32, #tpu.memory_space<vmem_shared>>
      tpu.wait_indirect_dma semaphore(%run_scoped3A_82 : memref<!tpu.dma_semaphore, #tpu.memory_space<semaphore_mem>>) src(%dma_wait3A_91 : memref<16x128xf32, #tpu.memory_space<vmem>>) dst(%dma_wait3A_94 : memref<10000x128xf32, #tpu.memory_space<vmem_shared>>)
      tpu.yield
    }) : () -> ()
    %barrier3A_78 = arith.constant 0 : index
    tpu.barrier barrier_id(%barrier3A_78)
    %mul3A_79 = arith.constant 624 : i32
    %mul3A_80 = arith.muli %arg1, %mul3A_79 : i32
    %multiple_of3A_81 = tpu.assume_multiple %mul3A_80, 8 : i32
    "tpu.region"() ({
      %run_scoped3A_82 = tpu.sem_alloc : memref<!tpu.dma_semaphore, #tpu.memory_space<semaphore_mem>>
      %dma_start3A_83 = arith.constant 0 : i32
      %dma_start3A_84 = tpu.memref_slice %arg6[%arg0, %multiple_of3A_81, %dma_start3A_83] : memref<2x10000x128xf32, #tpu.memory_space<hbm>> -> memref<1x624x128xf32, #tpu.memory_space<hbm>>
      %dma_start3A_85 = tpu.memref_squeeze %dma_start3A_84 : memref<1x624x128xf32, #tpu.memory_space<hbm>> -> memref<624x128xf32, #tpu.memory_space<hbm>>
      %dma_start3A_86 = arith.constant 0 : i32
      %dma_start3A_87 = tpu.memref_slice %arg10[%multiple_of3A_81, %dma_start3A_86] : memref<10000x128xf32, #tpu.memory_space<vmem_shared>> -> memref<624x128xf32, #tpu.memory_space<vmem_shared>>
      tpu.enqueue_dma source(%dma_start3A_87 : memref<624x128xf32, #tpu.memory_space<vmem_shared>>) target(%dma_start3A_85 : memref<624x128xf32, #tpu.memory_space<hbm>>) target_semaphore(%run_scoped3A_82 : memref<!tpu.dma_semaphore, #tpu.memory_space<semaphore_mem>>)
      %dma_wait3A_88 = arith.constant 0 : i32
      %dma_wait3A_89 = tpu.memref_slice %arg6[%arg0, %multiple_of3A_81, %dma_wait3A_88] : memref<2x10000x128xf32, #tpu.memory_space<hbm>> -> memref<1x624x128xf32, #tpu.memory_space<hbm>>
      %dma_wait3A_90 = tpu.memref_squeeze %dma_wait3A_89 : memref<1x624x128xf32, #tpu.memory_space<hbm>> -> memref<624x128xf32, #tpu.memory_space<hbm>>
      %dma_wait3A_91 = arith.constant 0 : i32
      %dma_wait3A_92 = tpu.memref_slice %arg10[%multiple_of3A_81, %dma_wait3A_91] : memref<10000x128xf32, #tpu.memory_space<vmem_shared>> -> memref<624x128xf32, #tpu.memory_space<vmem_shared>>
      tpu.wait_dma2 semaphore(%run_scoped3A_82 : memref<!tpu.dma_semaphore, #tpu.memory_space<semaphore_mem>>) src(%dma_wait3A_92 : memref<624x128xf32, #tpu.memory_space<vmem_shared>>) dst(%dma_wait3A_90 : memref<624x128xf32, #tpu.memory_space<hbm>>)
      tpu.yield
    }) : () -> ()
    "tpu.region"() ({
      %run_scoped3A_82 = tpu.sem_alloc : memref<!tpu.dma_semaphore, #tpu.memory_space<semaphore_mem>>
      %dma_start3A_83 = arith.constant 9984 : i32
      %dma_start3A_84 = arith.constant 0 : i32
      %dma_start3A_85 = tpu.memref_slice %arg6[%arg0, %dma_start3A_83, %dma_start3A_84] : memref<2x10000x128xf32, #tpu.memory_space<hbm>> -> memref<1x16x128xf32, #tpu.memory_space<hbm>>
      %dma_start3A_86 = tpu.memref_squeeze %dma_start3A_85 : memref<1x16x128xf32, #tpu.memory_space<hbm>> -> memref<16x128xf32, #tpu.memory_space<hbm>>
      %dma_start3A_87 = arith.constant 9984 : i32
      %dma_start3A_88 = arith.constant 0 : i32
      %dma_start3A_89 = tpu.memref_slice %arg10[%dma_start3A_87, %dma_start3A_88] : memref<10000x128xf32, #tpu.memory_space<vmem_shared>> -> memref<16x128xf32, #tpu.memory_space<vmem_shared>>
      tpu.enqueue_dma source(%dma_start3A_89 : memref<16x128xf32, #tpu.memory_space<vmem_shared>>) target(%dma_start3A_86 : memref<16x128xf32, #tpu.memory_space<hbm>>) target_semaphore(%run_scoped3A_82 : memref<!tpu.dma_semaphore, #tpu.memory_space<semaphore_mem>>)
      %dma_wait3A_90 = arith.constant 9984 : i32
      %dma_wait3A_91 = arith.constant 0 : i32
      %dma_wait3A_92 = tpu.memref_slice %arg6[%arg0, %dma_wait3A_90, %dma_wait3A_91] : memref<2x10000x128xf32, #tpu.memory_space<hbm>> -> memref<1x16x128xf32, #tpu.memory_space<hbm>>
      %dma_wait3A_93 = tpu.memref_squeeze %dma_wait3A_92 : memref<1x16x128xf32, #tpu.memory_space<hbm>> -> memref<16x128xf32, #tpu.memory_space<hbm>>
      %dma_wait3A_94 = arith.constant 9984 : i32
      %dma_wait3A_95 = arith.constant 0 : i32
      %dma_wait3A_96 = tpu.memref_slice %arg10[%dma_wait3A_94, %dma_wait3A_95] : memref<10000x128xf32, #tpu.memory_space<vmem_shared>> -> memref<16x128xf32, #tpu.memory_space<vmem_shared>>
      tpu.wait_dma2 semaphore(%run_scoped3A_82 : memref<!tpu.dma_semaphore, #tpu.memory_space<semaphore_mem>>) src(%dma_wait3A_96 : memref<16x128xf32, #tpu.memory_space<vmem_shared>>) dst(%dma_wait3A_93 : memref<16x128xf32, #tpu.memory_space<hbm>>)
      tpu.yield
    }) : () -> ()
    return
  }
}

#map = affine_map<(d0, d1) -> (0, 0)>
#map1 = affine_map<(d0, d1) -> (0)>
#map2 = affine_map<(d0, d1) -> (0, 0, 0)>
module attributes {stable_mosaic.version = 14 : i64} {
  func.func @body(%arg0: i32, %arg1: i32, %arg2: memref<10000x128xf32, #tpu.memory_space<hbm>>, %arg3: memref<320000xi32, #tpu.memory_space<hbm>>, %arg4: memref<32x96x104xi32, #tpu.memory_space<hbm>>, %arg5: memref<32x16xi32, #tpu.memory_space<hbm>>, %arg6: memref<2x10000x128xf32, #tpu.memory_space<hbm>>, %arg7: memref<96x104xi32, #tpu.memory_space<vmem>>, %arg8: memref<16xi32, #tpu.memory_space<vmem>>, %arg9: memref<104x128xf32, #tpu.memory_space<vmem>>, %arg10: memref<10000x128xf32, #tpu.memory_space<vmem_shared>>, %arg11: memref<10000xi32, #tpu.memory_space<vmem>>, %arg12: memref<104x128xf32, #tpu.memory_space<vmem>>, %arg13: memref<!tpu.dma_semaphore, #tpu.memory_space<semaphore_mem>>, %arg14: memref<!tpu.dma_semaphore, #tpu.memory_space<semaphore_mem>>, %arg15: memref<!tpu.dma_semaphore, #tpu.memory_space<semaphore_mem>>, %arg16: memref<!tpu.dma_semaphore, #tpu.memory_space<semaphore_mem>>) attributes {dimension_semantics = [#tpu.dimension_semantics<core_parallel>, #tpu.dimension_semantics<subcore_parallel>], iteration_bounds = array<i64: 2, 16>, scalar_prefetch = 0 : i64, scratch_operands = 10 : i64, tpu.core_type = #tpu.core_type<sc_vector_subcore>, window_params = [{transform_indices = #map}, {transform_indices = #map1}, {transform_indices = #map2}, {transform_indices = #map}, {transform_indices = #map2}]} {
    %mul3A = arith.constant 16 : i32
    %mul3A_0 = arith.muli %arg0, %mul3A : i32
    %add3A = arith.addi %mul3A_0, %arg1 : i32
    "tpu.region"() ({
      %run_scoped3A_82 = tpu.sem_alloc : memref<!tpu.dma_semaphore, #tpu.memory_space<semaphore_mem>>
      %dma_start3A_83 = arith.constant 0 : i32
      %dma_start3A_84 = arith.constant 0 : i32
      %dma_start3A_85 = tpu.memref_slice %arg4[%add3A, %dma_start3A_83, %dma_start3A_84] : memref<32x96x104xi32, #tpu.memory_space<hbm>> -> memref<1x96x104xi32, #tpu.memory_space<hbm>>
      %dma_start3A_86 = tpu.memref_squeeze %dma_start3A_85 : memref<1x96x104xi32, #tpu.memory_space<hbm>> -> memref<96x104xi32, #tpu.memory_space<hbm>>
      %dma_start3A_87 = arith.constant 0 : i32
      %dma_start3A_88 = arith.constant 0 : i32
      %dma_start3A_89 = tpu.memref_slice %arg4[%add3A, %dma_start3A_87, %dma_start3A_88] : memref<32x96x104xi32, #tpu.memory_space<hbm>> -> memref<1x96x104xi32, #tpu.memory_space<hbm>>
      %dma_start3A_90 = tpu.memref_squeeze %dma_start3A_89 : memref<1x96x104xi32, #tpu.memory_space<hbm>> -> memref<96x104xi32, #tpu.memory_space<hbm>>
      tpu.enqueue_dma source(%dma_start3A_90 : memref<96x104xi32, #tpu.memory_space<hbm>>) target(%arg7 : memref<96x104xi32, #tpu.memory_space<vmem>>) target_semaphore(%run_scoped3A_82 : memref<!tpu.dma_semaphore, #tpu.memory_space<semaphore_mem>>)
      %dma_wait3A_91 = arith.constant 0 : i32
      %dma_wait3A_92 = arith.constant 0 : i32
      %dma_wait3A_93 = tpu.memref_slice %arg4[%add3A, %dma_wait3A_91, %dma_wait3A_92] : memref<32x96x104xi32, #tpu.memory_space<hbm>> -> memref<1x96x104xi32, #tpu.memory_space<hbm>>
      %dma_wait3A_94 = tpu.memref_squeeze %dma_wait3A_93 : memref<1x96x104xi32, #tpu.memory_space<hbm>> -> memref<96x104xi32, #tpu.memory_space<hbm>>
      %dma_wait3A_95 = arith.constant 0 : i32
      %dma_wait3A_96 = arith.constant 0 : i32
      %dma_wait3A_97 = tpu.memref_slice %arg4[%add3A, %dma_wait3A_95, %dma_wait3A_96] : memref<32x96x104xi32, #tpu.memory_space<hbm>> -> memref<1x96x104xi32, #tpu.memory_space<hbm>>
      %dma_wait3A_98 = tpu.memref_squeeze %dma_wait3A_97 : memref<1x96x104xi32, #tpu.memory_space<hbm>> -> memref<96x104xi32, #tpu.memory_space<hbm>>
      tpu.wait_dma2 semaphore(%run_scoped3A_82 : memref<!tpu.dma_semaphore, #tpu.memory_space<semaphore_mem>>) src(%dma_wait3A_98 : memref<96x104xi32, #tpu.memory_space<hbm>>) dst(%arg7 : memref<96x104xi32, #tpu.memory_space<vmem>>)
      tpu.yield
    }) : () -> ()
    "tpu.region"() ({
      %run_scoped3A_82 = tpu.sem_alloc : memref<!tpu.dma_semaphore, #tpu.memory_space<semaphore_mem>>
      %dma_start3A_83 = arith.constant 0 : i32
      %dma_start3A_84 = tpu.memref_slice %arg5[%add3A, %dma_start3A_83] : memref<32x16xi32, #tpu.memory_space<hbm>> -> memref<1x16xi32, #tpu.memory_space<hbm>>
      %dma_start3A_85 = tpu.memref_squeeze %dma_start3A_84 : memref<1x16xi32, #tpu.memory_space<hbm>> -> memref<16xi32, #tpu.memory_space<hbm>>
      %dma_start3A_86 = arith.constant 0 : i32
      %dma_start3A_87 = tpu.memref_slice %arg5[%add3A, %dma_start3A_86] : memref<32x16xi32, #tpu.memory_space<hbm>> -> memref<1x16xi32, #tpu.memory_space<hbm>>
      %dma_start3A_88 = tpu.memref_squeeze %dma_start3A_87 : memref<1x16xi32, #tpu.memory_space<hbm>> -> memref<16xi32, #tpu.memory_space<hbm>>
      tpu.enqueue_dma source(%dma_start3A_88 : memref<16xi32, #tpu.memory_space<hbm>>) target(%arg8 : memref<16xi32, #tpu.memory_space<vmem>>) target_semaphore(%run_scoped3A_82 : memref<!tpu.dma_semaphore, #tpu.memory_space<semaphore_mem>>)
      %dma_wait3A_89 = arith.constant 0 : i32
      %dma_wait3A_90 = tpu.memref_slice %arg5[%add3A, %dma_wait3A_89] : memref<32x16xi32, #tpu.memory_space<hbm>> -> memref<1x16xi32, #tpu.memory_space<hbm>>
      %dma_wait3A_91 = tpu.memref_squeeze %dma_wait3A_90 : memref<1x16xi32, #tpu.memory_space<hbm>> -> memref<16xi32, #tpu.memory_space<hbm>>
      %dma_wait3A_92 = arith.constant 0 : i32
      %dma_wait3A_93 = tpu.memref_slice %arg5[%add3A, %dma_wait3A_92] : memref<32x16xi32, #tpu.memory_space<hbm>> -> memref<1x16xi32, #tpu.memory_space<hbm>>
      %dma_wait3A_94 = tpu.memref_squeeze %dma_wait3A_93 : memref<1x16xi32, #tpu.memory_space<hbm>> -> memref<16xi32, #tpu.memory_space<hbm>>
      tpu.wait_dma2 semaphore(%run_scoped3A_82 : memref<!tpu.dma_semaphore, #tpu.memory_space<semaphore_mem>>) src(%dma_wait3A_94 : memref<16xi32, #tpu.memory_space<hbm>>) dst(%arg8 : memref<16xi32, #tpu.memory_space<vmem>>)
      tpu.yield
    }) : () -> ()
    %mul3A_1 = arith.constant 10000 : i32
    %mul3A_2 = arith.muli %add3A, %mul3A_1 : i32
    %multiple_of3A = tpu.assume_multiple %mul3A_2, 8 : i32
    "tpu.region"() ({
      %run_scoped3A_82 = tpu.sem_alloc : memref<!tpu.dma_semaphore, #tpu.memory_space<semaphore_mem>>
      %dma_start3A_83 = tpu.memref_slice %arg3[%multiple_of3A] : memref<320000xi32, #tpu.memory_space<hbm>> -> memref<10000xi32, #tpu.memory_space<hbm>>
      %dma_start3A_84 = tpu.memref_slice %arg3[%multiple_of3A] : memref<320000xi32, #tpu.memory_space<hbm>> -> memref<10000xi32, #tpu.memory_space<hbm>>
      tpu.enqueue_dma source(%dma_start3A_84 : memref<10000xi32, #tpu.memory_space<hbm>>) target(%arg11 : memref<10000xi32, #tpu.memory_space<vmem>>) target_semaphore(%run_scoped3A_82 : memref<!tpu.dma_semaphore, #tpu.memory_space<semaphore_mem>>)
      %dma_wait3A_85 = tpu.memref_slice %arg3[%multiple_of3A] : memref<320000xi32, #tpu.memory_space<hbm>> -> memref<10000xi32, #tpu.memory_space<hbm>>
      %dma_wait3A_86 = tpu.memref_slice %arg3[%multiple_of3A] : memref<320000xi32, #tpu.memory_space<hbm>> -> memref<10000xi32, #tpu.memory_space<hbm>>
      tpu.wait_dma2 semaphore(%run_scoped3A_82 : memref<!tpu.dma_semaphore, #tpu.memory_space<semaphore_mem>>) src(%dma_wait3A_86 : memref<10000xi32, #tpu.memory_space<hbm>>) dst(%arg11 : memref<10000xi32, #tpu.memory_space<vmem>>)
      tpu.yield
    }) : () -> ()
    %scan3A = arith.constant 0 : i32
    %scan3A_3 = arith.constant 0 : i32
    %scan3A_4 = arith.constant 832 : i32
    %scan3A_5 = arith.addi %scan3A_3, %scan3A_4 : i32
    %scan3A_6 = arith.constant 1 : i32
    %scan3A_7 = scf.for %scan3A_82 = %scan3A_3 to %scan3A_5 step %scan3A_6 iter_args(%scan3A_83 = %scan3A) -> (i32)  : i32 {
      %broadcast_in_dim3A = arith.constant 0.000000e+00 : f32
      %broadcast_in_dim3A_84 = vector.broadcast %broadcast_in_dim3A : f32 to vector<16xf32>
      %jit3A = arith.constant 8 : i32
      %div3A = arith.divsi %scan3A_82, %jit3A : i32
      %sign3A = arith.constant 0 : i32
      %sign3A_85 = arith.cmpi sgt, %scan3A_82, %sign3A : i32
      %sign3A_86 = arith.extui %sign3A_85 : i1 to i32
      %sign3A_87 = arith.constant 0 : i32
      %sign3A_88 = arith.cmpi slt, %scan3A_82, %sign3A_87 : i32
      %sign3A_89 = arith.extui %sign3A_88 : i1 to i32
      %sign3A_90 = arith.subi %sign3A_86, %sign3A_89 : i32
      %sign3A_91 = arith.constant 0 : i32
      %sign3A_92 = arith.cmpi sgt, %jit3A, %sign3A_91 : i32
      %sign3A_93 = arith.extui %sign3A_92 : i1 to i32
      %sign3A_94 = arith.constant 0 : i32
      %sign3A_95 = arith.cmpi slt, %jit3A, %sign3A_94 : i32
      %sign3A_96 = arith.extui %sign3A_95 : i1 to i32
      %sign3A_97 = arith.subi %sign3A_93, %sign3A_96 : i32
      %ne3A = arith.cmpi ne, %sign3A_90, %sign3A_97 : i32
      %rem3A = arith.remsi %scan3A_82, %jit3A : i32
      %ne3A_98 = arith.constant 0 : i32
      %ne3A_99 = arith.cmpi ne, %rem3A, %ne3A_98 : i32
      %and3A = arith.andi %ne3A, %ne3A_99 : i1
      %sub3A = arith.constant 1 : i32
      %sub3A_100 = arith.subi %div3A, %sub3A : i32
      %select_n3A = arith.select %and3A, %sub3A_100, %div3A : i32
      %jit3A_101 = arith.constant 8 : i32
      %eq3A = arith.constant 0 : i32
      %eq3A_102 = arith.cmpi eq, %jit3A_101, %eq3A : i32
      %jit3A_103 = arith.constant 1 : i32
      %select_n3A_104 = arith.select %eq3A_102, %jit3A_103, %jit3A_101 : i32
      %rem3A_105 = arith.remsi %scan3A_82, %select_n3A_104 : i32
      %ne3A_106 = arith.constant 0 : i32
      %ne3A_107 = arith.cmpi ne, %rem3A_105, %ne3A_106 : i32
      %lt3A = arith.constant 0 : i32
      %lt3A_108 = arith.cmpi slt, %rem3A_105, %lt3A : i32
      %lt3A_109 = arith.constant 0 : i32
      %lt3A_110 = arith.cmpi slt, %select_n3A_104, %lt3A_109 : i32
      %ne3A_111 = arith.xori %lt3A_108, %lt3A_110 : i1
      %and3A_112 = arith.andi %ne3A_111, %ne3A_107 : i1
      %add3A_113 = arith.addi %rem3A_105, %select_n3A_104 : i32
      %select_n3A_114 = arith.select %and3A_112, %add3A_113, %rem3A_105 : i32
      %mul3A_115 = arith.constant 16 : i32
      %mul3A_116 = arith.muli %select_n3A_114, %mul3A_115 : i32
      %swap3A = arith.index_cast %select_n3A : i32 to index
      %swap3A_117 = arith.index_cast %mul3A_116 : i32 to index
      %swap3A_118 = tpu.vector_load %arg12[%swap3A, %swap3A_117] {strides = array<i32>} : memref<104x128xf32, #tpu.memory_space<vmem>>, vector<1x16xf32>,
      %swap3A_119 = vector.shape_cast %swap3A_118 : vector<1x16xf32> to vector<16xf32>
      %swap3A_120 = vector.shape_cast %broadcast_in_dim3A_84 : vector<16xf32> to vector<1x16xf32>
      tpu.vector_store %arg12[%swap3A, %swap3A_117], %swap3A_120 {strides = array<i32>} : memref<104x128xf32, #tpu.memory_space<vmem>>, vector<1x16xf32>,
      %scan3A_121 = arith.constant 0 : i32
      scf.yield %scan3A_121 : i32
    }
    %scan3A_8 = arith.constant 832 : i32
    %mul3A_9 = arith.constant 624 : i32
    %mul3A_10 = arith.muli %arg1, %mul3A_9 : i32
    %add3A_11 = arith.constant 0 : i32
    %add3A_12 = arith.addi %mul3A_10, %add3A_11 : i32
    "tpu.region"() ({
      %run_scoped3A_82 = tpu.sem_alloc : memref<!tpu.dma_semaphore, #tpu.memory_space<semaphore_mem>>
      %dma_start3A_83 = arith.constant 0 : i32
      %dma_start3A_84 = tpu.memref_slice %arg10[%add3A_12, %dma_start3A_83] : memref<10000x128xf32, #tpu.memory_space<vmem_shared>> -> memref<104x128xf32, #tpu.memory_space<vmem_shared>>
      %dma_start3A_85 = arith.constant 0 : i32
      %dma_start3A_86 = tpu.memref_slice %arg10[%add3A_12, %dma_start3A_85] : memref<10000x128xf32, #tpu.memory_space<vmem_shared>> -> memref<104x128xf32, #tpu.memory_space<vmem_shared>>
      tpu.enqueue_dma source(%arg12 : memref<104x128xf32, #tpu.memory_space<vmem>>) target(%dma_start3A_86 : memref<104x128xf32, #tpu.memory_space<vmem_shared>>) target_semaphore(%run_scoped3A_82 : memref<!tpu.dma_semaphore, #tpu.memory_space<semaphore_mem>>)
      %dma_wait3A_87 = arith.constant 0 : i32
      %dma_wait3A_88 = tpu.memref_slice %arg10[%add3A_12, %dma_wait3A_87] : memref<10000x128xf32, #tpu.memory_space<vmem_shared>> -> memref<104x128xf32, #tpu.memory_space<vmem_shared>>
      %dma_wait3A_89 = arith.constant 0 : i32
      %dma_wait3A_90 = tpu.memref_slice %arg10[%add3A_12, %dma_wait3A_89] : memref<10000x128xf32, #tpu.memory_space<vmem_shared>> -> memref<104x128xf32, #tpu.memory_space<vmem_shared>>
      tpu.wait_dma2 semaphore(%run_scoped3A_82 : memref<!tpu.dma_semaphore, #tpu.memory_space<semaphore_mem>>) src(%arg12 : memref<104x128xf32, #tpu.memory_space<vmem>>) dst(%dma_wait3A_90 : memref<104x128xf32, #tpu.memory_space<vmem_shared>>)
      tpu.yield
    }) : () -> ()
    %mul3A_13 = arith.constant 624 : i32
    %mul3A_14 = arith.muli %arg1, %mul3A_13 : i32
    %add3A_15 = arith.constant 104 : i32
    %add3A_16 = arith.addi %mul3A_14, %add3A_15 : i32
    "tpu.region"() ({
      %run_scoped3A_82 = tpu.sem_alloc : memref<!tpu.dma_semaphore, #tpu.memory_space<semaphore_mem>>
      %dma_start3A_83 = arith.constant 0 : i32
      %dma_start3A_84 = tpu.memref_slice %arg10[%add3A_16, %dma_start3A_83] : memref<10000x128xf32, #tpu.memory_space<vmem_shared>> -> memref<104x128xf32, #tpu.memory_space<vmem_shared>>
      %dma_start3A_85 = arith.constant 0 : i32
      %dma_start3A_86 = tpu.memref_slice %arg10[%add3A_16, %dma_start3A_85] : memref<10000x128xf32, #tpu.memory_space<vmem_shared>> -> memref<104x128xf32, #tpu.memory_space<vmem_shared>>
      tpu.enqueue_dma source(%arg12 : memref<104x128xf32, #tpu.memory_space<vmem>>) target(%dma_start3A_86 : memref<104x128xf32, #tpu.memory_space<vmem_shared>>) target_semaphore(%run_scoped3A_82 : memref<!tpu.dma_semaphore, #tpu.memory_space<semaphore_mem>>)
      %dma_wait3A_87 = arith.constant 0 : i32
      %dma_wait3A_88 = tpu.memref_slice %arg10[%add3A_16, %dma_wait3A_87] : memref<10000x128xf32, #tpu.memory_space<vmem_shared>> -> memref<104x128xf32, #tpu.memory_space<vmem_shared>>
      %dma_wait3A_89 = arith.constant 0 : i32
      %dma_wait3A_90 = tpu.memref_slice %arg10[%add3A_16, %dma_wait3A_89] : memref<10000x128xf32, #tpu.memory_space<vmem_shared>> -> memref<104x128xf32, #tpu.memory_space<vmem_shared>>
      tpu.wait_dma2 semaphore(%run_scoped3A_82 : memref<!tpu.dma_semaphore, #tpu.memory_space<semaphore_mem>>) src(%arg12 : memref<104x128xf32, #tpu.memory_space<vmem>>) dst(%dma_wait3A_90 : memref<104x128xf32, #tpu.memory_space<vmem_shared>>)
      tpu.yield
    }) : () -> ()
    %mul3A_17 = arith.constant 624 : i32
    %mul3A_18 = arith.muli %arg1, %mul3A_17 : i32
    %add3A_19 = arith.constant 208 : i32
    %add3A_20 = arith.addi %mul3A_18, %add3A_19 : i32
    "tpu.region"() ({
      %run_scoped3A_82 = tpu.sem_alloc : memref<!tpu.dma_semaphore, #tpu.memory_space<semaphore_mem>>
      %dma_start3A_83 = arith.constant 0 : i32
      %dma_start3A_84 = tpu.memref_slice %arg10[%add3A_20, %dma_start3A_83] : memref<10000x128xf32, #tpu.memory_space<vmem_shared>> -> memref<104x128xf32, #tpu.memory_space<vmem_shared>>
      %dma_start3A_85 = arith.constant 0 : i32
      %dma_start3A_86 = tpu.memref_slice %arg10[%add3A_20, %dma_start3A_85] : memref<10000x128xf32, #tpu.memory_space<vmem_shared>> -> memref<104x128xf32, #tpu.memory_space<vmem_shared>>
      tpu.enqueue_dma source(%arg12 : memref<104x128xf32, #tpu.memory_space<vmem>>) target(%dma_start3A_86 : memref<104x128xf32, #tpu.memory_space<vmem_shared>>) target_semaphore(%run_scoped3A_82 : memref<!tpu.dma_semaphore, #tpu.memory_space<semaphore_mem>>)
      %dma_wait3A_87 = arith.constant 0 : i32
      %dma_wait3A_88 = tpu.memref_slice %arg10[%add3A_20, %dma_wait3A_87] : memref<10000x128xf32, #tpu.memory_space<vmem_shared>> -> memref<104x128xf32, #tpu.memory_space<vmem_shared>>
      %dma_wait3A_89 = arith.constant 0 : i32
      %dma_wait3A_90 = tpu.memref_slice %arg10[%add3A_20, %dma_wait3A_89] : memref<10000x128xf32, #tpu.memory_space<vmem_shared>> -> memref<104x128xf32, #tpu.memory_space<vmem_shared>>
      tpu.wait_dma2 semaphore(%run_scoped3A_82 : memref<!tpu.dma_semaphore, #tpu.memory_space<semaphore_mem>>) src(%arg12 : memref<104x128xf32, #tpu.memory_space<vmem>>) dst(%dma_wait3A_90 : memref<104x128xf32, #tpu.memory_space<vmem_shared>>)
      tpu.yield
    }) : () -> ()
    %mul3A_21 = arith.constant 624 : i32
    %mul3A_22 = arith.muli %arg1, %mul3A_21 : i32
    %add3A_23 = arith.constant 312 : i32
    %add3A_24 = arith.addi %mul3A_22, %add3A_23 : i32
    "tpu.region"() ({
      %run_scoped3A_82 = tpu.sem_alloc : memref<!tpu.dma_semaphore, #tpu.memory_space<semaphore_mem>>
      %dma_start3A_83 = arith.constant 0 : i32
      %dma_start3A_84 = tpu.memref_slice %arg10[%add3A_24, %dma_start3A_83] : memref<10000x128xf32, #tpu.memory_space<vmem_shared>> -> memref<104x128xf32, #tpu.memory_space<vmem_shared>>
      %dma_start3A_85 = arith.constant 0 : i32
      %dma_start3A_86 = tpu.memref_slice %arg10[%add3A_24, %dma_start3A_85] : memref<10000x128xf32, #tpu.memory_space<vmem_shared>> -> memref<104x128xf32, #tpu.memory_space<vmem_shared>>
      tpu.enqueue_dma source(%arg12 : memref<104x128xf32, #tpu.memory_space<vmem>>) target(%dma_start3A_86 : memref<104x128xf32, #tpu.memory_space<vmem_shared>>) target_semaphore(%run_scoped3A_82 : memref<!tpu.dma_semaphore, #tpu.memory_space<semaphore_mem>>)
      %dma_wait3A_87 = arith.constant 0 : i32
      %dma_wait3A_88 = tpu.memref_slice %arg10[%add3A_24, %dma_wait3A_87] : memref<10000x128xf32, #tpu.memory_space<vmem_shared>> -> memref<104x128xf32, #tpu.memory_space<vmem_shared>>
      %dma_wait3A_89 = arith.constant 0 : i32
      %dma_wait3A_90 = tpu.memref_slice %arg10[%add3A_24, %dma_wait3A_89] : memref<10000x128xf32, #tpu.memory_space<vmem_shared>> -> memref<104x128xf32, #tpu.memory_space<vmem_shared>>
      tpu.wait_dma2 semaphore(%run_scoped3A_82 : memref<!tpu.dma_semaphore, #tpu.memory_space<semaphore_mem>>) src(%arg12 : memref<104x128xf32, #tpu.memory_space<vmem>>) dst(%dma_wait3A_90 : memref<104x128xf32, #tpu.memory_space<vmem_shared>>)
      tpu.yield
    }) : () -> ()
    %mul3A_25 = arith.constant 624 : i32
    %mul3A_26 = arith.muli %arg1, %mul3A_25 : i32
    %add3A_27 = arith.constant 416 : i32
    %add3A_28 = arith.addi %mul3A_26, %add3A_27 : i32
    "tpu.region"() ({
      %run_scoped3A_82 = tpu.sem_alloc : memref<!tpu.dma_semaphore, #tpu.memory_space<semaphore_mem>>
      %dma_start3A_83 = arith.constant 0 : i32
      %dma_start3A_84 = tpu.memref_slice %arg10[%add3A_28, %dma_start3A_83] : memref<10000x128xf32, #tpu.memory_space<vmem_shared>> -> memref<104x128xf32, #tpu.memory_space<vmem_shared>>
      %dma_start3A_85 = arith.constant 0 : i32
      %dma_start3A_86 = tpu.memref_slice %arg10[%add3A_28, %dma_start3A_85] : memref<10000x128xf32, #tpu.memory_space<vmem_shared>> -> memref<104x128xf32, #tpu.memory_space<vmem_shared>>
      tpu.enqueue_dma source(%arg12 : memref<104x128xf32, #tpu.memory_space<vmem>>) target(%dma_start3A_86 : memref<104x128xf32, #tpu.memory_space<vmem_shared>>) target_semaphore(%run_scoped3A_82 : memref<!tpu.dma_semaphore, #tpu.memory_space<semaphore_mem>>)
      %dma_wait3A_87 = arith.constant 0 : i32
      %dma_wait3A_88 = tpu.memref_slice %arg10[%add3A_28, %dma_wait3A_87] : memref<10000x128xf32, #tpu.memory_space<vmem_shared>> -> memref<104x128xf32, #tpu.memory_space<vmem_shared>>
      %dma_wait3A_89 = arith.constant 0 : i32
      %dma_wait3A_90 = tpu.memref_slice %arg10[%add3A_28, %dma_wait3A_89] : memref<10000x128xf32, #tpu.memory_space<vmem_shared>> -> memref<104x128xf32, #tpu.memory_space<vmem_shared>>
      tpu.wait_dma2 semaphore(%run_scoped3A_82 : memref<!tpu.dma_semaphore, #tpu.memory_space<semaphore_mem>>) src(%arg12 : memref<104x128xf32, #tpu.memory_space<vmem>>) dst(%dma_wait3A_90 : memref<104x128xf32, #tpu.memory_space<vmem_shared>>)
      tpu.yield
    }) : () -> ()
    %mul3A_29 = arith.constant 624 : i32
    %mul3A_30 = arith.muli %arg1, %mul3A_29 : i32
    %add3A_31 = arith.constant 520 : i32
    %add3A_32 = arith.addi %mul3A_30, %add3A_31 : i32
    "tpu.region"() ({
      %run_scoped3A_82 = tpu.sem_alloc : memref<!tpu.dma_semaphore, #tpu.memory_space<semaphore_mem>>
      %dma_start3A_83 = arith.constant 0 : i32
      %dma_start3A_84 = tpu.memref_slice %arg10[%add3A_32, %dma_start3A_83] : memref<10000x128xf32, #tpu.memory_space<vmem_shared>> -> memref<104x128xf32, #tpu.memory_space<vmem_shared>>
      %dma_start3A_85 = arith.constant 0 : i32
      %dma_start3A_86 = tpu.memref_slice %arg10[%add3A_32, %dma_start3A_85] : memref<10000x128xf32, #tpu.memory_space<vmem_shared>> -> memref<104x128xf32, #tpu.memory_space<vmem_shared>>
      tpu.enqueue_dma source(%arg12 : memref<104x128xf32, #tpu.memory_space<vmem>>) target(%dma_start3A_86 : memref<104x128xf32, #tpu.memory_space<vmem_shared>>) target_semaphore(%run_scoped3A_82 : memref<!tpu.dma_semaphore, #tpu.memory_space<semaphore_mem>>)
      %dma_wait3A_87 = arith.constant 0 : i32
      %dma_wait3A_88 = tpu.memref_slice %arg10[%add3A_32, %dma_wait3A_87] : memref<10000x128xf32, #tpu.memory_space<vmem_shared>> -> memref<104x128xf32, #tpu.memory_space<vmem_shared>>
      %dma_wait3A_89 = arith.constant 0 : i32
      %dma_wait3A_90 = tpu.memref_slice %arg10[%add3A_32, %dma_wait3A_89] : memref<10000x128xf32, #tpu.memory_space<vmem_shared>> -> memref<104x128xf32, #tpu.memory_space<vmem_shared>>
      tpu.wait_dma2 semaphore(%run_scoped3A_82 : memref<!tpu.dma_semaphore, #tpu.memory_space<semaphore_mem>>) src(%arg12 : memref<104x128xf32, #tpu.memory_space<vmem>>) dst(%dma_wait3A_90 : memref<104x128xf32, #tpu.memory_space<vmem_shared>>)
      tpu.yield
    }) : () -> ()
    "tpu.region"() ({
      %run_scoped3A_82 = tpu.sem_alloc : memref<!tpu.dma_semaphore, #tpu.memory_space<semaphore_mem>>
      %dma_start3A_83 = arith.constant 0 : i32
      %dma_start3A_84 = arith.constant 0 : i32
      %dma_start3A_85 = tpu.memref_slice %arg12[%dma_start3A_83, %dma_start3A_84] : memref<104x128xf32, #tpu.memory_space<vmem>> -> memref<16x128xf32, #tpu.memory_space<vmem>>
      %dma_start3A_86 = arith.constant 9984 : i32
      %dma_start3A_87 = arith.constant 0 : i32
      %dma_start3A_88 = tpu.memref_slice %arg10[%dma_start3A_86, %dma_start3A_87] : memref<10000x128xf32, #tpu.memory_space<vmem_shared>> -> memref<16x128xf32, #tpu.memory_space<vmem_shared>>
      %dma_start3A_89 = arith.constant 9984 : i32
      %dma_start3A_90 = arith.constant 0 : i32
      %dma_start3A_91 = tpu.memref_slice %arg10[%dma_start3A_89, %dma_start3A_90] : memref<10000x128xf32, #tpu.memory_space<vmem_shared>> -> memref<16x128xf32, #tpu.memory_space<vmem_shared>>
      %dma_start3A_92 = arith.constant 0 : i32
      %dma_start3A_93 = arith.constant 0 : i32
      %dma_start3A_94 = tpu.memref_slice %arg12[%dma_start3A_92, %dma_start3A_93] : memref<104x128xf32, #tpu.memory_space<vmem>> -> memref<16x128xf32, #tpu.memory_space<vmem>>
      tpu.enqueue_dma source(%dma_start3A_94 : memref<16x128xf32, #tpu.memory_space<vmem>>) target(%dma_start3A_91 : memref<16x128xf32, #tpu.memory_space<vmem_shared>>) target_semaphore(%run_scoped3A_82 : memref<!tpu.dma_semaphore, #tpu.memory_space<semaphore_mem>>)
      %dma_wait3A_95 = arith.constant 0 : i32
      %dma_wait3A_96 = arith.constant 0 : i32
      %dma_wait3A_97 = tpu.memref_slice %arg12[%dma_wait3A_95, %dma_wait3A_96] : memref<104x128xf32, #tpu.memory_space<vmem>> -> memref<16x128xf32, #tpu.memory_space<vmem>>
      %dma_wait3A_98 = arith.constant 9984 : i32
      %dma_wait3A_99 = arith.constant 0 : i32
      %dma_wait3A_100 = tpu.memref_slice %arg10[%dma_wait3A_98, %dma_wait3A_99] : memref<10000x128xf32, #tpu.memory_space<vmem_shared>> -> memref<16x128xf32, #tpu.memory_space<vmem_shared>>
      %dma_wait3A_101 = arith.constant 9984 : i32
      %dma_wait3A_102 = arith.constant 0 : i32
      %dma_wait3A_103 = tpu.memref_slice %arg10[%dma_wait3A_101, %dma_wait3A_102] : memref<10000x128xf32, #tpu.memory_space<vmem_shared>> -> memref<16x128xf32, #tpu.memory_space<vmem_shared>>
      %dma_wait3A_104 = arith.constant 0 : i32
      %dma_wait3A_105 = arith.constant 0 : i32
      %dma_wait3A_106 = tpu.memref_slice %arg12[%dma_wait3A_104, %dma_wait3A_105] : memref<104x128xf32, #tpu.memory_space<vmem>> -> memref<16x128xf32, #tpu.memory_space<vmem>>
      tpu.wait_dma2 semaphore(%run_scoped3A_82 : memref<!tpu.dma_semaphore, #tpu.memory_space<semaphore_mem>>) src(%dma_wait3A_106 : memref<16x128xf32, #tpu.memory_space<vmem>>) dst(%dma_wait3A_103 : memref<16x128xf32, #tpu.memory_space<vmem_shared>>)
      tpu.yield
    }) : () -> ()
    %barrier3A = arith.constant 0 : index
    tpu.barrier barrier_id(%barrier3A)
    %multiple_of3A_33 = arith.constant 0 : i32
    %multiple_of3A_34 = tpu.assume_multiple %multiple_of3A_33, 8 : i32
    %dma_start3A = tpu.memref_slice %arg11[%multiple_of3A_34] : memref<10000xi32, #tpu.memory_space<vmem>> -> memref<104xi32, #tpu.memory_space<vmem>>
    %dma_start3A_35 = arith.constant 0 : i32
    %dma_start3A_36 = arith.constant 0 : i32
    %dma_start3A_37 = tpu.memref_slice %arg2[%dma_start3A_35, %dma_start3A_36] : memref<10000x128xf32, #tpu.memory_space<hbm>> -> memref<10000x128xf32, #tpu.memory_space<hbm>>
    tpu.enqueue_indirect_dma source(%dma_start3A_37 : memref<10000x128xf32, #tpu.memory_space<hbm>>) target(%arg9 : memref<104x128xf32, #tpu.memory_space<vmem>>) offsets(%dma_start3A : memref<104xi32, #tpu.memory_space<vmem>>) semaphore(%arg13 : memref<!tpu.dma_semaphore, #tpu.memory_space<semaphore_mem>>)
    %scan3A_38 = arith.constant 0 : i32
    %scan3A_39 = arith.constant 0 : i32
    %scan3A_40 = arith.constant 47 : i32
    %scan3A_41 = arith.addi %scan3A_39, %scan3A_40 : i32
    %scan3A_42 = arith.constant 1 : i32
    %scan3A_43 = scf.for %scan3A_82 = %scan3A_39 to %scan3A_41 step %scan3A_42 iter_args(%scan3A_83 = %scan3A_38) -> (i32)  : i32 {
      %mul3A_84 = arith.constant 2 : i32
      %mul3A_85 = arith.muli %mul3A_84, %scan3A_82 : i32
      %add3A_86 = arith.constant 1 : i32
      %add3A_87 = arith.addi %mul3A_85, %add3A_86 : i32
      %mul3A_88 = arith.constant 2 : i32
      %mul3A_89 = arith.muli %mul3A_88, %scan3A_82 : i32
      %add3A_90 = arith.constant 2 : i32
      %add3A_91 = arith.addi %mul3A_89, %add3A_90 : i32
      %mul3A_92 = arith.constant 104 : i32
      %mul3A_93 = arith.muli %add3A_87, %mul3A_92 : i32
      %multiple_of3A_94 = tpu.assume_multiple %mul3A_93, 8 : i32
      %dma_start3A_95 = tpu.memref_slice %arg11[%multiple_of3A_94] : memref<10000xi32, #tpu.memory_space<vmem>> -> memref<104xi32, #tpu.memory_space<vmem>>
      %dma_start3A_96 = arith.constant 0 : i32
      %dma_start3A_97 = arith.constant 0 : i32
      %dma_start3A_98 = tpu.memref_slice %arg2[%dma_start3A_96, %dma_start3A_97] : memref<10000x128xf32, #tpu.memory_space<hbm>> -> memref<10000x128xf32, #tpu.memory_space<hbm>>
      tpu.enqueue_indirect_dma source(%dma_start3A_98 : memref<10000x128xf32, #tpu.memory_space<hbm>>) target(%arg12 : memref<104x128xf32, #tpu.memory_space<vmem>>) offsets(%dma_start3A_95 : memref<104xi32, #tpu.memory_space<vmem>>) semaphore(%arg14 : memref<!tpu.dma_semaphore, #tpu.memory_space<semaphore_mem>>)
      %dma_wait3A_99 = arith.constant 0 : i32
      %dma_wait3A_100 = arith.constant 0 : i32
      %dma_wait3A_101 = tpu.memref_slice %arg7[%dma_wait3A_99, %dma_wait3A_100] : memref<96x104xi32, #tpu.memory_space<vmem>> -> memref<1x104xi32, #tpu.memory_space<vmem>>
      %dma_wait3A_102 = tpu.memref_squeeze %dma_wait3A_101 : memref<1x104xi32, #tpu.memory_space<vmem>> -> memref<104xi32, #tpu.memory_space<vmem>>
      %dma_wait3A_103 = arith.constant 0 : i32
      %dma_wait3A_104 = arith.constant 0 : i32
      %dma_wait3A_105 = tpu.memref_slice %arg2[%dma_wait3A_103, %dma_wait3A_104] : memref<10000x128xf32, #tpu.memory_space<hbm>> -> memref<10000x128xf32, #tpu.memory_space<hbm>>
      tpu.wait_indirect_dma semaphore(%arg13 : memref<!tpu.dma_semaphore, #tpu.memory_space<semaphore_mem>>) src(%dma_wait3A_105 : memref<10000x128xf32, #tpu.memory_space<hbm>>) dst(%arg9 : memref<104x128xf32, #tpu.memory_space<vmem>>)
      %mul3A_106 = arith.constant 2 : i32
      %mul3A_107 = arith.muli %mul3A_106, %scan3A_82 : i32
      %dma_start3A_108 = arith.constant 0 : i32
      %dma_start3A_109 = tpu.memref_slice %arg7[%mul3A_107, %dma_start3A_108] : memref<96x104xi32, #tpu.memory_space<vmem>> -> memref<1x104xi32, #tpu.memory_space<vmem>>
      %dma_start3A_110 = tpu.memref_squeeze %dma_start3A_109 : memref<1x104xi32, #tpu.memory_space<vmem>> -> memref<104xi32, #tpu.memory_space<vmem>>
      %dma_start3A_111 = arith.constant 0 : i32
      %dma_start3A_112 = arith.constant 0 : i32
      %dma_start3A_113 = tpu.memref_slice %arg10[%dma_start3A_111, %dma_start3A_112] : memref<10000x128xf32, #tpu.memory_space<vmem_shared>> -> memref<10000x128xf32, #tpu.memory_space<vmem_shared>>
      tpu.enqueue_indirect_dma source(%arg9 : memref<104x128xf32, #tpu.memory_space<vmem>>) target(%dma_start3A_113 : memref<10000x128xf32, #tpu.memory_space<vmem_shared>>) offsets(%dma_start3A_110 : memref<104xi32, #tpu.memory_space<vmem>>) semaphore(%arg15 : memref<!tpu.dma_semaphore, #tpu.memory_space<semaphore_mem>>) {add = true}
      %dma_wait3A_114 = arith.constant 0 : i32
      %dma_wait3A_115 = tpu.memref_slice %arg7[%mul3A_107, %dma_wait3A_114] : memref<96x104xi32, #tpu.memory_space<vmem>> -> memref<1x104xi32, #tpu.memory_space<vmem>>
      %dma_wait3A_116 = tpu.memref_squeeze %dma_wait3A_115 : memref<1x104xi32, #tpu.memory_space<vmem>> -> memref<104xi32, #tpu.memory_space<vmem>>
      %dma_wait3A_117 = arith.constant 0 : i32
      %dma_wait3A_118 = arith.constant 0 : i32
      %dma_wait3A_119 = tpu.memref_slice %arg10[%dma_wait3A_117, %dma_wait3A_118] : memref<10000x128xf32, #tpu.memory_space<vmem_shared>> -> memref<10000x128xf32, #tpu.memory_space<vmem_shared>>
      tpu.wait_indirect_dma semaphore(%arg15 : memref<!tpu.dma_semaphore, #tpu.memory_space<semaphore_mem>>) src(%arg9 : memref<104x128xf32, #tpu.memory_space<vmem>>) dst(%dma_wait3A_119 : memref<10000x128xf32, #tpu.memory_space<vmem_shared>>)
      %mul3A_120 = arith.constant 104 : i32
      %mul3A_121 = arith.muli %add3A_91, %mul3A_120 : i32
      %multiple_of3A_122 = tpu.assume_multiple %mul3A_121, 8 : i32
      %dma_start3A_123 = tpu.memref_slice %arg11[%multiple_of3A_122] : memref<10000xi32, #tpu.memory_space<vmem>> -> memref<104xi32, #tpu.memory_space<vmem>>
      %dma_start3A_124 = arith.constant 0 : i32
      %dma_start3A_125 = arith.constant 0 : i32
      %dma_start3A_126 = tpu.memref_slice %arg2[%dma_start3A_124, %dma_start3A_125] : memref<10000x128xf32, #tpu.memory_space<hbm>> -> memref<10000x128xf32, #tpu.memory_space<hbm>>
      tpu.enqueue_indirect_dma source(%dma_start3A_126 : memref<10000x128xf32, #tpu.memory_space<hbm>>) target(%arg9 : memref<104x128xf32, #tpu.memory_space<vmem>>) offsets(%dma_start3A_123 : memref<104xi32, #tpu.memory_space<vmem>>) semaphore(%arg13 : memref<!tpu.dma_semaphore, #tpu.memory_space<semaphore_mem>>)
      %dma_wait3A_127 = tpu.memref_slice %arg11[%multiple_of3A_94] : memref<10000xi32, #tpu.memory_space<vmem>> -> memref<104xi32, #tpu.memory_space<vmem>>
      %dma_wait3A_128 = arith.constant 0 : i32
      %dma_wait3A_129 = arith.constant 0 : i32
      %dma_wait3A_130 = tpu.memref_slice %arg2[%dma_wait3A_128, %dma_wait3A_129] : memref<10000x128xf32, #tpu.memory_space<hbm>> -> memref<10000x128xf32, #tpu.memory_space<hbm>>
      tpu.wait_indirect_dma semaphore(%arg14 : memref<!tpu.dma_semaphore, #tpu.memory_space<semaphore_mem>>) src(%dma_wait3A_130 : memref<10000x128xf32, #tpu.memory_space<hbm>>) dst(%arg12 : memref<104x128xf32, #tpu.memory_space<vmem>>)
      %dma_start3A_131 = arith.constant 0 : i32
      %dma_start3A_132 = tpu.memref_slice %arg7[%add3A_87, %dma_start3A_131] : memref<96x104xi32, #tpu.memory_space<vmem>> -> memref<1x104xi32, #tpu.memory_space<vmem>>
      %dma_start3A_133 = tpu.memref_squeeze %dma_start3A_132 : memref<1x104xi32, #tpu.memory_space<vmem>> -> memref<104xi32, #tpu.memory_space<vmem>>
      %dma_start3A_134 = arith.constant 0 : i32
      %dma_start3A_135 = arith.constant 0 : i32
      %dma_start3A_136 = tpu.memref_slice %arg10[%dma_start3A_134, %dma_start3A_135] : memref<10000x128xf32, #tpu.memory_space<vmem_shared>> -> memref<10000x128xf32, #tpu.memory_space<vmem_shared>>
      tpu.enqueue_indirect_dma source(%arg12 : memref<104x128xf32, #tpu.memory_space<vmem>>) target(%dma_start3A_136 : memref<10000x128xf32, #tpu.memory_space<vmem_shared>>) offsets(%dma_start3A_133 : memref<104xi32, #tpu.memory_space<vmem>>) semaphore(%arg16 : memref<!tpu.dma_semaphore, #tpu.memory_space<semaphore_mem>>) {add = true}
      %dma_wait3A_137 = arith.constant 0 : i32
      %dma_wait3A_138 = tpu.memref_slice %arg7[%add3A_87, %dma_wait3A_137] : memref<96x104xi32, #tpu.memory_space<vmem>> -> memref<1x104xi32, #tpu.memory_space<vmem>>
      %dma_wait3A_139 = tpu.memref_squeeze %dma_wait3A_138 : memref<1x104xi32, #tpu.memory_space<vmem>> -> memref<104xi32, #tpu.memory_space<vmem>>
      %dma_wait3A_140 = arith.constant 0 : i32
      %dma_wait3A_141 = arith.constant 0 : i32
      %dma_wait3A_142 = tpu.memref_slice %arg10[%dma_wait3A_140, %dma_wait3A_141] : memref<10000x128xf32, #tpu.memory_space<vmem_shared>> -> memref<10000x128xf32, #tpu.memory_space<vmem_shared>>
      tpu.wait_indirect_dma semaphore(%arg16 : memref<!tpu.dma_semaphore, #tpu.memory_space<semaphore_mem>>) src(%arg12 : memref<104x128xf32, #tpu.memory_space<vmem>>) dst(%dma_wait3A_142 : memref<10000x128xf32, #tpu.memory_space<vmem_shared>>)
      %scan3A_143 = arith.constant 0 : i32
      scf.yield %scan3A_143 : i32
    }
    %scan3A_44 = arith.constant 47 : i32
    %multiple_of3A_45 = arith.constant 9880 : i32
    %multiple_of3A_46 = tpu.assume_multiple %multiple_of3A_45, 8 : i32
    %dma_start3A_47 = tpu.memref_slice %arg11[%multiple_of3A_46] : memref<10000xi32, #tpu.memory_space<vmem>> -> memref<104xi32, #tpu.memory_space<vmem>>
    %dma_start3A_48 = arith.constant 0 : i32
    %dma_start3A_49 = arith.constant 0 : i32
    %dma_start3A_50 = tpu.memref_slice %arg2[%dma_start3A_48, %dma_start3A_49] : memref<10000x128xf32, #tpu.memory_space<hbm>> -> memref<10000x128xf32, #tpu.memory_space<hbm>>
    tpu.enqueue_indirect_dma source(%dma_start3A_50 : memref<10000x128xf32, #tpu.memory_space<hbm>>) target(%arg12 : memref<104x128xf32, #tpu.memory_space<vmem>>) offsets(%dma_start3A_47 : memref<104xi32, #tpu.memory_space<vmem>>) semaphore(%arg14 : memref<!tpu.dma_semaphore, #tpu.memory_space<semaphore_mem>>)
    %dma_wait3A = arith.constant 0 : i32
    %dma_wait3A_51 = arith.constant 0 : i32
    %dma_wait3A_52 = tpu.memref_slice %arg7[%dma_wait3A, %dma_wait3A_51] : memref<96x104xi32, #tpu.memory_space<vmem>> -> memref<1x104xi32, #tpu.memory_space<vmem>>
    %dma_wait3A_53 = tpu.memref_squeeze %dma_wait3A_52 : memref<1x104xi32, #tpu.memory_space<vmem>> -> memref<104xi32, #tpu.memory_space<vmem>>
    %dma_wait3A_54 = arith.constant 0 : i32
    %dma_wait3A_55 = arith.constant 0 : i32
    %dma_wait3A_56 = tpu.memref_slice %arg2[%dma_wait3A_54, %dma_wait3A_55] : memref<10000x128xf32, #tpu.memory_space<hbm>> -> memref<10000x128xf32, #tpu.memory_space<hbm>>
    tpu.wait_indirect_dma semaphore(%arg13 : memref<!tpu.dma_semaphore, #tpu.memory_space<semaphore_mem>>) src(%dma_wait3A_56 : memref<10000x128xf32, #tpu.memory_space<hbm>>) dst(%arg9 : memref<104x128xf32, #tpu.memory_space<vmem>>)
    %run_scoped3A = arith.constant 94 : i32
    "tpu.region"() ({
      %run_scoped3A_82 = tpu.sem_alloc : memref<!tpu.dma_semaphore, #tpu.memory_space<semaphore_mem>>
      %dma_start3A_83 = arith.constant 0 : i32
      %dma_start3A_84 = tpu.memref_slice %arg7[%run_scoped3A, %dma_start3A_83] : memref<96x104xi32, #tpu.memory_space<vmem>> -> memref<1x104xi32, #tpu.memory_space<vmem>>
      %dma_start3A_85 = tpu.memref_squeeze %dma_start3A_84 : memref<1x104xi32, #tpu.memory_space<vmem>> -> memref<104xi32, #tpu.memory_space<vmem>>
      %dma_start3A_86 = arith.constant 0 : i32
      %dma_start3A_87 = arith.constant 0 : i32
      %dma_start3A_88 = tpu.memref_slice %arg10[%dma_start3A_86, %dma_start3A_87] : memref<10000x128xf32, #tpu.memory_space<vmem_shared>> -> memref<10000x128xf32, #tpu.memory_space<vmem_shared>>
      tpu.enqueue_indirect_dma source(%arg9 : memref<104x128xf32, #tpu.memory_space<vmem>>) target(%dma_start3A_88 : memref<10000x128xf32, #tpu.memory_space<vmem_shared>>) offsets(%dma_start3A_85 : memref<104xi32, #tpu.memory_space<vmem>>) semaphore(%run_scoped3A_82 : memref<!tpu.dma_semaphore, #tpu.memory_space<semaphore_mem>>) {add = true}
      %dma_wait3A_89 = arith.constant 0 : i32
      %dma_wait3A_90 = tpu.memref_slice %arg7[%run_scoped3A, %dma_wait3A_89] : memref<96x104xi32, #tpu.memory_space<vmem>> -> memref<1x104xi32, #tpu.memory_space<vmem>>
      %dma_wait3A_91 = tpu.memref_squeeze %dma_wait3A_90 : memref<1x104xi32, #tpu.memory_space<vmem>> -> memref<104xi32, #tpu.memory_space<vmem>>
      %dma_wait3A_92 = arith.constant 0 : i32
      %dma_wait3A_93 = arith.constant 0 : i32
      %dma_wait3A_94 = tpu.memref_slice %arg10[%dma_wait3A_92, %dma_wait3A_93] : memref<10000x128xf32, #tpu.memory_space<vmem_shared>> -> memref<10000x128xf32, #tpu.memory_space<vmem_shared>>
      tpu.wait_indirect_dma semaphore(%run_scoped3A_82 : memref<!tpu.dma_semaphore, #tpu.memory_space<semaphore_mem>>) src(%arg9 : memref<104x128xf32, #tpu.memory_space<vmem>>) dst(%dma_wait3A_94 : memref<10000x128xf32, #tpu.memory_space<vmem_shared>>)
      tpu.yield
    }) : () -> ()
    %multiple_of3A_57 = arith.constant 9984 : i32
    %multiple_of3A_58 = tpu.assume_multiple %multiple_of3A_57, 8 : i32
    %dma_start3A_59 = arith.constant 0 : i32
    %dma_start3A_60 = arith.constant 0 : i32
    %dma_start3A_61 = tpu.memref_slice %arg9[%dma_start3A_59, %dma_start3A_60] : memref<104x128xf32, #tpu.memory_space<vmem>> -> memref<16x128xf32, #tpu.memory_space<vmem>>
    %dma_start3A_62 = tpu.memref_slice %arg11[%multiple_of3A_58] : memref<10000xi32, #tpu.memory_space<vmem>> -> memref<16xi32, #tpu.memory_space<vmem>>
    %dma_start3A_63 = arith.constant 0 : i32
    %dma_start3A_64 = arith.constant 0 : i32
    %dma_start3A_65 = tpu.memref_slice %arg2[%dma_start3A_63, %dma_start3A_64] : memref<10000x128xf32, #tpu.memory_space<hbm>> -> memref<10000x128xf32, #tpu.memory_space<hbm>>
    tpu.enqueue_indirect_dma source(%dma_start3A_65 : memref<10000x128xf32, #tpu.memory_space<hbm>>) target(%dma_start3A_61 : memref<16x128xf32, #tpu.memory_space<vmem>>) offsets(%dma_start3A_62 : memref<16xi32, #tpu.memory_space<vmem>>) semaphore(%arg13 : memref<!tpu.dma_semaphore, #tpu.memory_space<semaphore_mem>>)
    %dma_wait3A_66 = tpu.memref_slice %arg11[%multiple_of3A_46] : memref<10000xi32, #tpu.memory_space<vmem>> -> memref<104xi32, #tpu.memory_space<vmem>>
    %dma_wait3A_67 = arith.constant 0 : i32
    %dma_wait3A_68 = arith.constant 0 : i32
    %dma_wait3A_69 = tpu.memref_slice %arg2[%dma_wait3A_67, %dma_wait3A_68] : memref<10000x128xf32, #tpu.memory_space<hbm>> -> memref<10000x128xf32, #tpu.memory_space<hbm>>
    tpu.wait_indirect_dma semaphore(%arg14 : memref<!tpu.dma_semaphore, #tpu.memory_space<semaphore_mem>>) src(%dma_wait3A_69 : memref<10000x128xf32, #tpu.memory_space<hbm>>) dst(%arg12 : memref<104x128xf32, #tpu.memory_space<vmem>>)
    %run_scoped3A_70 = arith.constant 95 : i32
    "tpu.region"() ({
      %run_scoped3A_82 = tpu.sem_alloc : memref<!tpu.dma_semaphore, #tpu.memory_space<semaphore_mem>>
      %dma_start3A_83 = arith.constant 0 : i32
      %dma_start3A_84 = tpu.memref_slice %arg7[%run_scoped3A_70, %dma_start3A_83] : memref<96x104xi32, #tpu.memory_space<vmem>> -> memref<1x104xi32, #tpu.memory_space<vmem>>
      %dma_start3A_85 = tpu.memref_squeeze %dma_start3A_84 : memref<1x104xi32, #tpu.memory_space<vmem>> -> memref<104xi32, #tpu.memory_space<vmem>>
      %dma_start3A_86 = arith.constant 0 : i32
      %dma_start3A_87 = arith.constant 0 : i32
      %dma_start3A_88 = tpu.memref_slice %arg10[%dma_start3A_86, %dma_start3A_87] : memref<10000x128xf32, #tpu.memory_space<vmem_shared>> -> memref<10000x128xf32, #tpu.memory_space<vmem_shared>>
      tpu.enqueue_indirect_dma source(%arg12 : memref<104x128xf32, #tpu.memory_space<vmem>>) target(%dma_start3A_88 : memref<10000x128xf32, #tpu.memory_space<vmem_shared>>) offsets(%dma_start3A_85 : memref<104xi32, #tpu.memory_space<vmem>>) semaphore(%run_scoped3A_82 : memref<!tpu.dma_semaphore, #tpu.memory_space<semaphore_mem>>) {add = true}
      %dma_wait3A_89 = arith.constant 0 : i32
      %dma_wait3A_90 = tpu.memref_slice %arg7[%run_scoped3A_70, %dma_wait3A_89] : memref<96x104xi32, #tpu.memory_space<vmem>> -> memref<1x104xi32, #tpu.memory_space<vmem>>
      %dma_wait3A_91 = tpu.memref_squeeze %dma_wait3A_90 : memref<1x104xi32, #tpu.memory_space<vmem>> -> memref<104xi32, #tpu.memory_space<vmem>>
      %dma_wait3A_92 = arith.constant 0 : i32
      %dma_wait3A_93 = arith.constant 0 : i32
      %dma_wait3A_94 = tpu.memref_slice %arg10[%dma_wait3A_92, %dma_wait3A_93] : memref<10000x128xf32, #tpu.memory_space<vmem_shared>> -> memref<10000x128xf32, #tpu.memory_space<vmem_shared>>
      tpu.wait_indirect_dma semaphore(%run_scoped3A_82 : memref<!tpu.dma_semaphore, #tpu.memory_space<semaphore_mem>>) src(%arg12 : memref<104x128xf32, #tpu.memory_space<vmem>>) dst(%dma_wait3A_94 : memref<10000x128xf32, #tpu.memory_space<vmem_shared>>)
      tpu.yield
    }) : () -> ()
    %dma_wait3A_71 = arith.constant 0 : i32
    %dma_wait3A_72 = arith.constant 0 : i32
    %dma_wait3A_73 = tpu.memref_slice %arg9[%dma_wait3A_71, %dma_wait3A_72] : memref<104x128xf32, #tpu.memory_space<vmem>> -> memref<16x128xf32, #tpu.memory_space<vmem>>
    %dma_wait3A_74 = tpu.memref_slice %arg11[%multiple_of3A_58] : memref<10000xi32, #tpu.memory_space<vmem>> -> memref<16xi32, #tpu.memory_space<vmem>>
    %dma_wait3A_75 = arith.constant 0 : i32
    %dma_wait3A_76 = arith.constant 0 : i32
    %dma_wait3A_77 = tpu.memref_slice %arg2[%dma_wait3A_75, %dma_wait3A_76] : memref<10000x128xf32, #tpu.memory_space<hbm>> -> memref<10000x128xf32, #tpu.memory_space<hbm>>
    tpu.wait_indirect_dma semaphore(%arg13 : memref<!tpu.dma_semaphore, #tpu.memory_space<semaphore_mem>>) src(%dma_wait3A_77 : memref<10000x128xf32, #tpu.memory_space<hbm>>) dst(%dma_wait3A_73 : memref<16x128xf32, #tpu.memory_space<vmem>>)
    "tpu.region"() ({
      %run_scoped3A_82 = tpu.sem_alloc : memref<!tpu.dma_semaphore, #tpu.memory_space<semaphore_mem>>
      %dma_start3A_83 = arith.constant 0 : i32
      %dma_start3A_84 = arith.constant 0 : i32
      %dma_start3A_85 = tpu.memref_slice %arg9[%dma_start3A_83, %dma_start3A_84] : memref<104x128xf32, #tpu.memory_space<vmem>> -> memref<16x128xf32, #tpu.memory_space<vmem>>
      %dma_start3A_86 = arith.constant 0 : i32
      %dma_start3A_87 = arith.constant 0 : i32
      %dma_start3A_88 = tpu.memref_slice %arg10[%dma_start3A_86, %dma_start3A_87] : memref<10000x128xf32, #tpu.memory_space<vmem_shared>> -> memref<10000x128xf32, #tpu.memory_space<vmem_shared>>
      tpu.enqueue_indirect_dma source(%dma_start3A_85 : memref<16x128xf32, #tpu.memory_space<vmem>>) target(%dma_start3A_88 : memref<10000x128xf32, #tpu.memory_space<vmem_shared>>) offsets(%arg8 : memref<16xi32, #tpu.memory_space<vmem>>) semaphore(%run_scoped3A_82 : memref<!tpu.dma_semaphore, #tpu.memory_space<semaphore_mem>>) {add = true}
      %dma_wait3A_89 = arith.constant 0 : i32
      %dma_wait3A_90 = arith.constant 0 : i32
      %dma_wait3A_91 = tpu.memref_slice %arg9[%dma_wait3A_89, %dma_wait3A_90] : memref<104x128xf32, #tpu.memory_space<vmem>> -> memref<16x128xf32, #tpu.memory_space<vmem>>
      %dma_wait3A_92 = arith.constant 0 : i32
      %dma_wait3A_93 = arith.constant 0 : i32
      %dma_wait3A_94 = tpu.memref_slice %arg10[%dma_wait3A_92, %dma_wait3A_93] : memref<10000x128xf32, #tpu.memory_space<vmem_shared>> -> memref<10000x128xf32, #tpu.memory_space<vmem_shared>>
      tpu.wait_indirect_dma semaphore(%run_scoped3A_82 : memref<!tpu.dma_semaphore, #tpu.memory_space<semaphore_mem>>) src(%dma_wait3A_91 : memref<16x128xf32, #tpu.memory_space<vmem>>) dst(%dma_wait3A_94 : memref<10000x128xf32, #tpu.memory_space<vmem_shared>>)
      tpu.yield
    }) : () -> ()
    %barrier3A_78 = arith.constant 0 : index
    tpu.barrier barrier_id(%barrier3A_78)
    %mul3A_79 = arith.constant 624 : i32
    %mul3A_80 = arith.muli %arg1, %mul3A_79 : i32
    %multiple_of3A_81 = tpu.assume_multiple %mul3A_80, 8 : i32
    "tpu.region"() ({
      %run_scoped3A_82 = tpu.sem_alloc : memref<!tpu.dma_semaphore, #tpu.memory_space<semaphore_mem>>
      %dma_start3A_83 = arith.constant 0 : i32
      %dma_start3A_84 = tpu.memref_slice %arg6[%arg0, %multiple_of3A_81, %dma_start3A_83] : memref<2x10000x128xf32, #tpu.memory_space<hbm>> -> memref<1x624x128xf32, #tpu.memory_space<hbm>>
      %dma_start3A_85 = tpu.memref_squeeze %dma_start3A_84 : memref<1x624x128xf32, #tpu.memory_space<hbm>> -> memref<624x128xf32, #tpu.memory_space<hbm>>
      %dma_start3A_86 = arith.constant 0 : i32
      %dma_start3A_87 = tpu.memref_slice %arg10[%multiple_of3A_81, %dma_start3A_86] : memref<10000x128xf32, #tpu.memory_space<vmem_shared>> -> memref<624x128xf32, #tpu.memory_space<vmem_shared>>
      tpu.enqueue_dma source(%dma_start3A_87 : memref<624x128xf32, #tpu.memory_space<vmem_shared>>) target(%dma_start3A_85 : memref<624x128xf32, #tpu.memory_space<hbm>>) target_semaphore(%run_scoped3A_82 : memref<!tpu.dma_semaphore, #tpu.memory_space<semaphore_mem>>)
      %dma_wait3A_88 = arith.constant 0 : i32
      %dma_wait3A_89 = tpu.memref_slice %arg6[%arg0, %multiple_of3A_81, %dma_wait3A_88] : memref<2x10000x128xf32, #tpu.memory_space<hbm>> -> memref<1x624x128xf32, #tpu.memory_space<hbm>>
      %dma_wait3A_90 = tpu.memref_squeeze %dma_wait3A_89 : memref<1x624x128xf32, #tpu.memory_space<hbm>> -> memref<624x128xf32, #tpu.memory_space<hbm>>
      %dma_wait3A_91 = arith.constant 0 : i32
      %dma_wait3A_92 = tpu.memref_slice %arg10[%multiple_of3A_81, %dma_wait3A_91] : memref<10000x128xf32, #tpu.memory_space<vmem_shared>> -> memref<624x128xf32, #tpu.memory_space<vmem_shared>>
      tpu.wait_dma2 semaphore(%run_scoped3A_82 : memref<!tpu.dma_semaphore, #tpu.memory_space<semaphore_mem>>) src(%dma_wait3A_92 : memref<624x128xf32, #tpu.memory_space<vmem_shared>>) dst(%dma_wait3A_90 : memref<624x128xf32, #tpu.memory_space<hbm>>)
      tpu.yield
    }) : () -> ()
    "tpu.region"() ({
      %run_scoped3A_82 = tpu.sem_alloc : memref<!tpu.dma_semaphore, #tpu.memory_space<semaphore_mem>>
      %dma_start3A_83 = arith.constant 9984 : i32
      %dma_start3A_84 = arith.constant 0 : i32
      %dma_start3A_85 = tpu.memref_slice %arg6[%arg0, %dma_start3A_83, %dma_start3A_84] : memref<2x10000x128xf32, #tpu.memory_space<hbm>> -> memref<1x16x128xf32, #tpu.memory_space<hbm>>
      %dma_start3A_86 = tpu.memref_squeeze %dma_start3A_85 : memref<1x16x128xf32, #tpu.memory_space<hbm>> -> memref<16x128xf32, #tpu.memory_space<hbm>>
      %dma_start3A_87 = arith.constant 9984 : i32
      %dma_start3A_88 = arith.constant 0 : i32
      %dma_start3A_89 = tpu.memref_slice %arg10[%dma_start3A_87, %dma_start3A_88] : memref<10000x128xf32, #tpu.memory_space<vmem_shared>> -> memref<16x128xf32, #tpu.memory_space<vmem_shared>>
      tpu.enqueue_dma source(%dma_start3A_89 : memref<16x128xf32, #tpu.memory_space<vmem_shared>>) target(%dma_start3A_86 : memref<16x128xf32, #tpu.memory_space<hbm>>) target_semaphore(%run_scoped3A_82 : memref<!tpu.dma_semaphore, #tpu.memory_space<semaphore_mem>>)
      %dma_wait3A_90 = arith.constant 9984 : i32
      %dma_wait3A_91 = arith.constant 0 : i32
      %dma_wait3A_92 = tpu.memref_slice %arg6[%arg0, %dma_wait3A_90, %dma_wait3A_91] : memref<2x10000x128xf32, #tpu.memory_space<hbm>> -> memref<1x16x128xf32, #tpu.memory_space<hbm>>
      %dma_wait3A_93 = tpu.memref_squeeze %dma_wait3A_92 : memref<1x16x128xf32, #tpu.memory_space<hbm>> -> memref<16x128xf32, #tpu.memory_space<hbm>>
      %dma_wait3A_94 = arith.constant 9984 : i32
      %dma_wait3A_95 = arith.constant 0 : i32
      %dma_wait3A_96 = tpu.memref_slice %arg10[%dma_wait3A_94, %dma_wait3A_95] : memref<10000x128xf32, #tpu.memory_space<vmem_shared>> -> memref<16x128xf32, #tpu.memory_space<vmem_shared>>
      tpu.wait_dma2 semaphore(%run_scoped3A_82 : memref<!tpu.dma_semaphore, #tpu.memory_space<semaphore_mem>>) src(%dma_wait3A_96 : memref<16x128xf32, #tpu.memory_space<vmem_shared>>) dst(%dma_wait3A_93 : memref<16x128xf32, #tpu.memory_space<hbm>>)
      tpu.yield
    }) : () -> ()
    return
  }
}

module attributes {stable_mosaic.version = 14 : i64} {
  func.func @_dense_body(%arg0: i32, %arg1: memref<5000x128xf32, #tpu.memory_space<vmem>>, %arg2: memref<1x5000x128xf32, #tpu.memory_space<vmem>>, %arg3: memref<1x5000x128xf32, #tpu.memory_space<vmem>>, %arg4: memref<5000x1xf32, #tpu.memory_space<vmem>>, %arg5: memref<128x128xf32, #tpu.memory_space<vmem>>, %arg6: memref<128x128xf32, #tpu.memory_space<vmem>>, %arg7: memref<1x128xf32, #tpu.memory_space<vmem>>, %arg8: memref<1x128xf32, #tpu.memory_space<vmem>>, %arg9: memref<1x128xf32, #tpu.memory_space<vmem>>, %arg10: memref<5000x128xf32, #tpu.memory_space<vmem>>) attributes {dimension_semantics = [#tpu.dimension_semantics<arbitrary>], iteration_bounds = array<i64: 2>, scalar_prefetch = 0 : i64, scratch_operands = 0 : i64, tpu.core_type = #tpu.core_type<tc>, window_params = [{transform_indices = @transform_0, window_bounds = array<i64: 5000, 128>}, {transform_indices = @transform_1, window_bounds = array<i64: 1, 5000, 128>}, {transform_indices = @transform_2, window_bounds = array<i64: 1, 5000, 128>}, {transform_indices = @transform_3, window_bounds = array<i64: 5000, 1>}, {pipeline_mode = #tpu.pipeline_mode<synchronous>, transform_indices = @transform_4, window_bounds = array<i64: 128, 128>}, {pipeline_mode = #tpu.pipeline_mode<synchronous>, transform_indices = @transform_5, window_bounds = array<i64: 128, 128>}, {pipeline_mode = #tpu.pipeline_mode<synchronous>, transform_indices = @transform_6, window_bounds = array<i64: 1, 128>}, {pipeline_mode = #tpu.pipeline_mode<synchronous>, transform_indices = @transform_7, window_bounds = array<i64: 1, 128>}, {pipeline_mode = #tpu.pipeline_mode<synchronous>, transform_indices = @transform_8, window_bounds = array<i64: 1, 128>}, {transform_indices = @transform_9, window_bounds = array<i64: 5000, 128>}]} {
    %get3A = arith.constant 0 : index
    %get3A_0 = arith.constant 0 : index
    %get3A_1 = arith.constant 0 : index
    %get3A_2 = vector.load %arg2[%get3A, %get3A_0, %get3A_1] : memref<1x5000x128xf32, #tpu.memory_space<vmem>>, vector<1x5000x128xf32>
    %get3A_3 = vector.shape_cast %get3A_2 : vector<1x5000x128xf32> to vector<5000x128xf32>
    %get3A_4 = arith.constant 0 : index
    %get3A_5 = arith.constant 0 : index
    %get3A_6 = arith.constant 0 : index
    %get3A_7 = vector.load %arg3[%get3A_4, %get3A_5, %get3A_6] : memref<1x5000x128xf32, #tpu.memory_space<vmem>>, vector<1x5000x128xf32>
    %get3A_8 = vector.shape_cast %get3A_7 : vector<1x5000x128xf32> to vector<5000x128xf32>
    %add3A = arith.addf %get3A_3, %get3A_8 : vector<5000x128xf32>
    %get3A_9 = arith.constant 0 : index
    %get3A_10 = arith.constant 0 : index
    %get3A_11 = vector.load %arg4[%get3A_9, %get3A_10] : memref<5000x1xf32, #tpu.memory_space<vmem>>, vector<5000x1xf32>
    %max3A = arith.constant 1.000000e+00 : f32
    %max3A_12 = vector.broadcast %max3A : f32 to vector<5000x1xf32>
    %max3A_13 = arith.maximumf %get3A_11, %max3A_12 : vector<5000x1xf32>
    %div3A = arith.constant 1.000000e+00 : f32
    %div3A_14 = vector.broadcast %div3A : f32 to vector<5000x1xf32>
    %div3A_15 = arith.divf %div3A_14, %max3A_13 : vector<5000x1xf32>
    %mul3A = vector.broadcast %div3A_15 : vector<5000x1xf32> to vector<5000x128xf32>
    %mul3A_16 = arith.mulf %add3A, %mul3A : vector<5000x128xf32>
    %get3A_17 = arith.constant 0 : index
    %get3A_18 = arith.constant 0 : index
    %get3A_19 = vector.load %arg1[%get3A_17, %get3A_18] : memref<5000x128xf32, #tpu.memory_space<vmem>>, vector<5000x128xf32>
    %get3A_20 = arith.constant 0 : index
    %get3A_21 = arith.constant 0 : index
    %get3A_22 = vector.load %arg5[%get3A_20, %get3A_21] : memref<128x128xf32, #tpu.memory_space<vmem>>, vector<128x128xf32>
    %dot_general3A = arith.constant dense<0.000000e+00> : vector<5000x128xf32>
    %dot_general3A_23 = tpu.matmul %get3A_19, %get3A_22, %dot_general3A {dimension_numbers = #tpu.dot_dimension_numbers<[1], [0], [0], [1], [0, 0, 1, 1], [], []>, transpose_lhs_hint = false} : vector<5000x128xf32>, vector<128x128xf32>, vector<5000x128xf32> -> vector<5000x128xf32>
    %get3A_24 = arith.constant 0 : index
    %get3A_25 = arith.constant 0 : index
    %get3A_26 = vector.load %arg6[%get3A_24, %get3A_25] : memref<128x128xf32, #tpu.memory_space<vmem>>, vector<128x128xf32>
    %dot_general3A_27 = arith.constant dense<0.000000e+00> : vector<5000x128xf32>
    %dot_general3A_28 = tpu.matmul %mul3A_16, %get3A_26, %dot_general3A_27 {dimension_numbers = #tpu.dot_dimension_numbers<[1], [0], [0], [1], [0, 0, 1, 1], [], []>, transpose_lhs_hint = false} : vector<5000x128xf32>, vector<128x128xf32>, vector<5000x128xf32> -> vector<5000x128xf32>
    %add3A_29 = arith.addf %dot_general3A_23, %dot_general3A_28 : vector<5000x128xf32>
    %get3A_30 = arith.constant 0 : index
    %get3A_31 = arith.constant 0 : index
    %get3A_32 = vector.load %arg7[%get3A_30, %get3A_31] : memref<1x128xf32, #tpu.memory_space<vmem>>, vector<1x128xf32>
    %add3A_33 = vector.broadcast %get3A_32 : vector<1x128xf32> to vector<5000x128xf32>
    %add3A_34 = arith.addf %add3A_29, %add3A_33 : vector<5000x128xf32>
    %reduce_sum3A = arith.constant dense<0.000000e+00> : vector<5000xf32>
    %reduce_sum3A_35 = vector.multi_reduction <add>, %add3A_34, %reduce_sum3A [1] : vector<5000x128xf32> to vector<5000xf32>
    %broadcast_in_dim3A = vector.shape_cast %reduce_sum3A_35 : vector<5000xf32> to vector<5000x1xf32>
    %div3A_36 = arith.constant 1.280000e+02 : f32
    %div3A_37 = vector.broadcast %div3A_36 : f32 to vector<5000x1xf32>
    %div3A_38 = arith.divf %broadcast_in_dim3A, %div3A_37 : vector<5000x1xf32>
    %sub3A = vector.broadcast %div3A_38 : vector<5000x1xf32> to vector<5000x128xf32>
    %sub3A_39 = arith.subf %add3A_34, %sub3A : vector<5000x128xf32>
    %integer_pow3A = arith.mulf %sub3A_39, %sub3A_39 : vector<5000x128xf32>
    %reduce_sum3A_40 = arith.constant dense<0.000000e+00> : vector<5000xf32>
    %reduce_sum3A_41 = vector.multi_reduction <add>, %integer_pow3A, %reduce_sum3A_40 [1] : vector<5000x128xf32> to vector<5000xf32>
    %broadcast_in_dim3A_42 = vector.shape_cast %reduce_sum3A_41 : vector<5000xf32> to vector<5000x1xf32>
    %div3A_43 = arith.constant 1.280000e+02 : f32
    %div3A_44 = vector.broadcast %div3A_43 : f32 to vector<5000x1xf32>
    %div3A_45 = arith.divf %broadcast_in_dim3A_42, %div3A_44 : vector<5000x1xf32>
    %sub3A_46 = vector.broadcast %div3A_38 : vector<5000x1xf32> to vector<5000x128xf32>
    %sub3A_47 = arith.subf %add3A_34, %sub3A_46 : vector<5000x128xf32>
    %add3A_48 = arith.constant 9.99999974E-6 : f32
    %add3A_49 = vector.broadcast %add3A_48 : f32 to vector<5000x1xf32>
    %add3A_50 = arith.addf %div3A_45, %add3A_49 : vector<5000x1xf32>
    %rsqrt3A = math.rsqrt %add3A_50 : vector<5000x1xf32>
    %mul3A_51 = vector.broadcast %rsqrt3A : vector<5000x1xf32> to vector<5000x128xf32>
    %mul3A_52 = arith.mulf %sub3A_47, %mul3A_51 : vector<5000x128xf32>
    %get3A_53 = arith.constant 0 : index
    %get3A_54 = arith.constant 0 : index
    %get3A_55 = vector.load %arg8[%get3A_53, %get3A_54] : memref<1x128xf32, #tpu.memory_space<vmem>>, vector<1x128xf32>
    %mul3A_56 = vector.broadcast %get3A_55 : vector<1x128xf32> to vector<5000x128xf32>
    %mul3A_57 = arith.mulf %mul3A_52, %mul3A_56 : vector<5000x128xf32>
    %get3A_58 = arith.constant 0 : index
    %get3A_59 = arith.constant 0 : index
    %get3A_60 = vector.load %arg9[%get3A_58, %get3A_59] : memref<1x128xf32, #tpu.memory_space<vmem>>, vector<1x128xf32>
    %add3A_61 = vector.broadcast %get3A_60 : vector<1x128xf32> to vector<5000x128xf32>
    %add3A_62 = arith.addf %mul3A_57, %add3A_61 : vector<5000x128xf32>
    %max3A_63 = arith.constant 0.000000e+00 : f32
    %max3A_64 = vector.broadcast %max3A_63 : f32 to vector<5000x128xf32>
    %max3A_65 = arith.maximumf %add3A_62, %max3A_64 : vector<5000x128xf32>
    %swap3A = arith.constant 0 : index
    %swap3A_66 = arith.constant 0 : index
    %swap3A_67 = vector.load %arg10[%swap3A, %swap3A_66] : memref<5000x128xf32, #tpu.memory_space<vmem>>, vector<5000x128xf32>
    tpu.vector_store %arg10[%swap3A, %swap3A_66], %max3A_65 {strides = array<i32>} : memref<5000x128xf32, #tpu.memory_space<vmem>>, vector<5000x128xf32>,
    return
  }
  func.func @transform_0(%arg0: i32) -> (i32, i32) {
    %c0_i32 = arith.constant 0 : i32
    %c0_i32_0 = arith.constant 0 : i32
    return %arg0, %c0_i32 : i32, i32
  }
  func.func @transform_1(%arg0: i32) -> (i32, i32, i32) {
    %c0_i32 = arith.constant 0 : i32
    %c0_i32_0 = arith.constant 0 : i32
    %c0_i32_1 = arith.constant 0 : i32
    return %c0_i32, %arg0, %c0_i32_0 : i32, i32, i32
  }
  func.func @transform_2(%arg0: i32) -> (i32, i32, i32) {
    %c1_i32 = arith.constant 1 : i32
    %c0_i32 = arith.constant 0 : i32
    %c0_i32_0 = arith.constant 0 : i32
    return %c1_i32, %arg0, %c0_i32 : i32, i32, i32
  }
  func.func @transform_3(%arg0: i32) -> (i32, i32) {
    %c0_i32 = arith.constant 0 : i32
    %c0_i32_0 = arith.constant 0 : i32
    return %arg0, %c0_i32 : i32, i32
  }
  func.func @transform_4(%arg0: i32) -> (i32, i32) {
    %c0_i32 = arith.constant 0 : i32
    %c0_i32_0 = arith.constant 0 : i32
    %c0_i32_1 = arith.constant 0 : i32
    return %c0_i32, %c0_i32_0 : i32, i32
  }
  func.func @transform_5(%arg0: i32) -> (i32, i32) {
    %c0_i32 = arith.constant 0 : i32
    %c0_i32_0 = arith.constant 0 : i32
    %c0_i32_1 = arith.constant 0 : i32
    return %c0_i32, %c0_i32_0 : i32, i32
  }
  func.func @transform_6(%arg0: i32) -> (i32, i32) {
    %c0_i32 = arith.constant 0 : i32
    %c0_i32_0 = arith.constant 0 : i32
    %c0_i32_1 = arith.constant 0 : i32
    return %c0_i32, %c0_i32_0 : i32, i32
  }
  func.func @transform_7(%arg0: i32) -> (i32, i32) {
    %c0_i32 = arith.constant 0 : i32
    %c0_i32_0 = arith.constant 0 : i32
    %c0_i32_1 = arith.constant 0 : i32
    return %c0_i32, %c0_i32_0 : i32, i32
  }
  func.func @transform_8(%arg0: i32) -> (i32, i32) {
    %c0_i32 = arith.constant 0 : i32
    %c0_i32_0 = arith.constant 0 : i32
    %c0_i32_1 = arith.constant 0 : i32
    return %c0_i32, %c0_i32_0 : i32, i32
  }
  func.func @transform_9(%arg0: i32) -> (i32, i32) {
    %c0_i32 = arith.constant 0 : i32
    %c0_i32_0 = arith.constant 0 : i32
    return %arg0, %c0_i32 : i32, i32
  }
}

module attributes {stable_mosaic.version = 14 : i64} {
  func.func @_hp_body(%arg0: memref<1024x128xf32, #tpu.memory_space<vmem>>, %arg1: memref<3x128x128xf32, #tpu.memory_space<vmem>>, %arg2: memref<3x1x128xf32, #tpu.memory_space<vmem>>, %arg3: memref<3x1x128xf32, #tpu.memory_space<vmem>>, %arg4: memref<3x1x128xf32, #tpu.memory_space<vmem>>, %arg5: memref<1024x128xf32, #tpu.memory_space<vmem>>) attributes {dimension_semantics = [], scalar_prefetch = 0 : i64, scratch_operands = 0 : i64, tpu.core_type = #tpu.core_type<tc>} {
    %get3A = arith.constant 0 : index
    %get3A_0 = arith.constant 0 : index
    %get3A_1 = vector.load %arg0[%get3A, %get3A_0] : memref<1024x128xf32, #tpu.memory_space<vmem>>, vector<1024x128xf32>
    %get3A_2 = arith.constant 0 : index
    %get3A_3 = arith.constant 0 : index
    %get3A_4 = arith.constant 0 : index
    %get3A_5 = vector.load %arg1[%get3A_2, %get3A_3, %get3A_4] : memref<3x128x128xf32, #tpu.memory_space<vmem>>, vector<1x128x128xf32>
    %get3A_6 = vector.shape_cast %get3A_5 : vector<1x128x128xf32> to vector<128x128xf32>
    %dot_general3A = arith.constant dense<0.000000e+00> : vector<1024x128xf32>
    %dot_general3A_7 = tpu.matmul %get3A_1, %get3A_6, %dot_general3A {dimension_numbers = #tpu.dot_dimension_numbers<[1], [0], [0], [1], [0, 0, 1, 1], [], []>, transpose_lhs_hint = false} : vector<1024x128xf32>, vector<128x128xf32>, vector<1024x128xf32> -> vector<1024x128xf32>
    %get3A_8 = arith.constant 0 : index
    %get3A_9 = arith.constant 0 : index
    %get3A_10 = arith.constant 0 : index
    %get3A_11 = vector.load %arg2[%get3A_8, %get3A_9, %get3A_10] : memref<3x1x128xf32, #tpu.memory_space<vmem>>, vector<1x1x128xf32>
    %get3A_12 = vector.shape_cast %get3A_11 : vector<1x1x128xf32> to vector<1x128xf32>
    %add3A = vector.broadcast %get3A_12 : vector<1x128xf32> to vector<1024x128xf32>
    %add3A_13 = arith.addf %dot_general3A_7, %add3A : vector<1024x128xf32>
    %reduce_sum3A = arith.constant dense<0.000000e+00> : vector<1024xf32>
    %reduce_sum3A_14 = vector.multi_reduction <add>, %add3A_13, %reduce_sum3A [1] : vector<1024x128xf32> to vector<1024xf32>
    %broadcast_in_dim3A = vector.shape_cast %reduce_sum3A_14 : vector<1024xf32> to vector<1024x1xf32>
    %div3A = arith.constant 1.280000e+02 : f32
    %div3A_15 = vector.broadcast %div3A : f32 to vector<1024x1xf32>
    %div3A_16 = arith.divf %broadcast_in_dim3A, %div3A_15 : vector<1024x1xf32>
    %sub3A = vector.broadcast %div3A_16 : vector<1024x1xf32> to vector<1024x128xf32>
    %sub3A_17 = arith.subf %add3A_13, %sub3A : vector<1024x128xf32>
    %integer_pow3A = arith.mulf %sub3A_17, %sub3A_17 : vector<1024x128xf32>
    %reduce_sum3A_18 = arith.constant dense<0.000000e+00> : vector<1024xf32>
    %reduce_sum3A_19 = vector.multi_reduction <add>, %integer_pow3A, %reduce_sum3A_18 [1] : vector<1024x128xf32> to vector<1024xf32>
    %broadcast_in_dim3A_20 = vector.shape_cast %reduce_sum3A_19 : vector<1024xf32> to vector<1024x1xf32>
    %div3A_21 = arith.constant 1.280000e+02 : f32
    %div3A_22 = vector.broadcast %div3A_21 : f32 to vector<1024x1xf32>
    %div3A_23 = arith.divf %broadcast_in_dim3A_20, %div3A_22 : vector<1024x1xf32>
    %sub3A_24 = vector.broadcast %div3A_16 : vector<1024x1xf32> to vector<1024x128xf32>
    %sub3A_25 = arith.subf %add3A_13, %sub3A_24 : vector<1024x128xf32>
    %add3A_26 = arith.constant 9.99999974E-6 : f32
    %add3A_27 = vector.broadcast %add3A_26 : f32 to vector<1024x1xf32>
    %add3A_28 = arith.addf %div3A_23, %add3A_27 : vector<1024x1xf32>
    %rsqrt3A = math.rsqrt %add3A_28 : vector<1024x1xf32>
    %mul3A = vector.broadcast %rsqrt3A : vector<1024x1xf32> to vector<1024x128xf32>
    %mul3A_29 = arith.mulf %sub3A_25, %mul3A : vector<1024x128xf32>
    %get3A_30 = arith.constant 0 : index
    %get3A_31 = arith.constant 0 : index
    %get3A_32 = arith.constant 0 : index
    %get3A_33 = vector.load %arg3[%get3A_30, %get3A_31, %get3A_32] : memref<3x1x128xf32, #tpu.memory_space<vmem>>, vector<1x1x128xf32>
    %get3A_34 = vector.shape_cast %get3A_33 : vector<1x1x128xf32> to vector<1x128xf32>
    %mul3A_35 = vector.broadcast %get3A_34 : vector<1x128xf32> to vector<1024x128xf32>
    %mul3A_36 = arith.mulf %mul3A_29, %mul3A_35 : vector<1024x128xf32>
    %get3A_37 = arith.constant 0 : index
    %get3A_38 = arith.constant 0 : index
    %get3A_39 = arith.constant 0 : index
    %get3A_40 = vector.load %arg4[%get3A_37, %get3A_38, %get3A_39] : memref<3x1x128xf32, #tpu.memory_space<vmem>>, vector<1x1x128xf32>
    %get3A_41 = vector.shape_cast %get3A_40 : vector<1x1x128xf32> to vector<1x128xf32>
    %add3A_42 = vector.broadcast %get3A_41 : vector<1x128xf32> to vector<1024x128xf32>
    %add3A_43 = arith.addf %mul3A_36, %add3A_42 : vector<1024x128xf32>
    %max3A = arith.constant 0.000000e+00 : f32
    %max3A_44 = vector.broadcast %max3A : f32 to vector<1024x128xf32>
    %max3A_45 = arith.maximumf %add3A_43, %max3A_44 : vector<1024x128xf32>
    %get3A_46 = arith.constant 1 : index
    %get3A_47 = arith.constant 0 : index
    %get3A_48 = arith.constant 0 : index
    %get3A_49 = vector.load %arg1[%get3A_46, %get3A_47, %get3A_48] : memref<3x128x128xf32, #tpu.memory_space<vmem>>, vector<1x128x128xf32>
    %get3A_50 = vector.shape_cast %get3A_49 : vector<1x128x128xf32> to vector<128x128xf32>
    %dot_general3A_51 = arith.constant dense<0.000000e+00> : vector<1024x128xf32>
    %dot_general3A_52 = tpu.matmul %max3A_45, %get3A_50, %dot_general3A_51 {dimension_numbers = #tpu.dot_dimension_numbers<[1], [0], [0], [1], [0, 0, 1, 1], [], []>, transpose_lhs_hint = false} : vector<1024x128xf32>, vector<128x128xf32>, vector<1024x128xf32> -> vector<1024x128xf32>
    %get3A_53 = arith.constant 1 : index
    %get3A_54 = arith.constant 0 : index
    %get3A_55 = arith.constant 0 : index
    %get3A_56 = vector.load %arg2[%get3A_53, %get3A_54, %get3A_55] : memref<3x1x128xf32, #tpu.memory_space<vmem>>, vector<1x1x128xf32>
    %get3A_57 = vector.shape_cast %get3A_56 : vector<1x1x128xf32> to vector<1x128xf32>
    %add3A_58 = vector.broadcast %get3A_57 : vector<1x128xf32> to vector<1024x128xf32>
    %add3A_59 = arith.addf %dot_general3A_52, %add3A_58 : vector<1024x128xf32>
    %reduce_sum3A_60 = arith.constant dense<0.000000e+00> : vector<1024xf32>
    %reduce_sum3A_61 = vector.multi_reduction <add>, %add3A_59, %reduce_sum3A_60 [1] : vector<1024x128xf32> to vector<1024xf32>
    %broadcast_in_dim3A_62 = vector.shape_cast %reduce_sum3A_61 : vector<1024xf32> to vector<1024x1xf32>
    %div3A_63 = arith.constant 1.280000e+02 : f32
    %div3A_64 = vector.broadcast %div3A_63 : f32 to vector<1024x1xf32>
    %div3A_65 = arith.divf %broadcast_in_dim3A_62, %div3A_64 : vector<1024x1xf32>
    %sub3A_66 = vector.broadcast %div3A_65 : vector<1024x1xf32> to vector<1024x128xf32>
    %sub3A_67 = arith.subf %add3A_59, %sub3A_66 : vector<1024x128xf32>
    %integer_pow3A_68 = arith.mulf %sub3A_67, %sub3A_67 : vector<1024x128xf32>
    %reduce_sum3A_69 = arith.constant dense<0.000000e+00> : vector<1024xf32>
    %reduce_sum3A_70 = vector.multi_reduction <add>, %integer_pow3A_68, %reduce_sum3A_69 [1] : vector<1024x128xf32> to vector<1024xf32>
    %broadcast_in_dim3A_71 = vector.shape_cast %reduce_sum3A_70 : vector<1024xf32> to vector<1024x1xf32>
    %div3A_72 = arith.constant 1.280000e+02 : f32
    %div3A_73 = vector.broadcast %div3A_72 : f32 to vector<1024x1xf32>
    %div3A_74 = arith.divf %broadcast_in_dim3A_71, %div3A_73 : vector<1024x1xf32>
    %sub3A_75 = vector.broadcast %div3A_65 : vector<1024x1xf32> to vector<1024x128xf32>
    %sub3A_76 = arith.subf %add3A_59, %sub3A_75 : vector<1024x128xf32>
    %add3A_77 = arith.constant 9.99999974E-6 : f32
    %add3A_78 = vector.broadcast %add3A_77 : f32 to vector<1024x1xf32>
    %add3A_79 = arith.addf %div3A_74, %add3A_78 : vector<1024x1xf32>
    %rsqrt3A_80 = math.rsqrt %add3A_79 : vector<1024x1xf32>
    %mul3A_81 = vector.broadcast %rsqrt3A_80 : vector<1024x1xf32> to vector<1024x128xf32>
    %mul3A_82 = arith.mulf %sub3A_76, %mul3A_81 : vector<1024x128xf32>
    %get3A_83 = arith.constant 1 : index
    %get3A_84 = arith.constant 0 : index
    %get3A_85 = arith.constant 0 : index
    %get3A_86 = vector.load %arg3[%get3A_83, %get3A_84, %get3A_85] : memref<3x1x128xf32, #tpu.memory_space<vmem>>, vector<1x1x128xf32>
    %get3A_87 = vector.shape_cast %get3A_86 : vector<1x1x128xf32> to vector<1x128xf32>
    %mul3A_88 = vector.broadcast %get3A_87 : vector<1x128xf32> to vector<1024x128xf32>
    %mul3A_89 = arith.mulf %mul3A_82, %mul3A_88 : vector<1024x128xf32>
    %get3A_90 = arith.constant 1 : index
    %get3A_91 = arith.constant 0 : index
    %get3A_92 = arith.constant 0 : index
    %get3A_93 = vector.load %arg4[%get3A_90, %get3A_91, %get3A_92] : memref<3x1x128xf32, #tpu.memory_space<vmem>>, vector<1x1x128xf32>
    %get3A_94 = vector.shape_cast %get3A_93 : vector<1x1x128xf32> to vector<1x128xf32>
    %add3A_95 = vector.broadcast %get3A_94 : vector<1x128xf32> to vector<1024x128xf32>
    %add3A_96 = arith.addf %mul3A_89, %add3A_95 : vector<1024x128xf32>
    %max3A_97 = arith.constant 0.000000e+00 : f32
    %max3A_98 = vector.broadcast %max3A_97 : f32 to vector<1024x128xf32>
    %max3A_99 = arith.maximumf %add3A_96, %max3A_98 : vector<1024x128xf32>
    %get3A_100 = arith.constant 2 : index
    %get3A_101 = arith.constant 0 : index
    %get3A_102 = arith.constant 0 : index
    %get3A_103 = vector.load %arg1[%get3A_100, %get3A_101, %get3A_102] : memref<3x128x128xf32, #tpu.memory_space<vmem>>, vector<1x128x128xf32>
    %get3A_104 = vector.shape_cast %get3A_103 : vector<1x128x128xf32> to vector<128x128xf32>
    %dot_general3A_105 = arith.constant dense<0.000000e+00> : vector<1024x128xf32>
    %dot_general3A_106 = tpu.matmul %max3A_99, %get3A_104, %dot_general3A_105 {dimension_numbers = #tpu.dot_dimension_numbers<[1], [0], [0], [1], [0, 0, 1, 1], [], []>, transpose_lhs_hint = false} : vector<1024x128xf32>, vector<128x128xf32>, vector<1024x128xf32> -> vector<1024x128xf32>
    %get3A_107 = arith.constant 2 : index
    %get3A_108 = arith.constant 0 : index
    %get3A_109 = arith.constant 0 : index
    %get3A_110 = vector.load %arg2[%get3A_107, %get3A_108, %get3A_109] : memref<3x1x128xf32, #tpu.memory_space<vmem>>, vector<1x1x128xf32>
    %get3A_111 = vector.shape_cast %get3A_110 : vector<1x1x128xf32> to vector<1x128xf32>
    %add3A_112 = vector.broadcast %get3A_111 : vector<1x128xf32> to vector<1024x128xf32>
    %add3A_113 = arith.addf %dot_general3A_106, %add3A_112 : vector<1024x128xf32>
    %reduce_sum3A_114 = arith.constant dense<0.000000e+00> : vector<1024xf32>
    %reduce_sum3A_115 = vector.multi_reduction <add>, %add3A_113, %reduce_sum3A_114 [1] : vector<1024x128xf32> to vector<1024xf32>
    %broadcast_in_dim3A_116 = vector.shape_cast %reduce_sum3A_115 : vector<1024xf32> to vector<1024x1xf32>
    %div3A_117 = arith.constant 1.280000e+02 : f32
    %div3A_118 = vector.broadcast %div3A_117 : f32 to vector<1024x1xf32>
    %div3A_119 = arith.divf %broadcast_in_dim3A_116, %div3A_118 : vector<1024x1xf32>
    %sub3A_120 = vector.broadcast %div3A_119 : vector<1024x1xf32> to vector<1024x128xf32>
    %sub3A_121 = arith.subf %add3A_113, %sub3A_120 : vector<1024x128xf32>
    %integer_pow3A_122 = arith.mulf %sub3A_121, %sub3A_121 : vector<1024x128xf32>
    %reduce_sum3A_123 = arith.constant dense<0.000000e+00> : vector<1024xf32>
    %reduce_sum3A_124 = vector.multi_reduction <add>, %integer_pow3A_122, %reduce_sum3A_123 [1] : vector<1024x128xf32> to vector<1024xf32>
    %broadcast_in_dim3A_125 = vector.shape_cast %reduce_sum3A_124 : vector<1024xf32> to vector<1024x1xf32>
    %div3A_126 = arith.constant 1.280000e+02 : f32
    %div3A_127 = vector.broadcast %div3A_126 : f32 to vector<1024x1xf32>
    %div3A_128 = arith.divf %broadcast_in_dim3A_125, %div3A_127 : vector<1024x1xf32>
    %sub3A_129 = vector.broadcast %div3A_119 : vector<1024x1xf32> to vector<1024x128xf32>
    %sub3A_130 = arith.subf %add3A_113, %sub3A_129 : vector<1024x128xf32>
    %add3A_131 = arith.constant 9.99999974E-6 : f32
    %add3A_132 = vector.broadcast %add3A_131 : f32 to vector<1024x1xf32>
    %add3A_133 = arith.addf %div3A_128, %add3A_132 : vector<1024x1xf32>
    %rsqrt3A_134 = math.rsqrt %add3A_133 : vector<1024x1xf32>
    %mul3A_135 = vector.broadcast %rsqrt3A_134 : vector<1024x1xf32> to vector<1024x128xf32>
    %mul3A_136 = arith.mulf %sub3A_130, %mul3A_135 : vector<1024x128xf32>
    %get3A_137 = arith.constant 2 : index
    %get3A_138 = arith.constant 0 : index
    %get3A_139 = arith.constant 0 : index
    %get3A_140 = vector.load %arg3[%get3A_137, %get3A_138, %get3A_139] : memref<3x1x128xf32, #tpu.memory_space<vmem>>, vector<1x1x128xf32>
    %get3A_141 = vector.shape_cast %get3A_140 : vector<1x1x128xf32> to vector<1x128xf32>
    %mul3A_142 = vector.broadcast %get3A_141 : vector<1x128xf32> to vector<1024x128xf32>
    %mul3A_143 = arith.mulf %mul3A_136, %mul3A_142 : vector<1024x128xf32>
    %get3A_144 = arith.constant 2 : index
    %get3A_145 = arith.constant 0 : index
    %get3A_146 = arith.constant 0 : index
    %get3A_147 = vector.load %arg4[%get3A_144, %get3A_145, %get3A_146] : memref<3x1x128xf32, #tpu.memory_space<vmem>>, vector<1x1x128xf32>
    %get3A_148 = vector.shape_cast %get3A_147 : vector<1x1x128xf32> to vector<1x128xf32>
    %add3A_149 = vector.broadcast %get3A_148 : vector<1x128xf32> to vector<1024x128xf32>
    %add3A_150 = arith.addf %mul3A_143, %add3A_149 : vector<1024x128xf32>
    %swap3A = arith.constant 0 : index
    %swap3A_151 = arith.constant 0 : index
    %swap3A_152 = vector.load %arg5[%swap3A, %swap3A_151] : memref<1024x128xf32, #tpu.memory_space<vmem>>, vector<1024x128xf32>
    tpu.vector_store %arg5[%swap3A, %swap3A_151], %add3A_150 {strides = array<i32>} : memref<1024x128xf32, #tpu.memory_space<vmem>>, vector<1024x128xf32>,
    return
  }
}

module attributes {stable_mosaic.version = 14 : i64} {
  func.func @_dense_body(%arg0: i32, %arg1: memref<5000x128xf32, #tpu.memory_space<vmem>>, %arg2: memref<1x5000x128xf32, #tpu.memory_space<vmem>>, %arg3: memref<1x5000x128xf32, #tpu.memory_space<vmem>>, %arg4: memref<5000x1xf32, #tpu.memory_space<vmem>>, %arg5: memref<128x128xf32, #tpu.memory_space<vmem>>, %arg6: memref<128x128xf32, #tpu.memory_space<vmem>>, %arg7: memref<1x128xf32, #tpu.memory_space<vmem>>, %arg8: memref<1x128xf32, #tpu.memory_space<vmem>>, %arg9: memref<1x128xf32, #tpu.memory_space<vmem>>, %arg10: memref<5000x128xf32, #tpu.memory_space<vmem>>) attributes {dimension_semantics = [#tpu.dimension_semantics<arbitrary>], iteration_bounds = array<i64: 2>, scalar_prefetch = 0 : i64, scratch_operands = 0 : i64, tpu.core_type = #tpu.core_type<tc>, window_params = [{transform_indices = @transform_0, window_bounds = array<i64: 5000, 128>}, {transform_indices = @transform_1, window_bounds = array<i64: 1, 5000, 128>}, {transform_indices = @transform_2, window_bounds = array<i64: 1, 5000, 128>}, {transform_indices = @transform_3, window_bounds = array<i64: 5000, 1>}, {pipeline_mode = #tpu.pipeline_mode<synchronous>, transform_indices = @transform_4, window_bounds = array<i64: 128, 128>}, {pipeline_mode = #tpu.pipeline_mode<synchronous>, transform_indices = @transform_5, window_bounds = array<i64: 128, 128>}, {pipeline_mode = #tpu.pipeline_mode<synchronous>, transform_indices = @transform_6, window_bounds = array<i64: 1, 128>}, {pipeline_mode = #tpu.pipeline_mode<synchronous>, transform_indices = @transform_7, window_bounds = array<i64: 1, 128>}, {pipeline_mode = #tpu.pipeline_mode<synchronous>, transform_indices = @transform_8, window_bounds = array<i64: 1, 128>}, {transform_indices = @transform_9, window_bounds = array<i64: 5000, 128>}]} {
    %get3A = arith.constant 0 : index
    %get3A_0 = arith.constant 0 : index
    %get3A_1 = arith.constant 0 : index
    %get3A_2 = vector.load %arg2[%get3A, %get3A_0, %get3A_1] : memref<1x5000x128xf32, #tpu.memory_space<vmem>>, vector<1x5000x128xf32>
    %get3A_3 = vector.shape_cast %get3A_2 : vector<1x5000x128xf32> to vector<5000x128xf32>
    %get3A_4 = arith.constant 0 : index
    %get3A_5 = arith.constant 0 : index
    %get3A_6 = arith.constant 0 : index
    %get3A_7 = vector.load %arg3[%get3A_4, %get3A_5, %get3A_6] : memref<1x5000x128xf32, #tpu.memory_space<vmem>>, vector<1x5000x128xf32>
    %get3A_8 = vector.shape_cast %get3A_7 : vector<1x5000x128xf32> to vector<5000x128xf32>
    %add3A = arith.addf %get3A_3, %get3A_8 : vector<5000x128xf32>
    %get3A_9 = arith.constant 0 : index
    %get3A_10 = arith.constant 0 : index
    %get3A_11 = vector.load %arg4[%get3A_9, %get3A_10] : memref<5000x1xf32, #tpu.memory_space<vmem>>, vector<5000x1xf32>
    %max3A = arith.constant 1.000000e+00 : f32
    %max3A_12 = vector.broadcast %max3A : f32 to vector<5000x1xf32>
    %max3A_13 = arith.maximumf %get3A_11, %max3A_12 : vector<5000x1xf32>
    %div3A = arith.constant 1.000000e+00 : f32
    %div3A_14 = vector.broadcast %div3A : f32 to vector<5000x1xf32>
    %div3A_15 = arith.divf %div3A_14, %max3A_13 : vector<5000x1xf32>
    %mul3A = vector.broadcast %div3A_15 : vector<5000x1xf32> to vector<5000x128xf32>
    %mul3A_16 = arith.mulf %add3A, %mul3A : vector<5000x128xf32>
    %get3A_17 = arith.constant 0 : index
    %get3A_18 = arith.constant 0 : index
    %get3A_19 = vector.load %arg1[%get3A_17, %get3A_18] : memref<5000x128xf32, #tpu.memory_space<vmem>>, vector<5000x128xf32>
    %get3A_20 = arith.constant 0 : index
    %get3A_21 = arith.constant 0 : index
    %get3A_22 = vector.load %arg5[%get3A_20, %get3A_21] : memref<128x128xf32, #tpu.memory_space<vmem>>, vector<128x128xf32>
    %dot_general3A = arith.constant dense<0.000000e+00> : vector<5000x128xf32>
    %dot_general3A_23 = tpu.matmul %get3A_19, %get3A_22, %dot_general3A {dimension_numbers = #tpu.dot_dimension_numbers<[1], [0], [0], [1], [0, 0, 1, 1], [], []>, transpose_lhs_hint = false} : vector<5000x128xf32>, vector<128x128xf32>, vector<5000x128xf32> -> vector<5000x128xf32>
    %get3A_24 = arith.constant 0 : index
    %get3A_25 = arith.constant 0 : index
    %get3A_26 = vector.load %arg6[%get3A_24, %get3A_25] : memref<128x128xf32, #tpu.memory_space<vmem>>, vector<128x128xf32>
    %dot_general3A_27 = arith.constant dense<0.000000e+00> : vector<5000x128xf32>
    %dot_general3A_28 = tpu.matmul %mul3A_16, %get3A_26, %dot_general3A_27 {dimension_numbers = #tpu.dot_dimension_numbers<[1], [0], [0], [1], [0, 0, 1, 1], [], []>, transpose_lhs_hint = false} : vector<5000x128xf32>, vector<128x128xf32>, vector<5000x128xf32> -> vector<5000x128xf32>
    %add3A_29 = arith.addf %dot_general3A_23, %dot_general3A_28 : vector<5000x128xf32>
    %get3A_30 = arith.constant 0 : index
    %get3A_31 = arith.constant 0 : index
    %get3A_32 = vector.load %arg7[%get3A_30, %get3A_31] : memref<1x128xf32, #tpu.memory_space<vmem>>, vector<1x128xf32>
    %add3A_33 = vector.broadcast %get3A_32 : vector<1x128xf32> to vector<5000x128xf32>
    %add3A_34 = arith.addf %add3A_29, %add3A_33 : vector<5000x128xf32>
    %reduce_sum3A = arith.constant dense<0.000000e+00> : vector<5000xf32>
    %reduce_sum3A_35 = vector.multi_reduction <add>, %add3A_34, %reduce_sum3A [1] : vector<5000x128xf32> to vector<5000xf32>
    %broadcast_in_dim3A = vector.shape_cast %reduce_sum3A_35 : vector<5000xf32> to vector<5000x1xf32>
    %div3A_36 = arith.constant 1.280000e+02 : f32
    %div3A_37 = vector.broadcast %div3A_36 : f32 to vector<5000x1xf32>
    %div3A_38 = arith.divf %broadcast_in_dim3A, %div3A_37 : vector<5000x1xf32>
    %sub3A = vector.broadcast %div3A_38 : vector<5000x1xf32> to vector<5000x128xf32>
    %sub3A_39 = arith.subf %add3A_34, %sub3A : vector<5000x128xf32>
    %integer_pow3A = arith.mulf %sub3A_39, %sub3A_39 : vector<5000x128xf32>
    %reduce_sum3A_40 = arith.constant dense<0.000000e+00> : vector<5000xf32>
    %reduce_sum3A_41 = vector.multi_reduction <add>, %integer_pow3A, %reduce_sum3A_40 [1] : vector<5000x128xf32> to vector<5000xf32>
    %broadcast_in_dim3A_42 = vector.shape_cast %reduce_sum3A_41 : vector<5000xf32> to vector<5000x1xf32>
    %div3A_43 = arith.constant 1.280000e+02 : f32
    %div3A_44 = vector.broadcast %div3A_43 : f32 to vector<5000x1xf32>
    %div3A_45 = arith.divf %broadcast_in_dim3A_42, %div3A_44 : vector<5000x1xf32>
    %sub3A_46 = vector.broadcast %div3A_38 : vector<5000x1xf32> to vector<5000x128xf32>
    %sub3A_47 = arith.subf %add3A_34, %sub3A_46 : vector<5000x128xf32>
    %add3A_48 = arith.constant 9.99999974E-6 : f32
    %add3A_49 = vector.broadcast %add3A_48 : f32 to vector<5000x1xf32>
    %add3A_50 = arith.addf %div3A_45, %add3A_49 : vector<5000x1xf32>
    %rsqrt3A = math.rsqrt %add3A_50 : vector<5000x1xf32>
    %mul3A_51 = vector.broadcast %rsqrt3A : vector<5000x1xf32> to vector<5000x128xf32>
    %mul3A_52 = arith.mulf %sub3A_47, %mul3A_51 : vector<5000x128xf32>
    %get3A_53 = arith.constant 0 : index
    %get3A_54 = arith.constant 0 : index
    %get3A_55 = vector.load %arg8[%get3A_53, %get3A_54] : memref<1x128xf32, #tpu.memory_space<vmem>>, vector<1x128xf32>
    %mul3A_56 = vector.broadcast %get3A_55 : vector<1x128xf32> to vector<5000x128xf32>
    %mul3A_57 = arith.mulf %mul3A_52, %mul3A_56 : vector<5000x128xf32>
    %get3A_58 = arith.constant 0 : index
    %get3A_59 = arith.constant 0 : index
    %get3A_60 = vector.load %arg9[%get3A_58, %get3A_59] : memref<1x128xf32, #tpu.memory_space<vmem>>, vector<1x128xf32>
    %add3A_61 = vector.broadcast %get3A_60 : vector<1x128xf32> to vector<5000x128xf32>
    %add3A_62 = arith.addf %mul3A_57, %add3A_61 : vector<5000x128xf32>
    %swap3A = arith.constant 0 : index
    %swap3A_63 = arith.constant 0 : index
    %swap3A_64 = vector.load %arg10[%swap3A, %swap3A_63] : memref<5000x128xf32, #tpu.memory_space<vmem>>, vector<5000x128xf32>
    tpu.vector_store %arg10[%swap3A, %swap3A_63], %add3A_62 {strides = array<i32>} : memref<5000x128xf32, #tpu.memory_space<vmem>>, vector<5000x128xf32>,
    return
  }
  func.func @transform_0(%arg0: i32) -> (i32, i32) {
    %c0_i32 = arith.constant 0 : i32
    %c0_i32_0 = arith.constant 0 : i32
    return %arg0, %c0_i32 : i32, i32
  }
  func.func @transform_1(%arg0: i32) -> (i32, i32, i32) {
    %c0_i32 = arith.constant 0 : i32
    %c0_i32_0 = arith.constant 0 : i32
    %c0_i32_1 = arith.constant 0 : i32
    return %c0_i32, %arg0, %c0_i32_0 : i32, i32, i32
  }
  func.func @transform_2(%arg0: i32) -> (i32, i32, i32) {
    %c1_i32 = arith.constant 1 : i32
    %c0_i32 = arith.constant 0 : i32
    %c0_i32_0 = arith.constant 0 : i32
    return %c1_i32, %arg0, %c0_i32 : i32, i32, i32
  }
  func.func @transform_3(%arg0: i32) -> (i32, i32) {
    %c0_i32 = arith.constant 0 : i32
    %c0_i32_0 = arith.constant 0 : i32
    return %arg0, %c0_i32 : i32, i32
  }
  func.func @transform_4(%arg0: i32) -> (i32, i32) {
    %c0_i32 = arith.constant 0 : i32
    %c0_i32_0 = arith.constant 0 : i32
    %c0_i32_1 = arith.constant 0 : i32
    return %c0_i32, %c0_i32_0 : i32, i32
  }
  func.func @transform_5(%arg0: i32) -> (i32, i32) {
    %c0_i32 = arith.constant 0 : i32
    %c0_i32_0 = arith.constant 0 : i32
    %c0_i32_1 = arith.constant 0 : i32
    return %c0_i32, %c0_i32_0 : i32, i32
  }
  func.func @transform_6(%arg0: i32) -> (i32, i32) {
    %c0_i32 = arith.constant 0 : i32
    %c0_i32_0 = arith.constant 0 : i32
    %c0_i32_1 = arith.constant 0 : i32
    return %c0_i32, %c0_i32_0 : i32, i32
  }
  func.func @transform_7(%arg0: i32) -> (i32, i32) {
    %c0_i32 = arith.constant 0 : i32
    %c0_i32_0 = arith.constant 0 : i32
    %c0_i32_1 = arith.constant 0 : i32
    return %c0_i32, %c0_i32_0 : i32, i32
  }
  func.func @transform_8(%arg0: i32) -> (i32, i32) {
    %c0_i32 = arith.constant 0 : i32
    %c0_i32_0 = arith.constant 0 : i32
    %c0_i32_1 = arith.constant 0 : i32
    return %c0_i32, %c0_i32_0 : i32, i32
  }
  func.func @transform_9(%arg0: i32) -> (i32, i32) {
    %c0_i32 = arith.constant 0 : i32
    %c0_i32_0 = arith.constant 0 : i32
    return %arg0, %c0_i32 : i32, i32
  }
}

</mosaic_0001>

<sc_bundles>
// kernel: kernel.10.cloned.1.call-start
scs
__scs_entry_jumppad:
0x0: {  	(pc) =	sbr.rel $0x88, $3  }
0x1: {  	(tag) =	ssettag $0x0;
	lr =	simm.s32 $0x1  }
0x2: {  	[smem:$0x3F97] =	sst lr;
	_ =	strace $0xD0000000  }
0x3: {  	_ = 	snop  }
0x4: {  	_ = 	snop  }
0x5: {  	_ = 	snop  }
0x6: {  	_ = 	snop  }
0x7: {  	_ = 	snop  }
__scs_overlays_trampoline_lowered:
0x8: {  	[smem:$0x3FA6] =	sst s0  }
0x9: {  	[smem:$0x3FA7] =	sst s1  }
0xa: {  	[smem:$0x3FA8] =	sst s2  }
0xb: {  	[smem:$0x3FA9] =	sst s3  }
0xc: {  	[smem:$0x3FAA] =	sst s4  }
0xd: {  	[smem:$0x3FAB] =	sst s5  }
0xe: {  	[smem:$0x3FAC] =	sst s6  }
0xf: {  	[smem:$0x3FAD] =	sst s7  }
0x10: {  	[smem:$0x3FAE] =	sst s8  }
0x11: {  	[smem:$0x3FAF] =	sst s9;
	s0 =	simm.s32 @!p0 $0x0  }
0x12: {  	s1 =	sld [smem:$0x3F95];
	s0 =	simm.s32 @p0 $0x1  }
0x13: {  	[smem:$0x3FB0] =	sst s0;
	s0 =	simm.s32 @!p1 $0x0  }
0x14: {  	s2 =	sld [smem:$0x3F94];
	s0 =	simm.s32 @p1 $0x1  }
0x15: {  	[smem:$0x3FB1] =	sst s0;
	s0 =	simm.s32 @!p2 $0x0  }
0x16: {  	s3 =	sld [smem:$0x3FDB];
	s0 =	simm.s32 @p2 $0x1  }
0x17: {  	s4 =	simm.s32 $0x1BF5;
	[smem:$0x3FB3] =	sst s0  }
0x18: {  	s0 =	sld [smem:$0x3F96];
	_ =	swait.ge [sflag:s4], $0x0  }
0x19: {  	s7 =	sld [smem:$0x3F97]  }
0x1a: {  	s8 =	sadd.s32 $0xFFFFE003, lr  }
0x1b: {  	s9 =	sadd.s32 $0xFFFFFEF7, lr;
	s5 =	simm.s32 $0xFFFFFFFF;
	p2 =	slt.u32 s8, $0xFFFFF086  }
0x1c: {  	p1 =	slt.u32 s9, $0xF7A;
	s5 =	simm.s32 @!p2 $0x0  }
0x1d: {  	s5 =	simm.s32 @p1 $0x1;
	p0 =	seq.s32 s7, s2  }
0x1e: {  	s7 =	smul.u32 @!p0 $0xF7A, s2;
	p2 =	seq.s32 @!p0 s5, $0x0  }
0x1f: {  	s9 =	smul.u32 $0xF7A, s1;
	s8 =	simm.s32 @!p0 $0x1BF5;
	p2 =	por !p2, p0  }
0x20: {  	[sflag:s8] =	ssyncset.s32 @!p0 $0xFFFFF086;
	s6 =	sadd.s32 @!p0 s3, s7;
	s7 =	simm.s32 @!p0 $0x108  }
0x21: {  	s3 =	sadd.s32 s3, s9;
	s6 =	sadd.s32 @!p0 $0x88, s6;
	s7 =	simm.s32 @p2 $0x1082  }
0x22: {  	[simem:s7], [sflag:s8] =	dma.local @!p0 [hbm:s6], $0xF7A  }
0x23: {  	s9 =	sor.u32 $0xD0000000, s2;
	s6 =	simm.s32 $0x108;
	_ =	swait.ge @!p0 [sflag:s8], $0x0  }
0x24: {  	s3 =	sadd.s32 $0x88, s3;
	s6 =	simm.s32 @!p1 $0x1082;
	[sflag:s4] =	ssyncset.s32 $0xFFFFF086  }
0x25: {  	[simem:s6], [sflag:s4] =	dma.local [hbm:s3], $0xF7A  }
0x26: {  	[smem:$0x3F97] =	sst s1;
	(tag) =	ssettag s2;
	_ =	strace s9  }
0x27: {  	s1 =	sld [smem:$0x3FA7]  }
0x28: {  	s2 =	sld [smem:$0x3FA8]  }
0x29: {  	s4 =	sld [smem:$0x3FAA]  }
0x2a: {  	p0 =	seq.s32 s5, $0x0;
	s5 =	sld [smem:$0x3FAB]  }
0x2b: {  	s6 =	sld [smem:$0x3FAC]  }
0x2c: {  	s7 =	sld [smem:$0x3FAD]  }
0x2d: {  	s3 =	simm.s32 $0x108;
	s8 =	sld [smem:$0x3FAE]  }
0x2e: {  	s3 =	simm.s32 @!p0 $0x1082;
	s9 =	sld [smem:$0x3FAF]  }
0x2f: {  	lr =	sadd.s32 s0, s3;
	s0 =	sld [smem:$0x3FA6]  }
0x30: {  	s3 =	sld [smem:$0x3FA9]  }
0x31: {  	[smem:$0x3FB2] =	sst s10  }
0x32: {  	s10 =	sld [smem:$0x3FB0];
	_ =	sdelay $0x3  }
0x33: {  	p0 =	seq.s32 s10, $0x1;
	s10 =	sld [smem:$0x3FB2];
	_ =	sdelay $0x3  }
0x34: {  	[smem:$0x3FB2] =	sst s10  }
0x35: {  	s10 =	sld [smem:$0x3FB1];
	_ =	sdelay $0x3  }
0x36: {  	p1 =	seq.s32 s10, $0x1;
	s10 =	sld [smem:$0x3FB2];
	_ =	sdelay $0x3  }
0x37: {  	[smem:$0x3FB2] =	sst s10  }
0x38: {  	s10 =	sld [smem:$0x3FB3]  }
0x39: {  	_ = 	snop;
	(pc) =	sbr.ind lr, $3  }
0x3a: {  	_ = 	snop  }
0x3b: {  	_ = 	snop  }
0x3c: {  	p2 =	seq.s32 s10, $0x1;
	s10 =	sld [smem:$0x3FB2]  }
0x3d: {  	_ =	shalt  }
0x3e: {  	_ =	shalt  }
0x3f: {  	_ =	shalt  }
0x40: {  	_ =	shalt  }
0x41: {  	_ =	shalt  }
0x42: {  	_ =	shalt  }
0x43: {  	_ =	shalt  }
0x44: {  	_ =	shalt  }
0x45: {  	_ =	shalt  }
0x46: {  	_ =	shalt  }
0x47: {  	_ =	shalt  }
0x48: {  	_ =	shalt  }
0x49: {  	_ =	shalt  }
0x4a: {  	_ =	shalt  }
0x4b: {  	_ =	shalt  }
0x4c: {  	_ =	shalt  }
0x4d: {  	_ =	shalt  }
0x4e: {  	_ =	shalt  }
0x4f: {  	_ =	shalt  }
0x50: {  	_ =	shalt  }
0x51: {  	_ =	shalt  }
0x52: {  	_ =	shalt  }
0x53: {  	_ =	shalt  }
0x54: {  	_ =	shalt  }
0x55: {  	_ =	shalt  }
0x56: {  	_ =	shalt  }
0x57: {  	_ =	shalt  }
0x58: {  	_ =	shalt  }
0x59: {  	_ =	shalt  }
0x5a: {  	_ =	shalt  }
0x5b: {  	_ =	shalt  }
0x5c: {  	_ =	shalt  }
0x5d: {  	_ =	shalt  }
0x5e: {  	_ =	shalt  }
0x5f: {  	_ =	shalt  }
0x60: {  	_ =	shalt  }
0x61: {  	_ =	shalt  }
0x62: {  	_ =	shalt  }
0x63: {  	_ =	shalt  }
0x64: {  	_ =	shalt  }
0x65: {  	_ =	shalt  }
0x66: {  	_ =	shalt  }
0x67: {  	_ =	shalt  }
0x68: {  	_ =	shalt  }
0x69: {  	_ =	shalt  }
0x6a: {  	_ =	shalt  }
0x6b: {  	_ =	shalt  }
0x6c: {  	_ =	shalt  }
0x6d: {  	_ =	shalt  }
0x6e: {  	_ =	shalt  }
0x6f: {  	_ =	shalt  }
0x70: {  	_ =	shalt  }
0x71: {  	_ =	shalt  }
0x72: {  	_ =	shalt  }
0x73: {  	_ =	shalt  }
0x74: {  	_ =	shalt  }
0x75: {  	_ =	shalt  }
0x76: {  	_ =	shalt  }
0x77: {  	_ =	shalt  }
0x78: {  	_ =	shalt  }
0x79: {  	_ =	shalt  }
0x7a: {  	_ =	shalt  }
0x7b: {  	_ =	shalt  }
0x7c: {  	_ =	shalt  }
0x7d: {  	_ =	shalt  }
0x7e: {  	_ =	shalt  }
0x7f: {  	_ =	shalt  }
0x80: {  	_ =	shalt  }
0x81: {  	_ =	shalt  }
0x82: {  	_ =	shalt  }
0x83: {  	_ =	shalt  }
0x84: {  	_ =	shalt  }
0x85: {  	_ =	shalt  }
0x86: {  	_ =	shalt  }
0x87: {  	_ =	shalt  }
.Lfunc_end0:
.L_simem_size_0:
called_computation_lowered:
.L_overlay_start_0:
0x88: {  	s2 =	sld [smem:$0x3FD9]  }
0x89: {  	s3 =	sld [smem:$0x3FFE];
	_ =	sdelay $0x1  }
0x8a: {  	s1 =	srdreg.scid  }
0x8b: {  	s0 =	sand.u32 $0x1, s1  }
0x8c: {  	s14 =	sshll.u32 s0, $0xA;
	s2 =	sadd.s32 s3, s2  }
0x8d: {  	s2 =	sadd.s32 s2, s14  }
0x8e: {  	[smem:$0x3FBE] =	sst s2  }
0x8f: {  	_ = 	snop  }
0x90: {  	s2 =	sld [smem:$0x3FD0];
	_ =	sdelay $0x2  }
0x91: {  	s15 =	simm.s32 $0xB;
	s4 =	simm.s32 $0x10  }
0x92: {  	[smem:s4], [sflag:s15] =	dma.local [hbm:s2], $0x1  }
0x93: {  	_ =	swait.eq [sflag:s15], $0x1  }
0x94: {  	[sflag:s15] =	ssyncset.done $0x0  }
0x95: {  	[sflag:s15] =	ssyncadd.s32 $0xFFFFFFFF  }
0x96: {  	s16 =	sld [smem:$0x10];
	(tm) =	ssettm $0x1  }
0x97: {  	s17 =	sld [smem:$0x3FFB];
	_ =	sdelay $0x3  }
0x98: {  	_ =	strace s17  }
0x99: {  	s3 =	sld [smem:$0x3FFC];
	_ =	sdelay $0x3  }
0x9a: {  	_ =	strace s3  }
0x9b: {  	s3 =	sld [smem:$0x3FFD];
	_ =	sdelay $0x3  }
0x9c: {  	_ =	strace s3  }
0x9d: {  	_ =	strace $0x8FFFFFFF  }
0x9e: {  	s18 =	sld [smem:$0x3FDB];
	_ =	sdelay $0x1  }
0x9f: {  	s19 =	simm.s32 $_scs_section_size  }
0xa0: {  	s5 =	simm.s32 $_size__tile_overlayer_lowered;
	s6 =	simm.s32 $_tile_overlayer_lowered  }
0xa1: {  	s22 =	simm.s32 $0x1BFF;
	s21 =	sshll.u32 s6, $0x1;
	s3 =	sadd.s32 s19, s18  }
0xa2: {  	s7 =	simm.s32 $0x0;
	s20 =	sshll.u32 s5, $0x1;
	s5 =	sadd.s32 s21, s3  }
0xa3: {  	[timem:s7], [sflag:s22] =	dma.local [hbm:s5], s20  }
0xa4: {  	_ =	swait.ge [sflag:s22], s20  }
0xa5: {  	s4 =	ssub.s32 $0x0, s20;
	[sflag:s22] =	ssyncset.done $0x0  }
0xa6: {  	[sflag:s22] =	ssyncadd.s32 s4;
	_ =	sdelay $0x1  }
0xa7: {  	s23 =	simm.s32 $0x1B8B  }
0xa8: {  	_ =	swait.ge [sflag:s23], $0x1  }
0xa9: {  	[sflag:s23] =	ssyncset.done $0x0  }
0xaa: {  	s25 =	simm.s32 $0x1B8E;
	s24 =	sld [smem:$0x3FFE];
	[sflag:s23] =	ssyncadd.s32 $0xFFFFFFFF  }
0xab: {  	s26 =	simm.s32 $execute0_lowered;
	[smem:$0x3FD2] =	sst s25  }
0xac: {  	s5 =	sshll.u32 s26, $0x1;
	_ =	strace $0x80000046;
	[dreg:$0x1] =	wrdreg $0xFFFFFFFF  }
0xad: {  	s28 =	simm.s32 $_size_execute0_lowered;
	s3 =	sadd.s32 s3, s5;
	[dreg:$0x0] =	wrdreg $0x0  }
0xae: {  	s5 =	sshll.u32 s28, $0x1;
	[dreg:$0x2] =	wrdreg s3  }
0xaf: {  	[dreg:$0x3] =	wrdreg s5  }
0xb0: {  	[dreg:$0x4] =	wrdreg $0xC0  }
0xb1: {  	_ =	task [dreg:s7], $0x5FFFF  }
0xb2: {  	[dreg:$0x1] =	wrdreg $0xFFFFFFFF  }
0xb3: {  	[dreg:$0x0] =	wrdreg $0x60  }
0xb4: {  	[dreg:$0x2] =	wrdreg s16  }
0xb5: {  	[dreg:$0x3] =	wrdreg s24  }
0xb6: {  	[dreg:$0x4] =	wrdreg $0x7A000  }
0xb7: {  	[dreg:$0x5] =	wrdreg $0x9  }
0xb8: {  	_ =	task.clear_ibuf [dreg:s7], $0x6FFFF;
	_ =	strace $0x90000046  }
0xb9: {  	s29 =	simm.s32 $0x9;
	_ =	strace $0x80000048  }
0xba: {  	_ =	swait.ge [sflag:s29], $0x1  }
0xbb: {  	[sflag:s29] =	ssyncadd.s32 $0xFFFFFFFF  }
0xbc: {  	_ =	strace $0x90000048  }
0xbd: {  	_ =	sfence  }
0xbe: {  	s30 =	sld [smem:$0x0];
	_ =	sdelay $0x2  }
0xbf: {  	s31 =	sshll.u32 s1, $0xD;
	s1 =	sshrl.u32 s1, $0x2  }
0xc0: {  	s3 =	sand.u32 $0x4000, s31;
	s1 =	sadd.s32 s1, s30  }
0xc1: {  	s0 =	sor.u32 s3, s0;
	s1 =	sshll.u32 s1, $0x11  }
0xc2: {  	s0 =	sor.u32 s1, s0  }
0xc3: {  	s0 =	sadd.s32 $0x8F2B, s0  }
0xc4: {  	[sflag:s0] =	ssyncadd.remote.s32 $0x1  }
0xc5: {  	_ =	sfence.sel $0xFFFF  }
0xc6: {  	[dreg:$0x0] =	wrdreg $0xFFFFFFFF;
	(pc) =	sbr.abs _section_cstart, $3  }
0xc7: {  	[dreg:$0x1] =	wrdreg $0xFFFFFFFF  }
0xc8: {  	_ =	task.clear_ibuf [dreg:s7], $0x2FFFF;
	_ =	strace $0x9FFFFFFF  }
0xc9: {  	(tm) =	ssettm $0x7FFFFFFF  }
tec
execute0_lowered:
.L_overlay_start_1:
0x0: {  	(tag) =	ssettag $0x1  }
0x1: {  	s3 =	rddreg [dreg:$0x0]  }
0x2: {  	s4 =	rddreg [dreg:$0x1];
	s1 =	srdreg.scid  }
0x3: {  	s0 =	stileid.u32;
	s5 =	rddreg [dreg:$0x2]  }
0x4: {  	s2 =	simm.s32 $0x0;
	s12 =	simm.s32 $0x1400;
	s13 =	simm.s32 $0x14000  }
0x5: {  	s14 =	simm.s32 $0x4F80;
	s15 =	simm.s32 $0x7780;
	s16 =	simm.s32 $0x0  }
0x6: {  	s6 =	sand.u32 $0x1, s1;
	s7 =	smul.u32 $0x1400, s0;
	s1 =	rddreg [dreg:$0x3]  }
0x7: {  	[smem:$0x7FF] =	sst s2;
	s9 =	sshrl.u32 s0, $0x3;
	s31 =	sshll.u32 s0, $0x7  }
0x8: {  	s8 =	smul.u32 $0x14000, s6;
	_ =	strace $0x80000047;
	s10 =	sshll.u32 s6, $0x4  }
0x9: {  	s9 =	smul.u32 $0x50000, s9;
	s29 =	ssub.s32 $0x2, s6;
	s30 =	sor.u32 s0, s10  }
0xa: {  	s11 =	sshrl.u32 s29, $0x1;
	s10 =	sand.u32 $0x380, s31;
	s8 =	sadd.s32 s7, s8  }
0xb: {  	s6 =	smul.u32 $0x4E2, s30;
	s9 =	sshrl.u32 s9, $0x2;
	s11 =	ssub.s32 s29, s11  }
0xc: {  	s8 =	sshrl.u32 s8, $0x3;
	s9 =	sadd.s32 s9, s5;
	s5 =	sadd.s32 s7, s5  }
0xd: {  	s7 =	smax.u32 s11, $0x1;
	s11 =	simm.s32 $0x400;
	s8 =	sadd.s32 s8, s4  }
0xe: {  	s3 =	sadd.s32 s3, s6;
	s4 =	sadd.s32 s10, s9;
	s9 =	simm.s32 $0x2780  }
0xf: {  	v0 =	vimm.f32 $0.0e+00;
	v1 =	vimm.f32 $1.000000000e+00;
	s10 =	simm.s32 $0x80;
	s6 =	sadd.s32 $0xD000, s8;
	s8 =	simm.s32 $0x1  }
.LBB2_1:
0x10: {  	[tilespmem:s2], [sflag:$0x1] =	stream.linear.gather [hbm4b:s3+s2], $0x2710, $0x38;
	[tilespmem:$0xA200] =	vst v63  }
0x11: {  	_ =	swait.ge [sflag:s8], $0x2710  }
0x12: {  	[sflag:s8] =	ssyncset.done $0x0  }
0x13: {  	s17 =	simm.s32 $0x0;
	[sflag:s8] =	ssyncadd.s32 $0xFFFFD8F0  }
.LBB2_2:
0x14: {  	p0 =	sne.s32 s17, $0x9FC0  }
.Ltmp0:
0x15: {  	_ = 	snop;
	(pc) =	sbr.rel @p0 .LBB2_2-.Ltmp0, $3  }
0x16: {  	_ =	sdelay $0x1  }
0x17: {  	s18 =	sshra.s32 s17, $0x2  }
0x18: {  	s17 =	sadd.s32 $0x40, s17;
	[tilespmem:s18+$0x2780] =	vst v0  }
0x19: {  	s18 =	simm.s32 $0x0;
	s17 =	simm.s32 $0x40  }
.LBB2_4:
0x1a: {  	p0 =	sne.s32 s17, $0x9C00;
	v2 =	vld [tilespmem:s18+$0x0];
	_ =	sdelay $0x3  }
.Ltmp1:
0x1b: {  	(pc) =	sbr.rel @p0 .LBB2_4-.Ltmp1, $2  }
0x1c: {  	_ =	sdelay $0x2  }
0x1d: {  	s18 =	sshra.s32 s17, $0x2;
	s17 =	sadd.s32 $0x40, s17;
	[tilespmem:v2+s9+$0x0] =	vst.idx.add.f32.msk $0xffff, v1  }
0x1e: {  	v2 =	vld [tilespmem:s18+$0x0];
	_ =	sdelay $0x7  }
0x1f: {  	[tilespmem:v2+s9+$0x0] =	vst.idx.add.f32.msk $0xffff, v1  }
0x20: {  	[spmem:s4] =	stream.strided.scatter [tilespmem:s9], [sflag:$0x1], $0x2800, s11, s10, $0x38;
	[tilespmem:$0xA200] =	vst v63  }
0x21: {  	_ =	swait.ge [sflag:s8], $0x2800  }
0x22: {  	[sflag:s8] =	ssyncset.done $0x0  }
0x23: {  	[sflag:s8] =	ssyncadd.s32 $0xFFFFD800  }
0x24: {  	[bflag:$0x0] =	sbarrier.arrive $0xFFFF  }
0x25: {  	[tilespmem:s14], [sflag:$0x1] =	stream.strided.gather [spmem:s5], $0x2800, s13, s12, $0x38;
	[tilespmem:$0xA200] =	vst v63  }
0x26: {  	s17 =	simm.s32 $0x0;
	_ =	swait.ge [sflag:s8], $0x2800  }
0x27: {  	s31 =	sand.u32 $0x70, s17;
	s17 =	sand.u32 $0x1C00, s17;
	[sflag:s8] =	ssyncset.done $0x0  }
0x28: {  	s17 =	sor.u32 s31, s17;
	[sflag:s8] =	ssyncadd.s32 $0xFFFFD800  }
0x29: {  	v2 =	vld [tilespmem:s17+$0x4F80];
	_ =	sdelay $0x1  }
0x2a: {  	v3 =	vld [tilespmem:s17+$0x5000];
	_ =	sdelay $0x1  }
0x2b: {  	v4 =	vld [tilespmem:s17+$0x5080]  }
0x2c: {  	v2 =	vadd.f32 $0.0e+00, v2  }
0x2d: {  	v5 =	vld [tilespmem:s17+$0x5100]  }
0x2e: {  	v2 =	vadd.f32 v3, v2  }
0x2f: {  	v3 =	vld [tilespmem:s17+$0x5180]  }
0x30: {  	v2 =	vadd.f32 v4, v2  }
0x31: {  	v56 =	vld [tilespmem:s17+$0x5200]  }
0x32: {  	v2 =	vadd.f32 v5, v2  }
0x33: {  	v57 =	vld [tilespmem:s17+$0x5280]  }
0x34: {  	v2 =	vadd.f32 v3, v2  }
0x35: {  	v3 =	vld [tilespmem:s17+$0x5300]  }
0x36: {  	v2 =	vadd.f32 v56, v2  }
0x37: {  	v58 =	vld [tilespmem:s17+$0x6380]  }
0x38: {  	v2 =	vadd.f32 v57, v2  }
0x39: {  	v59 =	vld [tilespmem:s17+$0x6400]  }
0x3a: {  	v2 =	vadd.f32 v3, v2  }
0x3b: {  	v3 =	vld [tilespmem:s17+$0x6480]  }
0x3c: {  	v2 =	vadd.f32 v58, v2  }
0x3d: {  	v60 =	vld [tilespmem:s17+$0x6500]  }
0x3e: {  	v2 =	vadd.f32 v59, v2  }
0x3f: {  	v61 =	vld [tilespmem:s17+$0x6580]  }
0x40: {  	v2 =	vadd.f32 v3, v2  }
0x41: {  	v3 =	vld [tilespmem:s17+$0x6600]  }
0x42: {  	v2 =	vadd.f32 v60, v2  }
0x43: {  	v62 =	vld [tilespmem:s17+$0x6680]  }
0x44: {  	v2 =	vadd.f32 v61, v2  }
0x45: {  	v63 =	vld [tilespmem:s17+$0x6700]  }
0x46: {  	v2 =	vadd.f32 v3, v2;
	_ =	sdelay $0x1  }
0x47: {  	v2 =	vadd.f32 v62, v2  }
0x48: {  	s19 =	simm.s32 $0x10  }
0x49: {  	s18 =	simm.s32 $0x80;
	s20 =	sand.u32 $0x70, s19;
	v2 =	vadd.f32 v63, v2  }
0x4a: {  	s21 =	sand.u32 $0x1C00, s18;
	s19 =	simm.s32 $0x20;
	s17 =	simm.s32 $0x7780  }
.LBB2_6:
0x4b: {  	p0 =	sne.s32 s19, $0x270;
	s20 =	sor.u32 s20, s21;
	[tilespmem:s17+$0x0] =	vst v2  }
0x4c: {  	v2 =	vld [tilespmem:s20+$0x4F80];
	_ =	sdelay $0x1  }
0x4d: {  	v3 =	vld [tilespmem:s20+$0x5000];
	_ =	sdelay $0x1  }
0x4e: {  	v4 =	vld [tilespmem:s20+$0x5080]  }
0x4f: {  	v2 =	vadd.f32 $0.0e+00, v2  }
0x50: {  	v5 =	vld [tilespmem:s20+$0x5100]  }
0x51: {  	v2 =	vadd.f32 v3, v2  }
0x52: {  	v3 =	vld [tilespmem:s20+$0x5180]  }
0x53: {  	v2 =	vadd.f32 v4, v2  }
0x54: {  	v4 =	vld [tilespmem:s20+$0x5200]  }
0x55: {  	v2 =	vadd.f32 v5, v2  }
0x56: {  	v5 =	vld [tilespmem:s20+$0x5280]  }
0x57: {  	v2 =	vadd.f32 v3, v2  }
0x58: {  	v3 =	vld [tilespmem:s20+$0x5300]  }
0x59: {  	v2 =	vadd.f32 v4, v2  }
0x5a: {  	v4 =	vld [tilespmem:s20+$0x6380]  }
0x5b: {  	v2 =	vadd.f32 v5, v2  }
0x5c: {  	v5 =	vld [tilespmem:s20+$0x6400]  }
0x5d: {  	v2 =	vadd.f32 v3, v2  }
0x5e: {  	v3 =	vld [tilespmem:s20+$0x6480]  }
0x5f: {  	v2 =	vadd.f32 v4, v2  }
0x60: {  	v4 =	vld [tilespmem:s20+$0x6500]  }
0x61: {  	v2 =	vadd.f32 v5, v2  }
0x62: {  	v5 =	vld [tilespmem:s20+$0x6580]  }
0x63: {  	v2 =	vadd.f32 v3, v2  }
0x64: {  	v3 =	vld [tilespmem:s20+$0x6600]  }
0x65: {  	v2 =	vadd.f32 v4, v2  }
0x66: {  	v4 =	vld [tilespmem:s20+$0x6680]  }
0x67: {  	v2 =	vadd.f32 v5, v2  }
0x68: {  	v5 =	vld [tilespmem:s20+$0x6700]  }
0x69: {  	v2 =	vadd.f32 v3, v2  }
.Ltmp2:
0x6a: {  	(pc) =	sbr.rel @p0 .LBB2_6-.Ltmp2, $3  }
0x6b: {  	v2 =	vadd.f32 v4, v2;
	_ =	sdelay $0x1  }
0x6c: {  	s18 =	sadd.s32 $0x80, s18;
	s17 =	sadd.s32 $0x10, s17;
	v2 =	vadd.f32 v5, v2  }
0x6d: {  	s21 =	sand.u32 $0x1C00, s18;
	s20 =	sand.u32 $0x70, s19;
	s19 =	sadd.s32 $0x10, s19  }
0x6e: {  	s18 =	sor.u32 s20, s21;
	[tilespmem:s17+$0x0] =	vst v2  }
0x6f: {  	v2 =	vld [tilespmem:s18+$0x4F80];
	_ =	sdelay $0x1  }
0x70: {  	v3 =	vld [tilespmem:s18+$0x5000];
	_ =	sdelay $0x1  }
0x71: {  	v4 =	vld [tilespmem:s18+$0x5080]  }
0x72: {  	v2 =	vadd.f32 $0.0e+00, v2  }
0x73: {  	v5 =	vld [tilespmem:s18+$0x5100]  }
0x74: {  	v2 =	vadd.f32 v3, v2  }
0x75: {  	v3 =	vld [tilespmem:s18+$0x5180]  }
0x76: {  	v2 =	vadd.f32 v4, v2  }
0x77: {  	v56 =	vld [tilespmem:s18+$0x5200]  }
0x78: {  	v2 =	vadd.f32 v5, v2  }
0x79: {  	v57 =	vld [tilespmem:s18+$0x5280]  }
0x7a: {  	v2 =	vadd.f32 v3, v2  }
0x7b: {  	v3 =	vld [tilespmem:s18+$0x5300]  }
0x7c: {  	v2 =	vadd.f32 v56, v2  }
0x7d: {  	v58 =	vld [tilespmem:s18+$0x6380]  }
0x7e: {  	v2 =	vadd.f32 v57, v2  }
0x7f: {  	v59 =	vld [tilespmem:s18+$0x6400]  }
0x80: {  	v2 =	vadd.f32 v3, v2  }
0x81: {  	v3 =	vld [tilespmem:s18+$0x6480]  }
0x82: {  	v2 =	vadd.f32 v58, v2  }
0x83: {  	v60 =	vld [tilespmem:s18+$0x6500]  }
0x84: {  	v2 =	vadd.f32 v59, v2  }
0x85: {  	v61 =	vld [tilespmem:s18+$0x6580]  }
0x86: {  	v2 =	vadd.f32 v3, v2  }
0x87: {  	v3 =	vld [tilespmem:s18+$0x6600]  }
0x88: {  	v2 =	vadd.f32 v60, v2  }
0x89: {  	v62 =	vld [tilespmem:s18+$0x6680]  }
0x8a: {  	v2 =	vadd.f32 v61, v2  }
0x8b: {  	v63 =	vld [tilespmem:s18+$0x6700]  }
0x8c: {  	v2 =	vadd.f32 v3, v2;
	_ =	sdelay $0x1  }
0x8d: {  	v2 =	vadd.f32 v62, v2;
	_ =	sdelay $0x1  }
0x8e: {  	s16 =	sadd.s32 $0x1, s16;
	v2 =	vadd.f32 v63, v2  }
0x8f: {  	s31 =	sadd.s32 $0x10, s17;
	p0 =	sne.s32 s16, s7  }
.Ltmp3:
0x90: {  	[tilespmem:s31+$0x0] =	vst v2;
	(pc) =	sbr.rel @p0 .LBB2_1-.Ltmp3, $4  }
0x91: {  	[hbm4b:s6+s10] =	stream.strided.scatter [tilespmem:s15], [sflag:$0x1], $0x280, s11, s10, $0x38;
	[tilespmem:$0xA200] =	vst v63  }
0x92: {  	_ =	swait.ge [sflag:s8], $0x280  }
0x93: {  	[sflag:s8] =	ssyncset.done $0x0  }
0x94: {  	[sflag:s8] =	ssyncadd.s32 $0xFFFFFD80  }
0x95: {  	_ =	sfence.sel $0x180000  }
0x96: {  	[bflag:$0x0] =	sbarrier.arrive $0xFFFF  }
0x97: {  	p0 =	sne.s32 s0, $0x0;
	_ =	strace $0x90000047  }
0x98: {  	s0 =	sadd.s32 @!p0 $0x100000, s1;
	[bflag:$0x2] =	sbarrier.arrive $0xFFFF  }
0x99: {  	[sflag:s0] =	ssyncadd.tile.s32 @!p0 $0x1;
	_ =	shalt  }
.Lfunc_end2:
_tile_overlayer_lowered:
.L_overlay_start_2:
0x9a: {  	(tag) =	ssettag $0x2  }
0x9b: {  	s0 =	rddreg [dreg:$0x0];
	s2 =	stileid.u32  }
0x9c: {  	s1 =	rddreg [dreg:$0x1];
	p0 =	sne.s32 s2, $0x0  }
0x9d: {  	s3 =	rddreg [dreg:$0x2];
	[bflag:$0x3] =	sbarrier.arrive $0xFFFF;
	s2 =	simm.s32 @!p0 $0x1C01  }
0x9e: {  	[timem:s3], [sflag:s2] =	dma.local @!p0 [hbm:s0], s1  }
0x9f: {  	s0 =	simm.s32 @!p0 $0x1  }
0xa0: {  	_ =	swait.ge @!p0 [sflag:s0], s1  }
0xa1: {  	s1 =	ssub.s32 @!p0 $0x0, s1;
	[sflag:s0] =	ssyncset.done @!p0 $0x0  }
0xa2: {  	[sflag:s0] =	ssyncadd.s32 @!p0 s1  }
0xa3: {  	[bflag:$0x3] =	sbarrier.arrive $0xFFFF  }
0xa4: {  	_ =	shalt  }

// kernel: kernel.13.cloned.1.call-start
scs
__scs_entry_jumppad:
0x0: {  	(pc) =	sbr.rel $0x88, $3  }
0x1: {  	(tag) =	ssettag $0x0;
	lr =	simm.s32 $0x1  }
0x2: {  	[smem:$0x3F97] =	sst lr;
	_ =	strace $0xD0000000  }
0x3: {  	_ = 	snop  }
0x4: {  	_ = 	snop  }
0x5: {  	_ = 	snop  }
0x6: {  	_ = 	snop  }
0x7: {  	_ = 	snop  }
__scs_overlays_trampoline_lowered:
0x8: {  	[smem:$0x3FA6] =	sst s0  }
0x9: {  	[smem:$0x3FA7] =	sst s1  }
0xa: {  	[smem:$0x3FA8] =	sst s2  }
0xb: {  	[smem:$0x3FA9] =	sst s3  }
0xc: {  	[smem:$0x3FAA] =	sst s4  }
0xd: {  	[smem:$0x3FAB] =	sst s5  }
0xe: {  	[smem:$0x3FAC] =	sst s6  }
0xf: {  	[smem:$0x3FAD] =	sst s7  }
0x10: {  	[smem:$0x3FAE] =	sst s8  }
0x11: {  	[smem:$0x3FAF] =	sst s9;
	s0 =	simm.s32 @!p0 $0x0  }
0x12: {  	s1 =	sld [smem:$0x3F95];
	s0 =	simm.s32 @p0 $0x1  }
0x13: {  	[smem:$0x3FB0] =	sst s0;
	s0 =	simm.s32 @!p1 $0x0  }
0x14: {  	s2 =	sld [smem:$0x3F94];
	s0 =	simm.s32 @p1 $0x1  }
0x15: {  	[smem:$0x3FB1] =	sst s0;
	s0 =	simm.s32 @!p2 $0x0  }
0x16: {  	s3 =	sld [smem:$0x3FDB];
	s0 =	simm.s32 @p2 $0x1  }
0x17: {  	s4 =	simm.s32 $0x1BF5;
	[smem:$0x3FB3] =	sst s0  }
0x18: {  	s0 =	sld [smem:$0x3F96];
	_ =	swait.ge [sflag:s4], $0x0  }
0x19: {  	s7 =	sld [smem:$0x3F97]  }
0x1a: {  	s8 =	sadd.s32 $0xFFFFE003, lr  }
0x1b: {  	s9 =	sadd.s32 $0xFFFFFEF7, lr;
	s5 =	simm.s32 $0xFFFFFFFF;
	p2 =	slt.u32 s8, $0xFFFFF086  }
0x1c: {  	p1 =	slt.u32 s9, $0xF7A;
	s5 =	simm.s32 @!p2 $0x0  }
0x1d: {  	s5 =	simm.s32 @p1 $0x1;
	p0 =	seq.s32 s7, s2  }
0x1e: {  	s7 =	smul.u32 @!p0 $0xF7A, s2;
	p2 =	seq.s32 @!p0 s5, $0x0  }
0x1f: {  	s9 =	smul.u32 $0xF7A, s1;
	s8 =	simm.s32 @!p0 $0x1BF5;
	p2 =	por !p2, p0  }
0x20: {  	[sflag:s8] =	ssyncset.s32 @!p0 $0xFFFFF086;
	s6 =	sadd.s32 @!p0 s3, s7;
	s7 =	simm.s32 @!p0 $0x108  }
0x21: {  	s3 =	sadd.s32 s3, s9;
	s6 =	sadd.s32 @!p0 $0x88, s6;
	s7 =	simm.s32 @p2 $0x1082  }
0x22: {  	[simem:s7], [sflag:s8] =	dma.local @!p0 [hbm:s6], $0xF7A  }
0x23: {  	s9 =	sor.u32 $0xD0000000, s2;
	s6 =	simm.s32 $0x108;
	_ =	swait.ge @!p0 [sflag:s8], $0x0  }
0x24: {  	s3 =	sadd.s32 $0x88, s3;
	s6 =	simm.s32 @!p1 $0x1082;
	[sflag:s4] =	ssyncset.s32 $0xFFFFF086  }
0x25: {  	[simem:s6], [sflag:s4] =	dma.local [hbm:s3], $0xF7A  }
0x26: {  	[smem:$0x3F97] =	sst s1;
	(tag) =	ssettag s2;
	_ =	strace s9  }
0x27: {  	s1 =	sld [smem:$0x3FA7]  }
0x28: {  	s2 =	sld [smem:$0x3FA8]  }
0x29: {  	s4 =	sld [smem:$0x3FAA]  }
0x2a: {  	p0 =	seq.s32 s5, $0x0;
	s5 =	sld [smem:$0x3FAB]  }
0x2b: {  	s6 =	sld [smem:$0x3FAC]  }
0x2c: {  	s7 =	sld [smem:$0x3FAD]  }
0x2d: {  	s3 =	simm.s32 $0x108;
	s8 =	sld [smem:$0x3FAE]  }
0x2e: {  	s3 =	simm.s32 @!p0 $0x1082;
	s9 =	sld [smem:$0x3FAF]  }
0x2f: {  	lr =	sadd.s32 s0, s3;
	s0 =	sld [smem:$0x3FA6]  }
0x30: {  	s3 =	sld [smem:$0x3FA9]  }
0x31: {  	[smem:$0x3FB2] =	sst s10  }
0x32: {  	s10 =	sld [smem:$0x3FB0];
	_ =	sdelay $0x3  }
0x33: {  	p0 =	seq.s32 s10, $0x1;
	s10 =	sld [smem:$0x3FB2];
	_ =	sdelay $0x3  }
0x34: {  	[smem:$0x3FB2] =	sst s10  }
0x35: {  	s10 =	sld [smem:$0x3FB1];
	_ =	sdelay $0x3  }
0x36: {  	p1 =	seq.s32 s10, $0x1;
	s10 =	sld [smem:$0x3FB2];
	_ =	sdelay $0x3  }
0x37: {  	[smem:$0x3FB2] =	sst s10  }
0x38: {  	s10 =	sld [smem:$0x3FB3]  }
0x39: {  	_ = 	snop;
	(pc) =	sbr.ind lr, $3  }
0x3a: {  	_ = 	snop  }
0x3b: {  	_ = 	snop  }
0x3c: {  	p2 =	seq.s32 s10, $0x1;
	s10 =	sld [smem:$0x3FB2]  }
0x3d: {  	_ =	shalt  }
0x3e: {  	_ =	shalt  }
0x3f: {  	_ =	shalt  }
0x40: {  	_ =	shalt  }
0x41: {  	_ =	shalt  }
0x42: {  	_ =	shalt  }
0x43: {  	_ =	shalt  }
0x44: {  	_ =	shalt  }
0x45: {  	_ =	shalt  }
0x46: {  	_ =	shalt  }
0x47: {  	_ =	shalt  }
0x48: {  	_ =	shalt  }
0x49: {  	_ =	shalt  }
0x4a: {  	_ =	shalt  }
0x4b: {  	_ =	shalt  }
0x4c: {  	_ =	shalt  }
0x4d: {  	_ =	shalt  }
0x4e: {  	_ =	shalt  }
0x4f: {  	_ =	shalt  }
0x50: {  	_ =	shalt  }
0x51: {  	_ =	shalt  }
0x52: {  	_ =	shalt  }
0x53: {  	_ =	shalt  }
0x54: {  	_ =	shalt  }
0x55: {  	_ =	shalt  }
0x56: {  	_ =	shalt  }
0x57: {  	_ =	shalt  }
0x58: {  	_ =	shalt  }
0x59: {  	_ =	shalt  }
0x5a: {  	_ =	shalt  }
0x5b: {  	_ =	shalt  }
0x5c: {  	_ =	shalt  }
0x5d: {  	_ =	shalt  }
0x5e: {  	_ =	shalt  }
0x5f: {  	_ =	shalt  }
0x60: {  	_ =	shalt  }
0x61: {  	_ =	shalt  }
0x62: {  	_ =	shalt  }
0x63: {  	_ =	shalt  }
0x64: {  	_ =	shalt  }
0x65: {  	_ =	shalt  }
0x66: {  	_ =	shalt  }
0x67: {  	_ =	shalt  }
0x68: {  	_ =	shalt  }
0x69: {  	_ =	shalt  }
0x6a: {  	_ =	shalt  }
0x6b: {  	_ =	shalt  }
0x6c: {  	_ =	shalt  }
0x6d: {  	_ =	shalt  }
0x6e: {  	_ =	shalt  }
0x6f: {  	_ =	shalt  }
0x70: {  	_ =	shalt  }
0x71: {  	_ =	shalt  }
0x72: {  	_ =	shalt  }
0x73: {  	_ =	shalt  }
0x74: {  	_ =	shalt  }
0x75: {  	_ =	shalt  }
0x76: {  	_ =	shalt  }
0x77: {  	_ =	shalt  }
0x78: {  	_ =	shalt  }
0x79: {  	_ =	shalt  }
0x7a: {  	_ =	shalt  }
0x7b: {  	_ =	shalt  }
0x7c: {  	_ =	shalt  }
0x7d: {  	_ =	shalt  }
0x7e: {  	_ =	shalt  }
0x7f: {  	_ =	shalt  }
0x80: {  	_ =	shalt  }
0x81: {  	_ =	shalt  }
0x82: {  	_ =	shalt  }
0x83: {  	_ =	shalt  }
0x84: {  	_ =	shalt  }
0x85: {  	_ =	shalt  }
0x86: {  	_ =	shalt  }
0x87: {  	_ =	shalt  }
.Lfunc_end0:
.L_simem_size_0:
called_computation.1_lowered:
.L_overlay_start_0:
0x88: {  	s2 =	sld [smem:$0x3FD9]  }
0x89: {  	s3 =	sld [smem:$0x3FFE];
	_ =	sdelay $0x1  }
0x8a: {  	s1 =	srdreg.scid  }
0x8b: {  	s0 =	sand.u32 $0x1, s1  }
0x8c: {  	s17 =	sshll.u32 s0, $0xA;
	s2 =	sadd.s32 s3, s2  }
0x8d: {  	s2 =	sadd.s32 s2, s17  }
0x8e: {  	[smem:$0x3FBE] =	sst s2  }
0x8f: {  	_ = 	snop  }
0x90: {  	s18 =	sld [smem:$0x3FC9];
	(tm) =	ssettm $0x1  }
0x91: {  	s19 =	sld [smem:$0x3FFB];
	_ =	sdelay $0x3  }
0x92: {  	_ =	strace s19  }
0x93: {  	s2 =	sld [smem:$0x3FFC];
	_ =	sdelay $0x3  }
0x94: {  	_ =	strace s2  }
0x95: {  	s2 =	sld [smem:$0x3FFD];
	_ =	sdelay $0x3  }
0x96: {  	_ =	strace s2  }
0x97: {  	_ =	strace $0x8FFFFFFF  }
0x98: {  	s20 =	sld [smem:$0x3FDB];
	_ =	sdelay $0x1  }
0x99: {  	s4 =	simm.s32 $_scs_section_size  }
0x9a: {  	s5 =	simm.s32 $_size__tile_overlayer_lowered;
	s6 =	simm.s32 $_tile_overlayer_lowered  }
0x9b: {  	s7 =	simm.s32 $0x1BFF;
	s21 =	sshll.u32 s6, $0x1;
	s4 =	sadd.s32 s4, s20  }
0x9c: {  	s22 =	simm.s32 $0x0;
	s5 =	sshll.u32 s5, $0x1;
	s6 =	sadd.s32 s21, s4  }
0x9d: {  	[timem:s22], [sflag:s7] =	dma.local [hbm:s6], s5  }
0x9e: {  	_ =	swait.ge [sflag:s7], s5  }
0x9f: {  	s5 =	ssub.s32 $0x0, s5;
	[sflag:s7] =	ssyncset.done $0x0  }
0xa0: {  	[sflag:s7] =	ssyncadd.s32 s5;
	_ =	sdelay $0x1  }
0xa1: {  	s23 =	simm.s32 $0x1B8B  }
0xa2: {  	_ =	swait.ge [sflag:s23], $0x1  }
0xa3: {  	[sflag:s23] =	ssyncset.done $0x0  }
0xa4: {  	[sflag:s23] =	ssyncadd.s32 $0xFFFFFFFF  }
0xa5: {  	s5 =	sld [smem:$0x0]  }
0xa6: {  	s6 =	sand.u32 $0xFFFFFFFE, s1  }
0xa7: {  	p0 =	sne.s32 s1, s6  }
0xa8: {  	s6 =	sshll.u32 @p0 s6, $0xE  }
0xa9: {  	s6 =	sadd.s32 @p0 $0x11B8D, s6;
	s7 =	sshll.u32 @p0 s5, $0x11  }
0xaa: {  	s6 =	sor.u32 @p0 s7, s6  }
0xab: {  	[sflag:s6] =	ssyncadd.remote.s32 @p0 $0x1;
	_ =	sdelay $0x1  }
0xac: {  	s6 =	simm.s32 @p0 $0x1B8D  }
0xad: {  	_ =	swait.eq @p0 [sflag:s6], $0x1  }
0xae: {  	[sflag:s6] =	ssyncadd.s32 @p0 $0xFFFFFFFF  }
0xaf: {  	s7 =	sshll.u32 @!p0 s1, $0xE  }
0xb0: {  	s7 =	sor.u32 @!p0 $0x4000, s7;
	s6 =	simm.s32 @!p0 $0x1B8D  }
0xb1: {  	s5 =	sshll.u32 @!p0 s5, $0x11;
	s7 =	sadd.s32 @!p0 $0x11B8D, s7;
	_ =	swait.eq @!p0 [sflag:s6], $0x1  }
0xb2: {  	s5 =	sor.u32 @!p0 s5, s7;
	[sflag:s6] =	ssyncadd.s32 @!p0 $0xFFFFFFFF  }
0xb3: {  	s25 =	simm.s32 $0x1B8E;
	s24 =	sld [smem:$0x3FFE];
	[sflag:s5] =	ssyncadd.remote.s32 @!p0 $0x1  }
0xb4: {  	s26 =	simm.s32 $execute0_lowered;
	[smem:$0x3FD2] =	sst s25  }
0xb5: {  	s6 =	sshll.u32 s26, $0x1;
	_ =	strace $0x80000049;
	[dreg:$0x1] =	wrdreg $0xFFFFFFFF  }
0xb6: {  	s28 =	simm.s32 $_size_execute0_lowered;
	s4 =	sadd.s32 s4, s6;
	[dreg:$0x0] =	wrdreg $0x0  }
0xb7: {  	s6 =	sshll.u32 s28, $0x1;
	[dreg:$0x2] =	wrdreg s4  }
0xb8: {  	[dreg:$0x3] =	wrdreg s6  }
0xb9: {  	[dreg:$0x4] =	wrdreg $0xC0  }
0xba: {  	_ =	task [dreg:s22], $0x5FFFF  }
0xbb: {  	[dreg:$0x1] =	wrdreg $0xFFFFFFFF  }
0xbc: {  	[dreg:$0x0] =	wrdreg $0x60  }
0xbd: {  	[dreg:$0x2] =	wrdreg s18  }
0xbe: {  	[dreg:$0x3] =	wrdreg s24  }
0xbf: {  	[dreg:$0x4] =	wrdreg $0x64800  }
0xc0: {  	[dreg:$0x5] =	wrdreg $0xA  }
0xc1: {  	_ =	task.clear_ibuf [dreg:s22], $0x6FFFF;
	_ =	strace $0x90000049  }
0xc2: {  	s29 =	simm.s32 $0xA;
	_ =	strace $0x8000004B  }
0xc3: {  	_ =	swait.ge [sflag:s29], $0x1  }
0xc4: {  	[sflag:s29] =	ssyncadd.s32 $0xFFFFFFFF  }
0xc5: {  	_ =	strace $0x9000004B  }
0xc6: {  	_ =	sfence  }
0xc7: {  	s30 =	sld [smem:$0x0];
	_ =	sdelay $0x2  }
0xc8: {  	s31 =	sshll.u32 s1, $0xD;
	s1 =	sshrl.u32 s1, $0x2  }
0xc9: {  	s4 =	sand.u32 $0x4000, s31;
	s1 =	sadd.s32 s1, s30  }
0xca: {  	s0 =	sor.u32 s4, s0;
	s1 =	sshll.u32 s1, $0x11  }
0xcb: {  	s0 =	sor.u32 s1, s0  }
0xcc: {  	s0 =	sadd.s32 $0x8F2B, s0  }
0xcd: {  	[sflag:s0] =	ssyncadd.remote.s32 $0x1  }
0xce: {  	_ =	sfence.sel $0xFFFF  }
0xcf: {  	[dreg:$0x0] =	wrdreg $0xFFFFFFFF;
	(pc) =	sbr.abs _section_cstart, $3  }
0xd0: {  	[dreg:$0x1] =	wrdreg $0xFFFFFFFF  }
0xd1: {  	_ =	task.clear_ibuf [dreg:s22], $0x2FFFF;
	_ =	strace $0x9FFFFFFF  }
0xd2: {  	(tm) =	ssettm $0x7FFFFFFF  }
0xd3: {  	_ =	shalt  }
tec
execute0_lowered:
.L_overlay_start_1:
0x0: {  	(tag) =	ssettag $0x1  }
0x1: {  	s1 =	rddreg [dreg:$0x0]  }
0x2: {  	s0 =	srdreg.scid;
	s2 =	rddreg [dreg:$0x1]  }
0x3: {  	s13 =	stileid.u32;
	s3 =	rddreg [dreg:$0x2];
	s18 =	simm.s32 $0x5  }
0x4: {  	s19 =	simm.s32 $0x3000;
	s20 =	simm.s32 $0x19D00;
	s28 =	simm.s32 $0x4  }
0x5: {  	s31 =	simm.s32 $0x10;
	s29 =	simm.s32 $0x0;
	s0 =	sand.u32 $0x1, s0  }
0x6: {  	s8 =	sshll.u32 s13, $0x4;
	s12 =	smul.u32 $0x4E000, s13;
	s4 =	sshll.u32 s0, $0x4  }
0x7: {  	s22 =	sand.u32 $0x70, s8;
	s23 =	ssub.s32 $0x2, s0;
	s0 =	smul.u32 $0x138800, s0  }
0x8: {  	s5 =	sor.u32 s13, s4;
	s4 =	simm.s32 $0x0;
	s13 =	smul.u32 $0x13800, s13  }
0x9: {  	s10 =	sshrl.u32 s23, $0x1;
	s26 =	sshrl.u32 s12, $0x2;
	s6 =	smul.u32 $0x4E2, s5  }
0xa: {  	[smem:$0x7FF] =	sst s4;
	s7 =	smul.u32 $0x600, s5;
	s11 =	sshll.u32 s5, $0x4  }
0xb: {  	s17 =	ssub.s32 s23, s10;
	s23 =	simm.s32 $0x3080;
	_ =	strace $0x8000004A  }
0xc: {  	s25 =	sand.u32 $0x180, s11;
	s14 =	sadd.s32 s13, s0;
	s0 =	sshrl.u32 s0, $0x3  }
0xd: {  	s17 =	smax.u32 s17, $0x1;
	s9 =	sadd.s32 s6, s2;
	s21 =	sadd.s32 s7, s2  }
0xe: {  	s7 =	sadd.s32 s22, s2;
	s2 =	sadd.s32 $0x1E200, s2;
	s15 =	sshrl.u32 s14, $0x3  }
0xf: {  	s14 =	sadd.s32 $0x138000, s3;
	s22 =	simm.s32 $0x68;
	s24 =	sadd.s32 $0x12200, s21  }
0x10: {  	s6 =	sadd.s32 s25, s7;
	s7 =	sadd.s32 s26, s3;
	s8 =	sadd.s32 $0x3200, s9  }
0x11: {  	s15 =	sadd.s32 s2, s15;
	s0 =	sadd.s32 s2, s0;
	s21 =	simm.s32 $0x1C480  }
0x12: {  	s25 =	simm.s32 $0x3;
	s26 =	simm.s32 $0x2;
	[dreg:$0x4] =	wrdreg s24  }
0x13: {  	s30 =	sadd.s32 $0x12000, s6;
	s9 =	sadd.s32 $0x3400, s7;
	s10 =	sadd.s32 $0x6800, s7  }
0x14: {  	s11 =	sadd.s32 $0x9C00, s7;
	s12 =	sadd.s32 $0xD000, s7;
	s13 =	sadd.s32 $0x10400, s7  }
0x15: {  	v0 =	vimm.f32 $0.0e+00;
	s16 =	sadd.s32 $0x27000, s0;
	s24 =	simm.s32 $0x1;
	[dreg:$0x5] =	wrdreg s30  }
.LBB2_1:
0x16: {  	s0 =	rddreg [dreg:$0x4]  }
0x17: {  	[tilespmem:s4], [sflag:$0x5] =	stream.linear.gather [hbm4b:s0+s4], $0x3000, $0x38;
	[tilespmem:$0x1F880] =	vst v63  }
0x18: {  	_ =	swait.ge [sflag:s18], $0x3000  }
0x19: {  	[sflag:s18] =	ssyncset.done $0x0  }
0x1a: {  	s5 =	rddreg [dreg:$0x5];
	[sflag:s18] =	ssyncadd.s32 $0xFFFFD000  }
0x1b: {  	[tilespmem:s19], [sflag:$0x5] =	stream.linear.gather [hbm4b:s5+s4], $0x80, $0x38;
	[tilespmem:$0x1F880] =	vst v63  }
0x1c: {  	_ =	swait.ge [sflag:s18], $0x80  }
0x1d: {  	[sflag:s18] =	ssyncset.done $0x0  }
0x1e: {  	[sflag:s18] =	ssyncadd.s32 $0xFFFFFF80  }
0x1f: {  	[tilespmem:s20], [sflag:$0x5] =	stream.linear.gather [hbm4b:s8+s4], $0x2710, $0x38;
	[tilespmem:$0x1F880] =	vst v63  }
0x20: {  	s6 =	sand.u32 $0xFE00, s4;
	s2 =	sand.u32 $0x70, s4;
	_ =	swait.ge [sflag:s18], $0x2710  }
0x21: {  	s30 =	sshrl.u32 s6, $0x2;
	s0 =	simm.s32 $0x40;
	[sflag:s18] =	ssyncset.done $0x0  }
0x22: {  	s30 =	sor.u32 s2, s30;
	s2 =	simm.s32 $0x0;
	[sflag:s18] =	ssyncadd.s32 $0xFFFFD8F0  }
.LBB2_2:
0x23: {  	p0 =	sne.s32 s0, $0xCFC0  }
0x24: {  	[tilespmem:s30+$0x1C480] =	vst v0;
	s2 =	sadd.s32 $0x10, s2;
	s30 =	smov.u32 s0;
	s0 =	sadd.s32 $0x40, s0  }
.Ltmp0:
0x25: {  	(pc) =	sbr.rel @p0 .LBB2_2-.Ltmp0, $4  }
0x26: {  	_ = 	snop  }
0x27: {  	s30 =	sand.u32 $0xFE00, s30  }
0x28: {  	s5 =	sand.u32 $0x70, s2;
	s30 =	sshrl.u32 s30, $0x2  }
0x29: {  	s30 =	sor.u32 s5, s30  }
0x2a: {  	[tilespmem:s30+$0x1C480] =	vst v0  }
0x2b: {  	[spmem:s7] =	stream.linear.scatter [tilespmem:s21], [sflag:$0x5], $0x3400, $0x38;
	[tilespmem:$0x1F880] =	vst v63  }
0x2c: {  	_ =	swait.ge [sflag:s18], $0x3400  }
0x2d: {  	[sflag:s18] =	ssyncset.done $0x0  }
0x2e: {  	[sflag:s18] =	ssyncadd.s32 $0xFFFFCC00  }
0x2f: {  	[spmem:s9] =	stream.linear.scatter [tilespmem:s21], [sflag:$0x5], $0x3400, $0x38;
	[tilespmem:$0x1F880] =	vst v63  }
0x30: {  	_ =	swait.ge [sflag:s18], $0x3400  }
0x31: {  	[sflag:s18] =	ssyncset.done $0x0  }
0x32: {  	[sflag:s18] =	ssyncadd.s32 $0xFFFFCC00  }
0x33: {  	[spmem:s10] =	stream.linear.scatter [tilespmem:s21], [sflag:$0x5], $0x3400, $0x38;
	[tilespmem:$0x1F880] =	vst v63  }
0x34: {  	_ =	swait.ge [sflag:s18], $0x3400  }
0x35: {  	[sflag:s18] =	ssyncset.done $0x0  }
0x36: {  	[sflag:s18] =	ssyncadd.s32 $0xFFFFCC00  }
0x37: {  	[spmem:s11] =	stream.linear.scatter [tilespmem:s21], [sflag:$0x5], $0x3400, $0x38;
	[tilespmem:$0x1F880] =	vst v63  }
0x38: {  	_ =	swait.ge [sflag:s18], $0x3400  }
0x39: {  	[sflag:s18] =	ssyncset.done $0x0  }
0x3a: {  	[sflag:s18] =	ssyncadd.s32 $0xFFFFCC00  }
0x3b: {  	[spmem:s12] =	stream.linear.scatter [tilespmem:s21], [sflag:$0x5], $0x3400, $0x38;
	[tilespmem:$0x1F880] =	vst v63  }
0x3c: {  	_ =	swait.ge [sflag:s18], $0x3400  }
0x3d: {  	[sflag:s18] =	ssyncset.done $0x0  }
0x3e: {  	[sflag:s18] =	ssyncadd.s32 $0xFFFFCC00  }
0x3f: {  	[spmem:s13] =	stream.linear.scatter [tilespmem:s21], [sflag:$0x5], $0x3400, $0x38;
	[tilespmem:$0x1F880] =	vst v63  }
0x40: {  	_ =	swait.ge [sflag:s18], $0x3400  }
0x41: {  	[sflag:s18] =	ssyncset.done $0x0  }
0x42: {  	[sflag:s18] =	ssyncadd.s32 $0xFFFFCC00  }
0x43: {  	[spmem:s14] =	stream.linear.scatter [tilespmem:s21], [sflag:$0x5], $0x800, $0x38;
	[tilespmem:$0x1F880] =	vst v63  }
0x44: {  	_ =	swait.ge [sflag:s18], $0x800  }
0x45: {  	[sflag:s18] =	ssyncset.done $0x0  }
0x46: {  	[sflag:s18] =	ssyncadd.s32 $0xFFFFF800  }
0x47: {  	[bflag:$0x0] =	sbarrier.arrive $0xFFFF  }
0x48: {  	[tilespmem:s23], [sflag:$0x1] =	stream.indirect.gather [hbm4b:s1+s22], $0x80, s20, s22, $0xb8;
	[tilespmem:$0x1F880] =	vst v63  }
0x49: {  	s0 =	simm.s32 $0x19D68  }
0x4a: {  	[tilespmem:s21], [sflag:$0x2] =	stream.indirect.gather [hbm4b:s1+s22], $0x80, s0, s22, $0xb8;
	[tilespmem:$0x1F880] =	vst v63  }
0x4b: {  	_ =	swait.ge [sflag:s24], $0x3400  }
0x4c: {  	[sflag:s24] =	ssyncset.done $0x0  }
0x4d: {  	s2 =	simm.s32 $0x0;
	[sflag:s24] =	ssyncadd.s32 $0xFFFFCC00  }
0x4e: {  	[spmem:s3] =	stream.indirect.scatter.add.f32 [tilespmem:s23], [sflag:$0x3], $0x80, s2, s22, $0xb8;
	[tilespmem:$0x1F880] =	vst v63  }
0x4f: {  	_ =	swait.ge [sflag:s25], $0x3400  }
0x50: {  	[sflag:s25] =	ssyncset.done $0x0  }
0x51: {  	s5 =	simm.s32 $0x19DD0;
	[sflag:s25] =	ssyncadd.s32 $0xFFFFCC00  }
0x52: {  	[tilespmem:s23], [sflag:$0x1] =	stream.indirect.gather [hbm4b:s1+s22], $0x80, s5, s22, $0xb8;
	[tilespmem:$0x1F880] =	vst v63  }
0x53: {  	_ =	swait.ge [sflag:s26], $0x3400  }
0x54: {  	[sflag:s26] =	ssyncset.done $0x0  }
0x55: {  	s6 =	simm.s32 $0x80;
	[sflag:s26] =	ssyncadd.s32 $0xFFFFCC00  }
0x56: {  	[spmem:s3] =	stream.indirect.scatter.add.f32 [tilespmem:s21], [sflag:$0x4], $0x80, s6, s22, $0xb8;
	[tilespmem:$0x1F880] =	vst v63  }
0x57: {  	s30 =	simm.s32 $0x19EA0;
	_ =	swait.ge [sflag:s28], $0x3400  }
0x58: {  	s0 =	simm.s32 $0x800;
	s2 =	simm.s32 $0x400;
	[sflag:s28] =	ssyncset.done $0x0  }
.LBB2_4:
0x59: {  	p0 =	sne.s32 s0, $0xB800;
	s5 =	sadd.s32 $0xFFFFFF98, s30;
	[sflag:s28] =	ssyncadd.s32 $0xFFFFCC00  }
0x5a: {  	[tilespmem:s21], [sflag:$0x2] =	stream.indirect.gather [hbm4b:s1+s22], $0x80, s5, s22, $0xb8;
	[tilespmem:$0x1F880] =	vst v63  }
0x5b: {  	s5 =	smov.u32 s0;
	s0 =	sadd.s32 $0x400, s0;
	_ =	swait.ge [sflag:s24], $0x3400  }
0x5c: {  	[sflag:s24] =	ssyncset.done $0x0  }
0x5d: {  	s6 =	sshra.s32 s2, $0x2;
	s2 =	smov.u32 s5;
	[sflag:s24] =	ssyncadd.s32 $0xFFFFCC00  }
0x5e: {  	[spmem:s3] =	stream.indirect.scatter.add.f32 [tilespmem:s23], [sflag:$0x3], $0x80, s6, s22, $0xb8;
	[tilespmem:$0x1F880] =	vst v63  }
0x5f: {  	_ =	swait.ge [sflag:s25], $0x3400  }
0x60: {  	[sflag:s25] =	ssyncset.done $0x0  }
0x61: {  	[sflag:s25] =	ssyncadd.s32 $0xFFFFCC00  }
0x62: {  	[tilespmem:s23], [sflag:$0x1] =	stream.indirect.gather [hbm4b:s1+s22], $0x80, s30, s22, $0xb8;
	[tilespmem:$0x1F880] =	vst v63  }
0x63: {  	_ =	swait.ge [sflag:s26], $0x3400  }
.Ltmp1:
0x64: {  	[sflag:s26] =	ssyncset.done $0x0;
	(pc) =	sbr.rel @p0 .LBB2_4-.Ltmp1, $4  }
0x65: {  	s5 =	sadd.s32 $0x80, s6;
	[sflag:s26] =	ssyncadd.s32 $0xFFFFCC00  }
0x66: {  	[spmem:s3] =	stream.indirect.scatter.add.f32 [tilespmem:s21], [sflag:$0x4], $0x80, s5, s22, $0xb8;
	[tilespmem:$0x1F880] =	vst v63  }
0x67: {  	_ =	swait.ge [sflag:s28], $0x3400  }
0x68: {  	s30 =	sadd.s32 $0xD0, s30;
	[sflag:s28] =	ssyncset.done $0x0  }
0x69: {  	s0 =	sadd.s32 $0xFFFFFF98, s30;
	[sflag:s28] =	ssyncadd.s32 $0xFFFFCC00  }
0x6a: {  	[tilespmem:s21], [sflag:$0x2] =	stream.indirect.gather [hbm4b:s1+s22], $0x80, s0, s22, $0xb8;
	[tilespmem:$0x1F880] =	vst v63  }
0x6b: {  	_ =	swait.ge [sflag:s24], $0x3400  }
0x6c: {  	[sflag:s24] =	ssyncset.done $0x0  }
0x6d: {  	s2 =	sshra.s32 s2, $0x2;
	[sflag:s24] =	ssyncadd.s32 $0xFFFFCC00  }
0x6e: {  	[spmem:s3] =	stream.indirect.scatter.add.f32 [tilespmem:s23], [sflag:$0x3], $0x80, s2, s22, $0xb8;
	[tilespmem:$0x1F880] =	vst v63  }
0x6f: {  	_ =	swait.ge [sflag:s25], $0x3400  }
0x70: {  	[sflag:s25] =	ssyncset.done $0x0  }
0x71: {  	[sflag:s25] =	ssyncadd.s32 $0xFFFFCC00  }
0x72: {  	[tilespmem:s23], [sflag:$0x1] =	stream.indirect.gather [hbm4b:s1+s22], $0x80, s30, s22, $0xb8;
	[tilespmem:$0x1F880] =	vst v63  }
0x73: {  	_ =	swait.ge [sflag:s26], $0x3400  }
0x74: {  	[sflag:s26] =	ssyncset.done $0x0  }
0x75: {  	s0 =	sadd.s32 $0x80, s2;
	[sflag:s26] =	ssyncadd.s32 $0xFFFFCC00  }
0x76: {  	[spmem:s3] =	stream.indirect.scatter.add.f32 [tilespmem:s21], [sflag:$0x4], $0x80, s0, s22, $0xb8;
	[tilespmem:$0x1F880] =	vst v63  }
0x77: {  	_ =	swait.ge [sflag:s28], $0x3400  }
0x78: {  	[sflag:s28] =	ssyncset.done $0x0  }
0x79: {  	s5 =	simm.s32 $0x1C398;
	[sflag:s28] =	ssyncadd.s32 $0xFFFFCC00  }
0x7a: {  	[tilespmem:s21], [sflag:$0x2] =	stream.indirect.gather [hbm4b:s1+s22], $0x80, s5, s22, $0xb8;
	[tilespmem:$0x1F880] =	vst v63  }
0x7b: {  	_ =	swait.ge [sflag:s24], $0x3400  }
0x7c: {  	[sflag:s24] =	ssyncset.done $0x0  }
0x7d: {  	s6 =	simm.s32 $0x2F00;
	[sflag:s24] =	ssyncadd.s32 $0xFFFFCC00  }
0x7e: {  	[spmem:s3] =	stream.indirect.scatter.add.f32 [tilespmem:s23], [sflag:$0x5], $0x80, s6, s22, $0xb8;
	[tilespmem:$0x1F880] =	vst v63  }
0x7f: {  	_ =	swait.ge [sflag:s18], $0x3400  }
0x80: {  	[sflag:s18] =	ssyncset.done $0x0  }
0x81: {  	s30 =	simm.s32 $0x1C400;
	[sflag:s18] =	ssyncadd.s32 $0xFFFFCC00  }
0x82: {  	[tilespmem:s23], [sflag:$0x1] =	stream.indirect.gather [hbm4b:s1+s31], $0x80, s30, s31, $0xb8;
	[tilespmem:$0x1F880] =	vst v63  }
0x83: {  	_ =	swait.ge [sflag:s26], $0x3400  }
0x84: {  	[sflag:s26] =	ssyncset.done $0x0  }
0x85: {  	s2 =	simm.s32 $0x2F80;
	[sflag:s26] =	ssyncadd.s32 $0xFFFFCC00  }
0x86: {  	[spmem:s3] =	stream.indirect.scatter.add.f32 [tilespmem:s21], [sflag:$0x5], $0x80, s2, s22, $0xb8;
	[tilespmem:$0x1F880] =	vst v63  }
0x87: {  	_ =	swait.ge [sflag:s18], $0x3400  }
0x88: {  	[sflag:s18] =	ssyncset.done $0x0  }
0x89: {  	[sflag:s18] =	ssyncadd.s32 $0xFFFFCC00  }
0x8a: {  	_ =	swait.ge [sflag:s24], $0x800  }
0x8b: {  	[sflag:s24] =	ssyncset.done $0x0  }
0x8c: {  	[sflag:s24] =	ssyncadd.s32 $0xFFFFF800  }
0x8d: {  	[spmem:s3] =	stream.indirect.scatter.add.f32 [tilespmem:s23], [sflag:$0x5], $0x80, s19, s31, $0xb8;
	[tilespmem:$0x1F880] =	vst v63  }
0x8e: {  	_ =	swait.ge [sflag:s18], $0x800  }
0x8f: {  	s5 =	stileid.u32;
	[sflag:s18] =	ssyncset.done $0x0  }
0x90: {  	s0 =	sshll.u32 s5, $0x6;
	[sflag:s18] =	ssyncadd.s32 $0xFFFFF800  }
0x91: {  	s0 =	sor.u32 $0x1C05, s0;
	s6 =	sshrl.u32 s7, $0x3;
	[bflag:$0x0] =	sbarrier.arrive $0xFFFF  }
0x92: {  	[hbm:s15], [sflag:s0] =	dma.local [spmem:s6], $0x2700  }
0x93: {  	s29 =	sadd.s32 $0x1, s29;
	_ =	swait.ge [sflag:s18], $0x2700  }
0x94: {  	p0 =	sne.s32 s29, s17;
	[sflag:s18] =	ssyncset.done $0x0  }
.Ltmp2:
0x95: {  	s30 =	sshrl.u32 s14, $0x3;
	[sflag:s18] =	ssyncadd.s32 $0xFFFFD900;
	(pc) =	sbr.rel @p0 .LBB2_1-.Ltmp2, $4  }
0x96: {  	[hbm:s16], [sflag:s0] =	dma.local [spmem:s30], $0x100  }
0x97: {  	_ =	swait.ge [sflag:s18], $0x100  }
0x98: {  	[sflag:s18] =	ssyncset.done $0x0  }
0x99: {  	[sflag:s18] =	ssyncadd.s32 $0xFFFFFF00  }
0x9a: {  	_ =	sfence.sel $0x180000  }
0x9b: {  	[bflag:$0x0] =	sbarrier.arrive $0xFFFF  }
0x9c: {  	_ =	strace $0x9000004A  }
0x9d: {  	s0 =	stileid.u32;
	[bflag:$0x2] =	sbarrier.arrive $0xFFFF  }
0x9e: {  	p0 =	sne.s32 s0, $0x0;
	s0 =	rddreg [dreg:$0x3]  }
0x9f: {  	s0 =	sadd.s32 @!p0 $0x100000, s0  }
0xa0: {  	[sflag:s0] =	ssyncadd.tile.s32 @!p0 $0x1;
	_ =	shalt  }
.Lfunc_end2:
_tile_overlayer_lowered:
.L_overlay_start_2:
0xa1: {  	(tag) =	ssettag $0x2  }
0xa2: {  	s0 =	rddreg [dreg:$0x0];
	s2 =	stileid.u32  }
0xa3: {  	s1 =	rddreg [dreg:$0x1];
	p0 =	sne.s32 s2, $0x0  }
0xa4: {  	s3 =	rddreg [dreg:$0x2];
	[bflag:$0x3] =	sbarrier.arrive $0xFFFF;
	s2 =	simm.s32 @!p0 $0x1C05  }
0xa5: {  	[timem:s3], [sflag:s2] =	dma.local @!p0 [hbm:s0], s1  }
0xa6: {  	s0 =	simm.s32 @!p0 $0x5  }
0xa7: {  	_ =	swait.ge @!p0 [sflag:s0], s1  }
0xa8: {  	s1 =	ssub.s32 @!p0 $0x0, s1;
	[sflag:s0] =	ssyncset.done @!p0 $0x0  }
0xa9: {  	[sflag:s0] =	ssyncadd.s32 @!p0 s1  }
0xaa: {  	[bflag:$0x3] =	sbarrier.arrive $0xFFFF  }
0xab: {  	_ =	shalt  }

// kernel: kernel.16.cloned.1.call-start
scs
__scs_entry_jumppad:
0x0: {  	(pc) =	sbr.rel $0x88, $3  }
0x1: {  	(tag) =	ssettag $0x0;
	lr =	simm.s32 $0x1  }
0x2: {  	[smem:$0x3F97] =	sst lr;
	_ =	strace $0xD0000000  }
0x3: {  	_ = 	snop  }
0x4: {  	_ = 	snop  }
0x5: {  	_ = 	snop  }
0x6: {  	_ = 	snop  }
0x7: {  	_ = 	snop  }
__scs_overlays_trampoline_lowered:
0x8: {  	[smem:$0x3FA6] =	sst s0  }
0x9: {  	[smem:$0x3FA7] =	sst s1  }
0xa: {  	[smem:$0x3FA8] =	sst s2  }
0xb: {  	[smem:$0x3FA9] =	sst s3  }
0xc: {  	[smem:$0x3FAA] =	sst s4  }
0xd: {  	[smem:$0x3FAB] =	sst s5  }
0xe: {  	[smem:$0x3FAC] =	sst s6  }
0xf: {  	[smem:$0x3FAD] =	sst s7  }
0x10: {  	[smem:$0x3FAE] =	sst s8  }
0x11: {  	[smem:$0x3FAF] =	sst s9;
	s0 =	simm.s32 @!p0 $0x0  }
0x12: {  	s1 =	sld [smem:$0x3F95];
	s0 =	simm.s32 @p0 $0x1  }
0x13: {  	[smem:$0x3FB0] =	sst s0;
	s0 =	simm.s32 @!p1 $0x0  }
0x14: {  	s2 =	sld [smem:$0x3F94];
	s0 =	simm.s32 @p1 $0x1  }
0x15: {  	[smem:$0x3FB1] =	sst s0;
	s0 =	simm.s32 @!p2 $0x0  }
0x16: {  	s3 =	sld [smem:$0x3FDB];
	s0 =	simm.s32 @p2 $0x1  }
0x17: {  	s4 =	simm.s32 $0x1BF5;
	[smem:$0x3FB3] =	sst s0  }
0x18: {  	s0 =	sld [smem:$0x3F96];
	_ =	swait.ge [sflag:s4], $0x0  }
0x19: {  	s7 =	sld [smem:$0x3F97]  }
0x1a: {  	s8 =	sadd.s32 $0xFFFFE003, lr  }
0x1b: {  	s9 =	sadd.s32 $0xFFFFFEF7, lr;
	s5 =	simm.s32 $0xFFFFFFFF;
	p2 =	slt.u32 s8, $0xFFFFF086  }
0x1c: {  	p1 =	slt.u32 s9, $0xF7A;
	s5 =	simm.s32 @!p2 $0x0  }
0x1d: {  	s5 =	simm.s32 @p1 $0x1;
	p0 =	seq.s32 s7, s2  }
0x1e: {  	s7 =	smul.u32 @!p0 $0xF7A, s2;
	p2 =	seq.s32 @!p0 s5, $0x0  }
0x1f: {  	s9 =	smul.u32 $0xF7A, s1;
	s8 =	simm.s32 @!p0 $0x1BF5;
	p2 =	por !p2, p0  }
0x20: {  	[sflag:s8] =	ssyncset.s32 @!p0 $0xFFFFF086;
	s6 =	sadd.s32 @!p0 s3, s7;
	s7 =	simm.s32 @!p0 $0x108  }
0x21: {  	s3 =	sadd.s32 s3, s9;
	s6 =	sadd.s32 @!p0 $0x88, s6;
	s7 =	simm.s32 @p2 $0x1082  }
0x22: {  	[simem:s7], [sflag:s8] =	dma.local @!p0 [hbm:s6], $0xF7A  }
0x23: {  	s9 =	sor.u32 $0xD0000000, s2;
	s6 =	simm.s32 $0x108;
	_ =	swait.ge @!p0 [sflag:s8], $0x0  }
0x24: {  	s3 =	sadd.s32 $0x88, s3;
	s6 =	simm.s32 @!p1 $0x1082;
	[sflag:s4] =	ssyncset.s32 $0xFFFFF086  }
0x25: {  	[simem:s6], [sflag:s4] =	dma.local [hbm:s3], $0xF7A  }
0x26: {  	[smem:$0x3F97] =	sst s1;
	(tag) =	ssettag s2;
	_ =	strace s9  }
0x27: {  	s1 =	sld [smem:$0x3FA7]  }
0x28: {  	s2 =	sld [smem:$0x3FA8]  }
0x29: {  	s4 =	sld [smem:$0x3FAA]  }
0x2a: {  	p0 =	seq.s32 s5, $0x0;
	s5 =	sld [smem:$0x3FAB]  }
0x2b: {  	s6 =	sld [smem:$0x3FAC]  }
0x2c: {  	s7 =	sld [smem:$0x3FAD]  }
0x2d: {  	s3 =	simm.s32 $0x108;
	s8 =	sld [smem:$0x3FAE]  }
0x2e: {  	s3 =	simm.s32 @!p0 $0x1082;
	s9 =	sld [smem:$0x3FAF]  }
0x2f: {  	lr =	sadd.s32 s0, s3;
	s0 =	sld [smem:$0x3FA6]  }
0x30: {  	s3 =	sld [smem:$0x3FA9]  }
0x31: {  	[smem:$0x3FB2] =	sst s10  }
0x32: {  	s10 =	sld [smem:$0x3FB0];
	_ =	sdelay $0x3  }
0x33: {  	p0 =	seq.s32 s10, $0x1;
	s10 =	sld [smem:$0x3FB2];
	_ =	sdelay $0x3  }
0x34: {  	[smem:$0x3FB2] =	sst s10  }
0x35: {  	s10 =	sld [smem:$0x3FB1];
	_ =	sdelay $0x3  }
0x36: {  	p1 =	seq.s32 s10, $0x1;
	s10 =	sld [smem:$0x3FB2];
	_ =	sdelay $0x3  }
0x37: {  	[smem:$0x3FB2] =	sst s10  }
0x38: {  	s10 =	sld [smem:$0x3FB3]  }
0x39: {  	_ = 	snop;
	(pc) =	sbr.ind lr, $3  }
0x3a: {  	_ = 	snop  }
0x3b: {  	_ = 	snop  }
0x3c: {  	p2 =	seq.s32 s10, $0x1;
	s10 =	sld [smem:$0x3FB2]  }
0x3d: {  	_ =	shalt  }
0x3e: {  	_ =	shalt  }
0x3f: {  	_ =	shalt  }
0x40: {  	_ =	shalt  }
0x41: {  	_ =	shalt  }
0x42: {  	_ =	shalt  }
0x43: {  	_ =	shalt  }
0x44: {  	_ =	shalt  }
0x45: {  	_ =	shalt  }
0x46: {  	_ =	shalt  }
0x47: {  	_ =	shalt  }
0x48: {  	_ =	shalt  }
0x49: {  	_ =	shalt  }
0x4a: {  	_ =	shalt  }
0x4b: {  	_ =	shalt  }
0x4c: {  	_ =	shalt  }
0x4d: {  	_ =	shalt  }
0x4e: {  	_ =	shalt  }
0x4f: {  	_ =	shalt  }
0x50: {  	_ =	shalt  }
0x51: {  	_ =	shalt  }
0x52: {  	_ =	shalt  }
0x53: {  	_ =	shalt  }
0x54: {  	_ =	shalt  }
0x55: {  	_ =	shalt  }
0x56: {  	_ =	shalt  }
0x57: {  	_ =	shalt  }
0x58: {  	_ =	shalt  }
0x59: {  	_ =	shalt  }
0x5a: {  	_ =	shalt  }
0x5b: {  	_ =	shalt  }
0x5c: {  	_ =	shalt  }
0x5d: {  	_ =	shalt  }
0x5e: {  	_ =	shalt  }
0x5f: {  	_ =	shalt  }
0x60: {  	_ =	shalt  }
0x61: {  	_ =	shalt  }
0x62: {  	_ =	shalt  }
0x63: {  	_ =	shalt  }
0x64: {  	_ =	shalt  }
0x65: {  	_ =	shalt  }
0x66: {  	_ =	shalt  }
0x67: {  	_ =	shalt  }
0x68: {  	_ =	shalt  }
0x69: {  	_ =	shalt  }
0x6a: {  	_ =	shalt  }
0x6b: {  	_ =	shalt  }
0x6c: {  	_ =	shalt  }
0x6d: {  	_ =	shalt  }
0x6e: {  	_ =	shalt  }
0x6f: {  	_ =	shalt  }
0x70: {  	_ =	shalt  }
0x71: {  	_ =	shalt  }
0x72: {  	_ =	shalt  }
0x73: {  	_ =	shalt  }
0x74: {  	_ =	shalt  }
0x75: {  	_ =	shalt  }
0x76: {  	_ =	shalt  }
0x77: {  	_ =	shalt  }
0x78: {  	_ =	shalt  }
0x79: {  	_ =	shalt  }
0x7a: {  	_ =	shalt  }
0x7b: {  	_ =	shalt  }
0x7c: {  	_ =	shalt  }
0x7d: {  	_ =	shalt  }
0x7e: {  	_ =	shalt  }
0x7f: {  	_ =	shalt  }
0x80: {  	_ =	shalt  }
0x81: {  	_ =	shalt  }
0x82: {  	_ =	shalt  }
0x83: {  	_ =	shalt  }
0x84: {  	_ =	shalt  }
0x85: {  	_ =	shalt  }
0x86: {  	_ =	shalt  }
0x87: {  	_ =	shalt  }
.Lfunc_end0:
.L_simem_size_0:
called_computation.2_lowered:
.L_overlay_start_0:
0x88: {  	s2 =	sld [smem:$0x3FD9]  }
0x89: {  	s3 =	sld [smem:$0x3FFE];
	_ =	sdelay $0x1  }
0x8a: {  	s1 =	srdreg.scid  }
0x8b: {  	s0 =	sand.u32 $0x1, s1  }
0x8c: {  	s14 =	sshll.u32 s0, $0xA;
	s2 =	sadd.s32 s3, s2  }
0x8d: {  	s2 =	sadd.s32 s2, s14  }
0x8e: {  	[smem:$0x3FBE] =	sst s2  }
0x8f: {  	_ = 	snop  }
0x90: {  	s2 =	sld [smem:$0x3FD0];
	_ =	sdelay $0x2  }
0x91: {  	s15 =	simm.s32 $0xB;
	s4 =	simm.s32 $0x10  }
0x92: {  	[smem:s4], [sflag:s15] =	dma.local [hbm:s2], $0x1  }
0x93: {  	_ =	swait.eq [sflag:s15], $0x1  }
0x94: {  	[sflag:s15] =	ssyncset.done $0x0  }
0x95: {  	[sflag:s15] =	ssyncadd.s32 $0xFFFFFFFF  }
0x96: {  	s16 =	sld [smem:$0x10];
	(tm) =	ssettm $0x1  }
0x97: {  	s17 =	sld [smem:$0x3FFB];
	_ =	sdelay $0x3  }
0x98: {  	_ =	strace s17  }
0x99: {  	s3 =	sld [smem:$0x3FFC];
	_ =	sdelay $0x3  }
0x9a: {  	_ =	strace s3  }
0x9b: {  	s3 =	sld [smem:$0x3FFD];
	_ =	sdelay $0x3  }
0x9c: {  	_ =	strace s3  }
0x9d: {  	_ =	strace $0x8FFFFFFF  }
0x9e: {  	s18 =	sld [smem:$0x3FDB];
	_ =	sdelay $0x1  }
0x9f: {  	s19 =	simm.s32 $_scs_section_size  }
0xa0: {  	s5 =	simm.s32 $_size__tile_overlayer_lowered;
	s6 =	simm.s32 $_tile_overlayer_lowered  }
0xa1: {  	s22 =	simm.s32 $0x1BFF;
	s21 =	sshll.u32 s6, $0x1;
	s3 =	sadd.s32 s19, s18  }
0xa2: {  	s7 =	simm.s32 $0x0;
	s20 =	sshll.u32 s5, $0x1;
	s5 =	sadd.s32 s21, s3  }
0xa3: {  	[timem:s7], [sflag:s22] =	dma.local [hbm:s5], s20  }
0xa4: {  	_ =	swait.ge [sflag:s22], s20  }
0xa5: {  	s4 =	ssub.s32 $0x0, s20;
	[sflag:s22] =	ssyncset.done $0x0  }
0xa6: {  	[sflag:s22] =	ssyncadd.s32 s4;
	_ =	sdelay $0x1  }
0xa7: {  	s23 =	simm.s32 $0x1B8B  }
0xa8: {  	_ =	swait.ge [sflag:s23], $0x1  }
0xa9: {  	[sflag:s23] =	ssyncset.done $0x0  }
0xaa: {  	s25 =	simm.s32 $0x1B8E;
	s24 =	sld [smem:$0x3FFE];
	[sflag:s23] =	ssyncadd.s32 $0xFFFFFFFF  }
0xab: {  	s26 =	simm.s32 $execute0_lowered;
	[smem:$0x3FD2] =	sst s25  }
0xac: {  	s5 =	sshll.u32 s26, $0x1;
	_ =	strace $0x8000004C;
	[dreg:$0x1] =	wrdreg $0xFFFFFFFF  }
0xad: {  	s28 =	simm.s32 $_size_execute0_lowered;
	s3 =	sadd.s32 s3, s5;
	[dreg:$0x0] =	wrdreg $0x0  }
0xae: {  	s5 =	sshll.u32 s28, $0x1;
	[dreg:$0x2] =	wrdreg s3  }
0xaf: {  	[dreg:$0x3] =	wrdreg s5  }
0xb0: {  	[dreg:$0x4] =	wrdreg $0xC0  }
0xb1: {  	_ =	task [dreg:s7], $0x5FFFF  }
0xb2: {  	[dreg:$0x1] =	wrdreg $0xFFFFFFFF  }
0xb3: {  	[dreg:$0x0] =	wrdreg $0x60  }
0xb4: {  	[dreg:$0x2] =	wrdreg s16  }
0xb5: {  	[dreg:$0x3] =	wrdreg s24  }
0xb6: {  	[dreg:$0x4] =	wrdreg $0x64800  }
0xb7: {  	[dreg:$0x5] =	wrdreg $0x9  }
0xb8: {  	_ =	task.clear_ibuf [dreg:s7], $0x6FFFF;
	_ =	strace $0x9000004C  }
0xb9: {  	s29 =	simm.s32 $0x9;
	_ =	strace $0x8000004E  }
0xba: {  	_ =	swait.ge [sflag:s29], $0x1  }
0xbb: {  	[sflag:s29] =	ssyncadd.s32 $0xFFFFFFFF  }
0xbc: {  	_ =	strace $0x9000004E  }
0xbd: {  	_ =	sfence  }
0xbe: {  	s30 =	sld [smem:$0x0];
	_ =	sdelay $0x2  }
0xbf: {  	s31 =	sshll.u32 s1, $0xD;
	s1 =	sshrl.u32 s1, $0x2  }
0xc0: {  	s3 =	sand.u32 $0x4000, s31;
	s1 =	sadd.s32 s1, s30  }
0xc1: {  	s0 =	sor.u32 s3, s0;
	s1 =	sshll.u32 s1, $0x11  }
0xc2: {  	s0 =	sor.u32 s1, s0  }
0xc3: {  	s0 =	sadd.s32 $0x8F2B, s0  }
0xc4: {  	[sflag:s0] =	ssyncadd.remote.s32 $0x1  }
0xc5: {  	_ =	sfence.sel $0xFFFF  }
0xc6: {  	[dreg:$0x0] =	wrdreg $0xFFFFFFFF;
	(pc) =	sbr.abs _section_cstart, $3  }
0xc7: {  	[dreg:$0x1] =	wrdreg $0xFFFFFFFF  }
0xc8: {  	_ =	task.clear_ibuf [dreg:s7], $0x2FFFF;
	_ =	strace $0x9FFFFFFF  }
0xc9: {  	(tm) =	ssettm $0x7FFFFFFF  }
tec
execute0_lowered:
.L_overlay_start_1:
0x0: {  	(tag) =	ssettag $0x1  }
0x1: {  	s1 =	rddreg [dreg:$0x0]  }
0x2: {  	s0 =	srdreg.scid;
	s2 =	rddreg [dreg:$0x1]  }
0x3: {  	s13 =	stileid.u32;
	s3 =	rddreg [dreg:$0x2];
	s18 =	simm.s32 $0x5  }
0x4: {  	s19 =	simm.s32 $0x3000;
	s20 =	simm.s32 $0x19D00;
	s28 =	simm.s32 $0x4  }
0x5: {  	s31 =	simm.s32 $0x10;
	s29 =	simm.s32 $0x0;
	s0 =	sand.u32 $0x1, s0  }
0x6: {  	s8 =	sshll.u32 s13, $0x4;
	s12 =	smul.u32 $0x4E000, s13;
	s4 =	sshll.u32 s0, $0x4  }
0x7: {  	s22 =	sand.u32 $0x70, s8;
	s23 =	ssub.s32 $0x2, s0;
	s0 =	smul.u32 $0x138800, s0  }
0x8: {  	s5 =	sor.u32 s13, s4;
	s4 =	simm.s32 $0x0;
	s13 =	smul.u32 $0x13800, s13  }
0x9: {  	s10 =	sshrl.u32 s23, $0x1;
	s26 =	sshrl.u32 s12, $0x2;
	s6 =	smul.u32 $0x4E2, s5  }
0xa: {  	[smem:$0x7FF] =	sst s4;
	s7 =	smul.u32 $0x600, s5;
	s11 =	sshll.u32 s5, $0x4  }
0xb: {  	s17 =	ssub.s32 s23, s10;
	s23 =	simm.s32 $0x3080;
	_ =	strace $0x8000004D  }
0xc: {  	s25 =	sand.u32 $0x180, s11;
	s14 =	sadd.s32 s13, s0;
	s0 =	sshrl.u32 s0, $0x3  }
0xd: {  	s17 =	smax.u32 s17, $0x1;
	s9 =	sadd.s32 s6, s2;
	s21 =	sadd.s32 s7, s2  }
0xe: {  	s7 =	sadd.s32 s22, s2;
	s2 =	sadd.s32 $0x1E200, s2;
	s15 =	sshrl.u32 s14, $0x3  }
0xf: {  	s14 =	sadd.s32 $0x138000, s3;
	s22 =	simm.s32 $0x68;
	s24 =	sadd.s32 $0x12200, s21  }
0x10: {  	s6 =	sadd.s32 s25, s7;
	s7 =	sadd.s32 s26, s3;
	s8 =	sadd.s32 $0x3200, s9  }
0x11: {  	s15 =	sadd.s32 s2, s15;
	s0 =	sadd.s32 s2, s0;
	s21 =	simm.s32 $0x1C480  }
0x12: {  	s25 =	simm.s32 $0x3;
	s26 =	simm.s32 $0x2;
	[dreg:$0x4] =	wrdreg s24  }
0x13: {  	s30 =	sadd.s32 $0x12000, s6;
	s9 =	sadd.s32 $0x3400, s7;
	s10 =	sadd.s32 $0x6800, s7  }
0x14: {  	s11 =	sadd.s32 $0x9C00, s7;
	s12 =	sadd.s32 $0xD000, s7;
	s13 =	sadd.s32 $0x10400, s7  }
0x15: {  	v0 =	vimm.f32 $0.0e+00;
	s16 =	sadd.s32 $0x27000, s0;
	s24 =	simm.s32 $0x1;
	[dreg:$0x5] =	wrdreg s30  }
.LBB2_1:
0x16: {  	s0 =	rddreg [dreg:$0x4]  }
0x17: {  	[tilespmem:s4], [sflag:$0x5] =	stream.linear.gather [hbm4b:s0+s4], $0x3000, $0x38;
	[tilespmem:$0x1F880] =	vst v63  }
0x18: {  	_ =	swait.ge [sflag:s18], $0x3000  }
0x19: {  	[sflag:s18] =	ssyncset.done $0x0  }
0x1a: {  	s5 =	rddreg [dreg:$0x5];
	[sflag:s18] =	ssyncadd.s32 $0xFFFFD000  }
0x1b: {  	[tilespmem:s19], [sflag:$0x5] =	stream.linear.gather [hbm4b:s5+s4], $0x80, $0x38;
	[tilespmem:$0x1F880] =	vst v63  }
0x1c: {  	_ =	swait.ge [sflag:s18], $0x80  }
0x1d: {  	[sflag:s18] =	ssyncset.done $0x0  }
0x1e: {  	[sflag:s18] =	ssyncadd.s32 $0xFFFFFF80  }
0x1f: {  	[tilespmem:s20], [sflag:$0x5] =	stream.linear.gather [hbm4b:s8+s4], $0x2710, $0x38;
	[tilespmem:$0x1F880] =	vst v63  }
0x20: {  	s6 =	sand.u32 $0xFE00, s4;
	s2 =	sand.u32 $0x70, s4;
	_ =	swait.ge [sflag:s18], $0x2710  }
0x21: {  	s30 =	sshrl.u32 s6, $0x2;
	s0 =	simm.s32 $0x40;
	[sflag:s18] =	ssyncset.done $0x0  }
0x22: {  	s30 =	sor.u32 s2, s30;
	s2 =	simm.s32 $0x0;
	[sflag:s18] =	ssyncadd.s32 $0xFFFFD8F0  }
.LBB2_2:
0x23: {  	p0 =	sne.s32 s0, $0xCFC0  }
0x24: {  	[tilespmem:s30+$0x1C480] =	vst v0;
	s2 =	sadd.s32 $0x10, s2;
	s30 =	smov.u32 s0;
	s0 =	sadd.s32 $0x40, s0  }
.Ltmp0:
0x25: {  	(pc) =	sbr.rel @p0 .LBB2_2-.Ltmp0, $4  }
0x26: {  	_ = 	snop  }
0x27: {  	s30 =	sand.u32 $0xFE00, s30  }
0x28: {  	s5 =	sand.u32 $0x70, s2;
	s30 =	sshrl.u32 s30, $0x2  }
0x29: {  	s30 =	sor.u32 s5, s30  }
0x2a: {  	[tilespmem:s30+$0x1C480] =	vst v0  }
0x2b: {  	[spmem:s7] =	stream.linear.scatter [tilespmem:s21], [sflag:$0x5], $0x3400, $0x38;
	[tilespmem:$0x1F880] =	vst v63  }
0x2c: {  	_ =	swait.ge [sflag:s18], $0x3400  }
0x2d: {  	[sflag:s18] =	ssyncset.done $0x0  }
0x2e: {  	[sflag:s18] =	ssyncadd.s32 $0xFFFFCC00  }
0x2f: {  	[spmem:s9] =	stream.linear.scatter [tilespmem:s21], [sflag:$0x5], $0x3400, $0x38;
	[tilespmem:$0x1F880] =	vst v63  }
0x30: {  	_ =	swait.ge [sflag:s18], $0x3400  }
0x31: {  	[sflag:s18] =	ssyncset.done $0x0  }
0x32: {  	[sflag:s18] =	ssyncadd.s32 $0xFFFFCC00  }
0x33: {  	[spmem:s10] =	stream.linear.scatter [tilespmem:s21], [sflag:$0x5], $0x3400, $0x38;
	[tilespmem:$0x1F880] =	vst v63  }
0x34: {  	_ =	swait.ge [sflag:s18], $0x3400  }
0x35: {  	[sflag:s18] =	ssyncset.done $0x0  }
0x36: {  	[sflag:s18] =	ssyncadd.s32 $0xFFFFCC00  }
0x37: {  	[spmem:s11] =	stream.linear.scatter [tilespmem:s21], [sflag:$0x5], $0x3400, $0x38;
	[tilespmem:$0x1F880] =	vst v63  }
0x38: {  	_ =	swait.ge [sflag:s18], $0x3400  }
0x39: {  	[sflag:s18] =	ssyncset.done $0x0  }
0x3a: {  	[sflag:s18] =	ssyncadd.s32 $0xFFFFCC00  }
0x3b: {  	[spmem:s12] =	stream.linear.scatter [tilespmem:s21], [sflag:$0x5], $0x3400, $0x38;
	[tilespmem:$0x1F880] =	vst v63  }
0x3c: {  	_ =	swait.ge [sflag:s18], $0x3400  }
0x3d: {  	[sflag:s18] =	ssyncset.done $0x0  }
0x3e: {  	[sflag:s18] =	ssyncadd.s32 $0xFFFFCC00  }
0x3f: {  	[spmem:s13] =	stream.linear.scatter [tilespmem:s21], [sflag:$0x5], $0x3400, $0x38;
	[tilespmem:$0x1F880] =	vst v63  }
0x40: {  	_ =	swait.ge [sflag:s18], $0x3400  }
0x41: {  	[sflag:s18] =	ssyncset.done $0x0  }
0x42: {  	[sflag:s18] =	ssyncadd.s32 $0xFFFFCC00  }
0x43: {  	[spmem:s14] =	stream.linear.scatter [tilespmem:s21], [sflag:$0x5], $0x800, $0x38;
	[tilespmem:$0x1F880] =	vst v63  }
0x44: {  	_ =	swait.ge [sflag:s18], $0x800  }
0x45: {  	[sflag:s18] =	ssyncset.done $0x0  }
0x46: {  	[sflag:s18] =	ssyncadd.s32 $0xFFFFF800  }
0x47: {  	[bflag:$0x0] =	sbarrier.arrive $0xFFFF  }
0x48: {  	[tilespmem:s23], [sflag:$0x1] =	stream.indirect.gather [hbm4b:s1+s22], $0x80, s20, s22, $0xb8;
	[tilespmem:$0x1F880] =	vst v63  }
0x49: {  	s0 =	simm.s32 $0x19D68  }
0x4a: {  	[tilespmem:s21], [sflag:$0x2] =	stream.indirect.gather [hbm4b:s1+s22], $0x80, s0, s22, $0xb8;
	[tilespmem:$0x1F880] =	vst v63  }
0x4b: {  	_ =	swait.ge [sflag:s24], $0x3400  }
0x4c: {  	[sflag:s24] =	ssyncset.done $0x0  }
0x4d: {  	s2 =	simm.s32 $0x0;
	[sflag:s24] =	ssyncadd.s32 $0xFFFFCC00  }
0x4e: {  	[spmem:s3] =	stream.indirect.scatter.add.f32 [tilespmem:s23], [sflag:$0x3], $0x80, s2, s22, $0xb8;
	[tilespmem:$0x1F880] =	vst v63  }
0x4f: {  	_ =	swait.ge [sflag:s25], $0x3400  }
0x50: {  	[sflag:s25] =	ssyncset.done $0x0  }
0x51: {  	s5 =	simm.s32 $0x19DD0;
	[sflag:s25] =	ssyncadd.s32 $0xFFFFCC00  }
0x52: {  	[tilespmem:s23], [sflag:$0x1] =	stream.indirect.gather [hbm4b:s1+s22], $0x80, s5, s22, $0xb8;
	[tilespmem:$0x1F880] =	vst v63  }
0x53: {  	_ =	swait.ge [sflag:s26], $0x3400  }
0x54: {  	[sflag:s26] =	ssyncset.done $0x0  }
0x55: {  	s6 =	simm.s32 $0x80;
	[sflag:s26] =	ssyncadd.s32 $0xFFFFCC00  }
0x56: {  	[spmem:s3] =	stream.indirect.scatter.add.f32 [tilespmem:s21], [sflag:$0x4], $0x80, s6, s22, $0xb8;
	[tilespmem:$0x1F880] =	vst v63  }
0x57: {  	s30 =	simm.s32 $0x19EA0;
	_ =	swait.ge [sflag:s28], $0x3400  }
0x58: {  	s0 =	simm.s32 $0x800;
	s2 =	simm.s32 $0x400;
	[sflag:s28] =	ssyncset.done $0x0  }
.LBB2_4:
0x59: {  	p0 =	sne.s32 s0, $0xB800;
	s5 =	sadd.s32 $0xFFFFFF98, s30;
	[sflag:s28] =	ssyncadd.s32 $0xFFFFCC00  }
0x5a: {  	[tilespmem:s21], [sflag:$0x2] =	stream.indirect.gather [hbm4b:s1+s22], $0x80, s5, s22, $0xb8;
	[tilespmem:$0x1F880] =	vst v63  }
0x5b: {  	s5 =	smov.u32 s0;
	s0 =	sadd.s32 $0x400, s0;
	_ =	swait.ge [sflag:s24], $0x3400  }
0x5c: {  	[sflag:s24] =	ssyncset.done $0x0  }
0x5d: {  	s6 =	sshra.s32 s2, $0x2;
	s2 =	smov.u32 s5;
	[sflag:s24] =	ssyncadd.s32 $0xFFFFCC00  }
0x5e: {  	[spmem:s3] =	stream.indirect.scatter.add.f32 [tilespmem:s23], [sflag:$0x3], $0x80, s6, s22, $0xb8;
	[tilespmem:$0x1F880] =	vst v63  }
0x5f: {  	_ =	swait.ge [sflag:s25], $0x3400  }
0x60: {  	[sflag:s25] =	ssyncset.done $0x0  }
0x61: {  	[sflag:s25] =	ssyncadd.s32 $0xFFFFCC00  }
0x62: {  	[tilespmem:s23], [sflag:$0x1] =	stream.indirect.gather [hbm4b:s1+s22], $0x80, s30, s22, $0xb8;
	[tilespmem:$0x1F880] =	vst v63  }
0x63: {  	_ =	swait.ge [sflag:s26], $0x3400  }
.Ltmp1:
0x64: {  	[sflag:s26] =	ssyncset.done $0x0;
	(pc) =	sbr.rel @p0 .LBB2_4-.Ltmp1, $4  }
0x65: {  	s5 =	sadd.s32 $0x80, s6;
	[sflag:s26] =	ssyncadd.s32 $0xFFFFCC00  }
0x66: {  	[spmem:s3] =	stream.indirect.scatter.add.f32 [tilespmem:s21], [sflag:$0x4], $0x80, s5, s22, $0xb8;
	[tilespmem:$0x1F880] =	vst v63  }
0x67: {  	_ =	swait.ge [sflag:s28], $0x3400  }
0x68: {  	s30 =	sadd.s32 $0xD0, s30;
	[sflag:s28] =	ssyncset.done $0x0  }
0x69: {  	s0 =	sadd.s32 $0xFFFFFF98, s30;
	[sflag:s28] =	ssyncadd.s32 $0xFFFFCC00  }
0x6a: {  	[tilespmem:s21], [sflag:$0x2] =	stream.indirect.gather [hbm4b:s1+s22], $0x80, s0, s22, $0xb8;
	[tilespmem:$0x1F880] =	vst v63  }
0x6b: {  	_ =	swait.ge [sflag:s24], $0x3400  }
0x6c: {  	[sflag:s24] =	ssyncset.done $0x0  }
0x6d: {  	s2 =	sshra.s32 s2, $0x2;
	[sflag:s24] =	ssyncadd.s32 $0xFFFFCC00  }
0x6e: {  	[spmem:s3] =	stream.indirect.scatter.add.f32 [tilespmem:s23], [sflag:$0x3], $0x80, s2, s22, $0xb8;
	[tilespmem:$0x1F880] =	vst v63  }
0x6f: {  	_ =	swait.ge [sflag:s25], $0x3400  }
0x70: {  	[sflag:s25] =	ssyncset.done $0x0  }
0x71: {  	[sflag:s25] =	ssyncadd.s32 $0xFFFFCC00  }
0x72: {  	[tilespmem:s23], [sflag:$0x1] =	stream.indirect.gather [hbm4b:s1+s22], $0x80, s30, s22, $0xb8;
	[tilespmem:$0x1F880] =	vst v63  }
0x73: {  	_ =	swait.ge [sflag:s26], $0x3400  }
0x74: {  	[sflag:s26] =	ssyncset.done $0x0  }
0x75: {  	s0 =	sadd.s32 $0x80, s2;
	[sflag:s26] =	ssyncadd.s32 $0xFFFFCC00  }
0x76: {  	[spmem:s3] =	stream.indirect.scatter.add.f32 [tilespmem:s21], [sflag:$0x4], $0x80, s0, s22, $0xb8;
	[tilespmem:$0x1F880] =	vst v63  }
0x77: {  	_ =	swait.ge [sflag:s28], $0x3400  }
0x78: {  	[sflag:s28] =	ssyncset.done $0x0  }
0x79: {  	s5 =	simm.s32 $0x1C398;
	[sflag:s28] =	ssyncadd.s32 $0xFFFFCC00  }
0x7a: {  	[tilespmem:s21], [sflag:$0x2] =	stream.indirect.gather [hbm4b:s1+s22], $0x80, s5, s22, $0xb8;
	[tilespmem:$0x1F880] =	vst v63  }
0x7b: {  	_ =	swait.ge [sflag:s24], $0x3400  }
0x7c: {  	[sflag:s24] =	ssyncset.done $0x0  }
0x7d: {  	s6 =	simm.s32 $0x2F00;
	[sflag:s24] =	ssyncadd.s32 $0xFFFFCC00  }
0x7e: {  	[spmem:s3] =	stream.indirect.scatter.add.f32 [tilespmem:s23], [sflag:$0x5], $0x80, s6, s22, $0xb8;
	[tilespmem:$0x1F880] =	vst v63  }
0x7f: {  	_ =	swait.ge [sflag:s18], $0x3400  }
0x80: {  	[sflag:s18] =	ssyncset.done $0x0  }
0x81: {  	s30 =	simm.s32 $0x1C400;
	[sflag:s18] =	ssyncadd.s32 $0xFFFFCC00  }
0x82: {  	[tilespmem:s23], [sflag:$0x1] =	stream.indirect.gather [hbm4b:s1+s31], $0x80, s30, s31, $0xb8;
	[tilespmem:$0x1F880] =	vst v63  }
0x83: {  	_ =	swait.ge [sflag:s26], $0x3400  }
0x84: {  	[sflag:s26] =	ssyncset.done $0x0  }
0x85: {  	s2 =	simm.s32 $0x2F80;
	[sflag:s26] =	ssyncadd.s32 $0xFFFFCC00  }
0x86: {  	[spmem:s3] =	stream.indirect.scatter.add.f32 [tilespmem:s21], [sflag:$0x5], $0x80, s2, s22, $0xb8;
	[tilespmem:$0x1F880] =	vst v63  }
0x87: {  	_ =	swait.ge [sflag:s18], $0x3400  }
0x88: {  	[sflag:s18] =	ssyncset.done $0x0  }
0x89: {  	[sflag:s18] =	ssyncadd.s32 $0xFFFFCC00  }
0x8a: {  	_ =	swait.ge [sflag:s24], $0x800  }
0x8b: {  	[sflag:s24] =	ssyncset.done $0x0  }
0x8c: {  	[sflag:s24] =	ssyncadd.s32 $0xFFFFF800  }
0x8d: {  	[spmem:s3] =	stream.indirect.scatter.add.f32 [tilespmem:s23], [sflag:$0x5], $0x80, s19, s31, $0xb8;
	[tilespmem:$0x1F880] =	vst v63  }
0x8e: {  	_ =	swait.ge [sflag:s18], $0x800  }
0x8f: {  	s5 =	stileid.u32;
	[sflag:s18] =	ssyncset.done $0x0  }
0x90: {  	s0 =	sshll.u32 s5, $0x6;
	[sflag:s18] =	ssyncadd.s32 $0xFFFFF800  }
0x91: {  	s0 =	sor.u32 $0x1C05, s0;
	s6 =	sshrl.u32 s7, $0x3;
	[bflag:$0x0] =	sbarrier.arrive $0xFFFF  }
0x92: {  	[hbm:s15], [sflag:s0] =	dma.local [spmem:s6], $0x2700  }
0x93: {  	s29 =	sadd.s32 $0x1, s29;
	_ =	swait.ge [sflag:s18], $0x2700  }
0x94: {  	p0 =	sne.s32 s29, s17;
	[sflag:s18] =	ssyncset.done $0x0  }
.Ltmp2:
0x95: {  	s30 =	sshrl.u32 s14, $0x3;
	[sflag:s18] =	ssyncadd.s32 $0xFFFFD900;
	(pc) =	sbr.rel @p0 .LBB2_1-.Ltmp2, $4  }
0x96: {  	[hbm:s16], [sflag:s0] =	dma.local [spmem:s30], $0x100  }
0x97: {  	_ =	swait.ge [sflag:s18], $0x100  }
0x98: {  	[sflag:s18] =	ssyncset.done $0x0  }
0x99: {  	[sflag:s18] =	ssyncadd.s32 $0xFFFFFF00  }
0x9a: {  	_ =	sfence.sel $0x180000  }
0x9b: {  	[bflag:$0x0] =	sbarrier.arrive $0xFFFF  }
0x9c: {  	_ =	strace $0x9000004D  }
0x9d: {  	s0 =	stileid.u32;
	[bflag:$0x2] =	sbarrier.arrive $0xFFFF  }
0x9e: {  	p0 =	sne.s32 s0, $0x0;
	s0 =	rddreg [dreg:$0x3]  }
0x9f: {  	s0 =	sadd.s32 @!p0 $0x100000, s0  }
0xa0: {  	[sflag:s0] =	ssyncadd.tile.s32 @!p0 $0x1;
	_ =	shalt  }
.Lfunc_end2:
_tile_overlayer_lowered:
.L_overlay_start_2:
0xa1: {  	(tag) =	ssettag $0x2  }
0xa2: {  	s0 =	rddreg [dreg:$0x0];
	s2 =	stileid.u32  }
0xa3: {  	s1 =	rddreg [dreg:$0x1];
	p0 =	sne.s32 s2, $0x0  }
0xa4: {  	s3 =	rddreg [dreg:$0x2];
	[bflag:$0x3] =	sbarrier.arrive $0xFFFF;
	s2 =	simm.s32 @!p0 $0x1C05  }
0xa5: {  	[timem:s3], [sflag:s2] =	dma.local @!p0 [hbm:s0], s1  }
0xa6: {  	s0 =	simm.s32 @!p0 $0x5  }
0xa7: {  	_ =	swait.ge @!p0 [sflag:s0], s1  }
0xa8: {  	s1 =	ssub.s32 @!p0 $0x0, s1;
	[sflag:s0] =	ssyncset.done @!p0 $0x0  }
0xa9: {  	[sflag:s0] =	ssyncadd.s32 @!p0 s1  }
0xaa: {  	[bflag:$0x3] =	sbarrier.arrive $0xFFFF  }
0xab: {  	_ =	shalt  }

// kernel: kernel.19.cloned.1.call-start
scs
__scs_entry_jumppad:
0x0: {  	(pc) =	sbr.rel $0x88, $3  }
0x1: {  	(tag) =	ssettag $0x0;
	lr =	simm.s32 $0x1  }
0x2: {  	[smem:$0x3F97] =	sst lr;
	_ =	strace $0xD0000000  }
0x3: {  	_ = 	snop  }
0x4: {  	_ = 	snop  }
0x5: {  	_ = 	snop  }
0x6: {  	_ = 	snop  }
0x7: {  	_ = 	snop  }
__scs_overlays_trampoline_lowered:
0x8: {  	[smem:$0x3FA6] =	sst s0  }
0x9: {  	[smem:$0x3FA7] =	sst s1  }
0xa: {  	[smem:$0x3FA8] =	sst s2  }
0xb: {  	[smem:$0x3FA9] =	sst s3  }
0xc: {  	[smem:$0x3FAA] =	sst s4  }
0xd: {  	[smem:$0x3FAB] =	sst s5  }
0xe: {  	[smem:$0x3FAC] =	sst s6  }
0xf: {  	[smem:$0x3FAD] =	sst s7  }
0x10: {  	[smem:$0x3FAE] =	sst s8  }
0x11: {  	[smem:$0x3FAF] =	sst s9;
	s0 =	simm.s32 @!p0 $0x0  }
0x12: {  	s1 =	sld [smem:$0x3F95];
	s0 =	simm.s32 @p0 $0x1  }
0x13: {  	[smem:$0x3FB0] =	sst s0;
	s0 =	simm.s32 @!p1 $0x0  }
0x14: {  	s2 =	sld [smem:$0x3F94];
	s0 =	simm.s32 @p1 $0x1  }
0x15: {  	[smem:$0x3FB1] =	sst s0;
	s0 =	simm.s32 @!p2 $0x0  }
0x16: {  	s3 =	sld [smem:$0x3FDB];
	s0 =	simm.s32 @p2 $0x1  }
0x17: {  	s4 =	simm.s32 $0x1BF5;
	[smem:$0x3FB3] =	sst s0  }
0x18: {  	s0 =	sld [smem:$0x3F96];
	_ =	swait.ge [sflag:s4], $0x0  }
0x19: {  	s7 =	sld [smem:$0x3F97]  }
0x1a: {  	s8 =	sadd.s32 $0xFFFFE003, lr  }
0x1b: {  	s9 =	sadd.s32 $0xFFFFFEF7, lr;
	s5 =	simm.s32 $0xFFFFFFFF;
	p2 =	slt.u32 s8, $0xFFFFF086  }
0x1c: {  	p1 =	slt.u32 s9, $0xF7A;
	s5 =	simm.s32 @!p2 $0x0  }
0x1d: {  	s5 =	simm.s32 @p1 $0x1;
	p0 =	seq.s32 s7, s2  }
0x1e: {  	s7 =	smul.u32 @!p0 $0xF7A, s2;
	p2 =	seq.s32 @!p0 s5, $0x0  }
0x1f: {  	s9 =	smul.u32 $0xF7A, s1;
	s8 =	simm.s32 @!p0 $0x1BF5;
	p2 =	por !p2, p0  }
0x20: {  	[sflag:s8] =	ssyncset.s32 @!p0 $0xFFFFF086;
	s6 =	sadd.s32 @!p0 s3, s7;
	s7 =	simm.s32 @!p0 $0x108  }
0x21: {  	s3 =	sadd.s32 s3, s9;
	s6 =	sadd.s32 @!p0 $0x88, s6;
	s7 =	simm.s32 @p2 $0x1082  }
0x22: {  	[simem:s7], [sflag:s8] =	dma.local @!p0 [hbm:s6], $0xF7A  }
0x23: {  	s9 =	sor.u32 $0xD0000000, s2;
	s6 =	simm.s32 $0x108;
	_ =	swait.ge @!p0 [sflag:s8], $0x0  }
0x24: {  	s3 =	sadd.s32 $0x88, s3;
	s6 =	simm.s32 @!p1 $0x1082;
	[sflag:s4] =	ssyncset.s32 $0xFFFFF086  }
0x25: {  	[simem:s6], [sflag:s4] =	dma.local [hbm:s3], $0xF7A  }
0x26: {  	[smem:$0x3F97] =	sst s1;
	(tag) =	ssettag s2;
	_ =	strace s9  }
0x27: {  	s1 =	sld [smem:$0x3FA7]  }
0x28: {  	s2 =	sld [smem:$0x3FA8]  }
0x29: {  	s4 =	sld [smem:$0x3FAA]  }
0x2a: {  	p0 =	seq.s32 s5, $0x0;
	s5 =	sld [smem:$0x3FAB]  }
0x2b: {  	s6 =	sld [smem:$0x3FAC]  }
0x2c: {  	s7 =	sld [smem:$0x3FAD]  }
0x2d: {  	s3 =	simm.s32 $0x108;
	s8 =	sld [smem:$0x3FAE]  }
0x2e: {  	s3 =	simm.s32 @!p0 $0x1082;
	s9 =	sld [smem:$0x3FAF]  }
0x2f: {  	lr =	sadd.s32 s0, s3;
	s0 =	sld [smem:$0x3FA6]  }
0x30: {  	s3 =	sld [smem:$0x3FA9]  }
0x31: {  	[smem:$0x3FB2] =	sst s10  }
0x32: {  	s10 =	sld [smem:$0x3FB0];
	_ =	sdelay $0x3  }
0x33: {  	p0 =	seq.s32 s10, $0x1;
	s10 =	sld [smem:$0x3FB2];
	_ =	sdelay $0x3  }
0x34: {  	[smem:$0x3FB2] =	sst s10  }
0x35: {  	s10 =	sld [smem:$0x3FB1];
	_ =	sdelay $0x3  }
0x36: {  	p1 =	seq.s32 s10, $0x1;
	s10 =	sld [smem:$0x3FB2];
	_ =	sdelay $0x3  }
0x37: {  	[smem:$0x3FB2] =	sst s10  }
0x38: {  	s10 =	sld [smem:$0x3FB3]  }
0x39: {  	_ = 	snop;
	(pc) =	sbr.ind lr, $3  }
0x3a: {  	_ = 	snop  }
0x3b: {  	_ = 	snop  }
0x3c: {  	p2 =	seq.s32 s10, $0x1;
	s10 =	sld [smem:$0x3FB2]  }
0x3d: {  	_ =	shalt  }
0x3e: {  	_ =	shalt  }
0x3f: {  	_ =	shalt  }
0x40: {  	_ =	shalt  }
0x41: {  	_ =	shalt  }
0x42: {  	_ =	shalt  }
0x43: {  	_ =	shalt  }
0x44: {  	_ =	shalt  }
0x45: {  	_ =	shalt  }
0x46: {  	_ =	shalt  }
0x47: {  	_ =	shalt  }
0x48: {  	_ =	shalt  }
0x49: {  	_ =	shalt  }
0x4a: {  	_ =	shalt  }
0x4b: {  	_ =	shalt  }
0x4c: {  	_ =	shalt  }
0x4d: {  	_ =	shalt  }
0x4e: {  	_ =	shalt  }
0x4f: {  	_ =	shalt  }
0x50: {  	_ =	shalt  }
0x51: {  	_ =	shalt  }
0x52: {  	_ =	shalt  }
0x53: {  	_ =	shalt  }
0x54: {  	_ =	shalt  }
0x55: {  	_ =	shalt  }
0x56: {  	_ =	shalt  }
0x57: {  	_ =	shalt  }
0x58: {  	_ =	shalt  }
0x59: {  	_ =	shalt  }
0x5a: {  	_ =	shalt  }
0x5b: {  	_ =	shalt  }
0x5c: {  	_ =	shalt  }
0x5d: {  	_ =	shalt  }
0x5e: {  	_ =	shalt  }
0x5f: {  	_ =	shalt  }
0x60: {  	_ =	shalt  }
0x61: {  	_ =	shalt  }
0x62: {  	_ =	shalt  }
0x63: {  	_ =	shalt  }
0x64: {  	_ =	shalt  }
0x65: {  	_ =	shalt  }
0x66: {  	_ =	shalt  }
0x67: {  	_ =	shalt  }
0x68: {  	_ =	shalt  }
0x69: {  	_ =	shalt  }
0x6a: {  	_ =	shalt  }
0x6b: {  	_ =	shalt  }
0x6c: {  	_ =	shalt  }
0x6d: {  	_ =	shalt  }
0x6e: {  	_ =	shalt  }
0x6f: {  	_ =	shalt  }
0x70: {  	_ =	shalt  }
0x71: {  	_ =	shalt  }
0x72: {  	_ =	shalt  }
0x73: {  	_ =	shalt  }
0x74: {  	_ =	shalt  }
0x75: {  	_ =	shalt  }
0x76: {  	_ =	shalt  }
0x77: {  	_ =	shalt  }
0x78: {  	_ =	shalt  }
0x79: {  	_ =	shalt  }
0x7a: {  	_ =	shalt  }
0x7b: {  	_ =	shalt  }
0x7c: {  	_ =	shalt  }
0x7d: {  	_ =	shalt  }
0x7e: {  	_ =	shalt  }
0x7f: {  	_ =	shalt  }
0x80: {  	_ =	shalt  }
0x81: {  	_ =	shalt  }
0x82: {  	_ =	shalt  }
0x83: {  	_ =	shalt  }
0x84: {  	_ =	shalt  }
0x85: {  	_ =	shalt  }
0x86: {  	_ =	shalt  }
0x87: {  	_ =	shalt  }
.Lfunc_end0:
.L_simem_size_0:
called_computation.3_lowered:
.L_overlay_start_0:
0x88: {  	s2 =	sld [smem:$0x3FD9]  }
0x89: {  	s3 =	sld [smem:$0x3FFE];
	_ =	sdelay $0x1  }
0x8a: {  	s1 =	srdreg.scid  }
0x8b: {  	s0 =	sand.u32 $0x1, s1  }
0x8c: {  	s14 =	sshll.u32 s0, $0xA;
	s2 =	sadd.s32 s3, s2  }
0x8d: {  	s2 =	sadd.s32 s2, s14  }
0x8e: {  	[smem:$0x3FBE] =	sst s2  }
0x8f: {  	_ = 	snop  }
0x90: {  	s2 =	sld [smem:$0x3FD0];
	_ =	sdelay $0x2  }
0x91: {  	s15 =	simm.s32 $0xB;
	s4 =	simm.s32 $0x10  }
0x92: {  	[smem:s4], [sflag:s15] =	dma.local [hbm:s2], $0x1  }
0x93: {  	_ =	swait.eq [sflag:s15], $0x1  }
0x94: {  	[sflag:s15] =	ssyncset.done $0x0  }
0x95: {  	[sflag:s15] =	ssyncadd.s32 $0xFFFFFFFF  }
0x96: {  	s16 =	sld [smem:$0x10];
	(tm) =	ssettm $0x1  }
0x97: {  	s17 =	sld [smem:$0x3FFB];
	_ =	sdelay $0x3  }
0x98: {  	_ =	strace s17  }
0x99: {  	s3 =	sld [smem:$0x3FFC];
	_ =	sdelay $0x3  }
0x9a: {  	_ =	strace s3  }
0x9b: {  	s3 =	sld [smem:$0x3FFD];
	_ =	sdelay $0x3  }
0x9c: {  	_ =	strace s3  }
0x9d: {  	_ =	strace $0x8FFFFFFF  }
0x9e: {  	s18 =	sld [smem:$0x3FDB];
	_ =	sdelay $0x1  }
0x9f: {  	s19 =	simm.s32 $_scs_section_size  }
0xa0: {  	s5 =	simm.s32 $_size__tile_overlayer_lowered;
	s6 =	simm.s32 $_tile_overlayer_lowered  }
0xa1: {  	s22 =	simm.s32 $0x1BFF;
	s21 =	sshll.u32 s6, $0x1;
	s3 =	sadd.s32 s19, s18  }
0xa2: {  	s7 =	simm.s32 $0x0;
	s20 =	sshll.u32 s5, $0x1;
	s5 =	sadd.s32 s21, s3  }
0xa3: {  	[timem:s7], [sflag:s22] =	dma.local [hbm:s5], s20  }
0xa4: {  	_ =	swait.ge [sflag:s22], s20  }
0xa5: {  	s4 =	ssub.s32 $0x0, s20;
	[sflag:s22] =	ssyncset.done $0x0  }
0xa6: {  	[sflag:s22] =	ssyncadd.s32 s4;
	_ =	sdelay $0x1  }
0xa7: {  	s23 =	simm.s32 $0x1B8B  }
0xa8: {  	_ =	swait.ge [sflag:s23], $0x1  }
0xa9: {  	[sflag:s23] =	ssyncset.done $0x0  }
0xaa: {  	s25 =	simm.s32 $0x1B8E;
	s24 =	sld [smem:$0x3FFE];
	[sflag:s23] =	ssyncadd.s32 $0xFFFFFFFF  }
0xab: {  	s26 =	simm.s32 $execute0_lowered;
	[smem:$0x3FD2] =	sst s25  }
0xac: {  	s5 =	sshll.u32 s26, $0x1;
	_ =	strace $0x8000004F;
	[dreg:$0x1] =	wrdreg $0xFFFFFFFF  }
0xad: {  	s28 =	simm.s32 $_size_execute0_lowered;
	s3 =	sadd.s32 s3, s5;
	[dreg:$0x0] =	wrdreg $0x0  }
0xae: {  	s5 =	sshll.u32 s28, $0x1;
	[dreg:$0x2] =	wrdreg s3  }
0xaf: {  	[dreg:$0x3] =	wrdreg s5  }
0xb0: {  	[dreg:$0x4] =	wrdreg $0xC0  }
0xb1: {  	_ =	task [dreg:s7], $0x5FFFF  }
0xb2: {  	[dreg:$0x1] =	wrdreg $0xFFFFFFFF  }
0xb3: {  	[dreg:$0x0] =	wrdreg $0x60  }
0xb4: {  	[dreg:$0x2] =	wrdreg s16  }
0xb5: {  	[dreg:$0x3] =	wrdreg s24  }
0xb6: {  	[dreg:$0x4] =	wrdreg $0x64800  }
0xb7: {  	[dreg:$0x5] =	wrdreg $0x9  }
0xb8: {  	_ =	task.clear_ibuf [dreg:s7], $0x6FFFF;
	_ =	strace $0x9000004F  }
0xb9: {  	s29 =	simm.s32 $0x9;
	_ =	strace $0x80000051  }
0xba: {  	_ =	swait.ge [sflag:s29], $0x1  }
0xbb: {  	[sflag:s29] =	ssyncadd.s32 $0xFFFFFFFF  }
0xbc: {  	_ =	strace $0x90000051  }
0xbd: {  	_ =	sfence  }
0xbe: {  	s30 =	sld [smem:$0x0];
	_ =	sdelay $0x2  }
0xbf: {  	s31 =	sshll.u32 s1, $0xD;
	s1 =	sshrl.u32 s1, $0x2  }
0xc0: {  	s3 =	sand.u32 $0x4000, s31;
	s1 =	sadd.s32 s1, s30  }
0xc1: {  	s0 =	sor.u32 s3, s0;
	s1 =	sshll.u32 s1, $0x11  }
0xc2: {  	s0 =	sor.u32 s1, s0  }
0xc3: {  	s0 =	sadd.s32 $0x8F2B, s0  }
0xc4: {  	[sflag:s0] =	ssyncadd.remote.s32 $0x1  }
0xc5: {  	_ =	sfence.sel $0xFFFF  }
0xc6: {  	[dreg:$0x0] =	wrdreg $0xFFFFFFFF;
	(pc) =	sbr.abs _section_cstart, $3  }
0xc7: {  	[dreg:$0x1] =	wrdreg $0xFFFFFFFF  }
0xc8: {  	_ =	task.clear_ibuf [dreg:s7], $0x2FFFF;
	_ =	strace $0x9FFFFFFF  }
0xc9: {  	(tm) =	ssettm $0x7FFFFFFF  }
tec
execute0_lowered:
.L_overlay_start_1:
0x0: {  	(tag) =	ssettag $0x1  }
0x1: {  	s1 =	rddreg [dreg:$0x0]  }
0x2: {  	s0 =	srdreg.scid;
	s2 =	rddreg [dreg:$0x1]  }
0x3: {  	s13 =	stileid.u32;
	s3 =	rddreg [dreg:$0x2];
	s18 =	simm.s32 $0x5  }
0x4: {  	s19 =	simm.s32 $0x3000;
	s20 =	simm.s32 $0x19D00;
	s28 =	simm.s32 $0x4  }
0x5: {  	s31 =	simm.s32 $0x10;
	s29 =	simm.s32 $0x0;
	s0 =	sand.u32 $0x1, s0  }
0x6: {  	s8 =	sshll.u32 s13, $0x4;
	s12 =	smul.u32 $0x4E000, s13;
	s4 =	sshll.u32 s0, $0x4  }
0x7: {  	s22 =	sand.u32 $0x70, s8;
	s23 =	ssub.s32 $0x2, s0;
	s0 =	smul.u32 $0x138800, s0  }
0x8: {  	s5 =	sor.u32 s13, s4;
	s4 =	simm.s32 $0x0;
	s13 =	smul.u32 $0x13800, s13  }
0x9: {  	s10 =	sshrl.u32 s23, $0x1;
	s26 =	sshrl.u32 s12, $0x2;
	s6 =	smul.u32 $0x4E2, s5  }
0xa: {  	[smem:$0x7FF] =	sst s4;
	s7 =	smul.u32 $0x600, s5;
	s11 =	sshll.u32 s5, $0x4  }
0xb: {  	s17 =	ssub.s32 s23, s10;
	s23 =	simm.s32 $0x3080;
	_ =	strace $0x80000050  }
0xc: {  	s25 =	sand.u32 $0x180, s11;
	s14 =	sadd.s32 s13, s0;
	s0 =	sshrl.u32 s0, $0x3  }
0xd: {  	s17 =	smax.u32 s17, $0x1;
	s9 =	sadd.s32 s6, s2;
	s21 =	sadd.s32 s7, s2  }
0xe: {  	s7 =	sadd.s32 s22, s2;
	s2 =	sadd.s32 $0x1E200, s2;
	s15 =	sshrl.u32 s14, $0x3  }
0xf: {  	s14 =	sadd.s32 $0x138000, s3;
	s22 =	simm.s32 $0x68;
	s24 =	sadd.s32 $0x12200, s21  }
0x10: {  	s6 =	sadd.s32 s25, s7;
	s7 =	sadd.s32 s26, s3;
	s8 =	sadd.s32 $0x3200, s9  }
0x11: {  	s15 =	sadd.s32 s2, s15;
	s0 =	sadd.s32 s2, s0;
	s21 =	simm.s32 $0x1C480  }
0x12: {  	s25 =	simm.s32 $0x3;
	s26 =	simm.s32 $0x2;
	[dreg:$0x4] =	wrdreg s24  }
0x13: {  	s30 =	sadd.s32 $0x12000, s6;
	s9 =	sadd.s32 $0x3400, s7;
	s10 =	sadd.s32 $0x6800, s7  }
0x14: {  	s11 =	sadd.s32 $0x9C00, s7;
	s12 =	sadd.s32 $0xD000, s7;
	s13 =	sadd.s32 $0x10400, s7  }
0x15: {  	v0 =	vimm.f32 $0.0e+00;
	s16 =	sadd.s32 $0x27000, s0;
	s24 =	simm.s32 $0x1;
	[dreg:$0x5] =	wrdreg s30  }
.LBB2_1:
0x16: {  	s0 =	rddreg [dreg:$0x4]  }
0x17: {  	[tilespmem:s4], [sflag:$0x5] =	stream.linear.gather [hbm4b:s0+s4], $0x3000, $0x38;
	[tilespmem:$0x1F880] =	vst v63  }
0x18: {  	_ =	swait.ge [sflag:s18], $0x3000  }
0x19: {  	[sflag:s18] =	ssyncset.done $0x0  }
0x1a: {  	s5 =	rddreg [dreg:$0x5];
	[sflag:s18] =	ssyncadd.s32 $0xFFFFD000  }
0x1b: {  	[tilespmem:s19], [sflag:$0x5] =	stream.linear.gather [hbm4b:s5+s4], $0x80, $0x38;
	[tilespmem:$0x1F880] =	vst v63  }
0x1c: {  	_ =	swait.ge [sflag:s18], $0x80  }
0x1d: {  	[sflag:s18] =	ssyncset.done $0x0  }
0x1e: {  	[sflag:s18] =	ssyncadd.s32 $0xFFFFFF80  }
0x1f: {  	[tilespmem:s20], [sflag:$0x5] =	stream.linear.gather [hbm4b:s8+s4], $0x2710, $0x38;
	[tilespmem:$0x1F880] =	vst v63  }
0x20: {  	s6 =	sand.u32 $0xFE00, s4;
	s2 =	sand.u32 $0x70, s4;
	_ =	swait.ge [sflag:s18], $0x2710  }
0x21: {  	s30 =	sshrl.u32 s6, $0x2;
	s0 =	simm.s32 $0x40;
	[sflag:s18] =	ssyncset.done $0x0  }
0x22: {  	s30 =	sor.u32 s2, s30;
	s2 =	simm.s32 $0x0;
	[sflag:s18] =	ssyncadd.s32 $0xFFFFD8F0  }
.LBB2_2:
0x23: {  	p0 =	sne.s32 s0, $0xCFC0  }
0x24: {  	[tilespmem:s30+$0x1C480] =	vst v0;
	s2 =	sadd.s32 $0x10, s2;
	s30 =	smov.u32 s0;
	s0 =	sadd.s32 $0x40, s0  }
.Ltmp0:
0x25: {  	(pc) =	sbr.rel @p0 .LBB2_2-.Ltmp0, $4  }
0x26: {  	_ = 	snop  }
0x27: {  	s30 =	sand.u32 $0xFE00, s30  }
0x28: {  	s5 =	sand.u32 $0x70, s2;
	s30 =	sshrl.u32 s30, $0x2  }
0x29: {  	s30 =	sor.u32 s5, s30  }
0x2a: {  	[tilespmem:s30+$0x1C480] =	vst v0  }
0x2b: {  	[spmem:s7] =	stream.linear.scatter [tilespmem:s21], [sflag:$0x5], $0x3400, $0x38;
	[tilespmem:$0x1F880] =	vst v63  }
0x2c: {  	_ =	swait.ge [sflag:s18], $0x3400  }
0x2d: {  	[sflag:s18] =	ssyncset.done $0x0  }
0x2e: {  	[sflag:s18] =	ssyncadd.s32 $0xFFFFCC00  }
0x2f: {  	[spmem:s9] =	stream.linear.scatter [tilespmem:s21], [sflag:$0x5], $0x3400, $0x38;
	[tilespmem:$0x1F880] =	vst v63  }
0x30: {  	_ =	swait.ge [sflag:s18], $0x3400  }
0x31: {  	[sflag:s18] =	ssyncset.done $0x0  }
0x32: {  	[sflag:s18] =	ssyncadd.s32 $0xFFFFCC00  }
0x33: {  	[spmem:s10] =	stream.linear.scatter [tilespmem:s21], [sflag:$0x5], $0x3400, $0x38;
	[tilespmem:$0x1F880] =	vst v63  }
0x34: {  	_ =	swait.ge [sflag:s18], $0x3400  }
0x35: {  	[sflag:s18] =	ssyncset.done $0x0  }
0x36: {  	[sflag:s18] =	ssyncadd.s32 $0xFFFFCC00  }
0x37: {  	[spmem:s11] =	stream.linear.scatter [tilespmem:s21], [sflag:$0x5], $0x3400, $0x38;
	[tilespmem:$0x1F880] =	vst v63  }
0x38: {  	_ =	swait.ge [sflag:s18], $0x3400  }
0x39: {  	[sflag:s18] =	ssyncset.done $0x0  }
0x3a: {  	[sflag:s18] =	ssyncadd.s32 $0xFFFFCC00  }
0x3b: {  	[spmem:s12] =	stream.linear.scatter [tilespmem:s21], [sflag:$0x5], $0x3400, $0x38;
	[tilespmem:$0x1F880] =	vst v63  }
0x3c: {  	_ =	swait.ge [sflag:s18], $0x3400  }
0x3d: {  	[sflag:s18] =	ssyncset.done $0x0  }
0x3e: {  	[sflag:s18] =	ssyncadd.s32 $0xFFFFCC00  }
0x3f: {  	[spmem:s13] =	stream.linear.scatter [tilespmem:s21], [sflag:$0x5], $0x3400, $0x38;
	[tilespmem:$0x1F880] =	vst v63  }
0x40: {  	_ =	swait.ge [sflag:s18], $0x3400  }
0x41: {  	[sflag:s18] =	ssyncset.done $0x0  }
0x42: {  	[sflag:s18] =	ssyncadd.s32 $0xFFFFCC00  }
0x43: {  	[spmem:s14] =	stream.linear.scatter [tilespmem:s21], [sflag:$0x5], $0x800, $0x38;
	[tilespmem:$0x1F880] =	vst v63  }
0x44: {  	_ =	swait.ge [sflag:s18], $0x800  }
0x45: {  	[sflag:s18] =	ssyncset.done $0x0  }
0x46: {  	[sflag:s18] =	ssyncadd.s32 $0xFFFFF800  }
0x47: {  	[bflag:$0x0] =	sbarrier.arrive $0xFFFF  }
0x48: {  	[tilespmem:s23], [sflag:$0x1] =	stream.indirect.gather [hbm4b:s1+s22], $0x80, s20, s22, $0xb8;
	[tilespmem:$0x1F880] =	vst v63  }
0x49: {  	s0 =	simm.s32 $0x19D68  }
0x4a: {  	[tilespmem:s21], [sflag:$0x2] =	stream.indirect.gather [hbm4b:s1+s22], $0x80, s0, s22, $0xb8;
	[tilespmem:$0x1F880] =	vst v63  }
0x4b: {  	_ =	swait.ge [sflag:s24], $0x3400  }
0x4c: {  	[sflag:s24] =	ssyncset.done $0x0  }
0x4d: {  	s2 =	simm.s32 $0x0;
	[sflag:s24] =	ssyncadd.s32 $0xFFFFCC00  }
0x4e: {  	[spmem:s3] =	stream.indirect.scatter.add.f32 [tilespmem:s23], [sflag:$0x3], $0x80, s2, s22, $0xb8;
	[tilespmem:$0x1F880] =	vst v63  }
0x4f: {  	_ =	swait.ge [sflag:s25], $0x3400  }
0x50: {  	[sflag:s25] =	ssyncset.done $0x0  }
0x51: {  	s5 =	simm.s32 $0x19DD0;
	[sflag:s25] =	ssyncadd.s32 $0xFFFFCC00  }
0x52: {  	[tilespmem:s23], [sflag:$0x1] =	stream.indirect.gather [hbm4b:s1+s22], $0x80, s5, s22, $0xb8;
	[tilespmem:$0x1F880] =	vst v63  }
0x53: {  	_ =	swait.ge [sflag:s26], $0x3400  }
0x54: {  	[sflag:s26] =	ssyncset.done $0x0  }
0x55: {  	s6 =	simm.s32 $0x80;
	[sflag:s26] =	ssyncadd.s32 $0xFFFFCC00  }
0x56: {  	[spmem:s3] =	stream.indirect.scatter.add.f32 [tilespmem:s21], [sflag:$0x4], $0x80, s6, s22, $0xb8;
	[tilespmem:$0x1F880] =	vst v63  }
0x57: {  	s30 =	simm.s32 $0x19EA0;
	_ =	swait.ge [sflag:s28], $0x3400  }
0x58: {  	s0 =	simm.s32 $0x800;
	s2 =	simm.s32 $0x400;
	[sflag:s28] =	ssyncset.done $0x0  }
.LBB2_4:
0x59: {  	p0 =	sne.s32 s0, $0xB800;
	s5 =	sadd.s32 $0xFFFFFF98, s30;
	[sflag:s28] =	ssyncadd.s32 $0xFFFFCC00  }
0x5a: {  	[tilespmem:s21], [sflag:$0x2] =	stream.indirect.gather [hbm4b:s1+s22], $0x80, s5, s22, $0xb8;
	[tilespmem:$0x1F880] =	vst v63  }
0x5b: {  	s5 =	smov.u32 s0;
	s0 =	sadd.s32 $0x400, s0;
	_ =	swait.ge [sflag:s24], $0x3400  }
0x5c: {  	[sflag:s24] =	ssyncset.done $0x0  }
0x5d: {  	s6 =	sshra.s32 s2, $0x2;
	s2 =	smov.u32 s5;
	[sflag:s24] =	ssyncadd.s32 $0xFFFFCC00  }
0x5e: {  	[spmem:s3] =	stream.indirect.scatter.add.f32 [tilespmem:s23], [sflag:$0x3], $0x80, s6, s22, $0xb8;
	[tilespmem:$0x1F880] =	vst v63  }
0x5f: {  	_ =	swait.ge [sflag:s25], $0x3400  }
0x60: {  	[sflag:s25] =	ssyncset.done $0x0  }
0x61: {  	[sflag:s25] =	ssyncadd.s32 $0xFFFFCC00  }
0x62: {  	[tilespmem:s23], [sflag:$0x1] =	stream.indirect.gather [hbm4b:s1+s22], $0x80, s30, s22, $0xb8;
	[tilespmem:$0x1F880] =	vst v63  }
0x63: {  	_ =	swait.ge [sflag:s26], $0x3400  }
.Ltmp1:
0x64: {  	[sflag:s26] =	ssyncset.done $0x0;
	(pc) =	sbr.rel @p0 .LBB2_4-.Ltmp1, $4  }
0x65: {  	s5 =	sadd.s32 $0x80, s6;
	[sflag:s26] =	ssyncadd.s32 $0xFFFFCC00  }
0x66: {  	[spmem:s3] =	stream.indirect.scatter.add.f32 [tilespmem:s21], [sflag:$0x4], $0x80, s5, s22, $0xb8;
	[tilespmem:$0x1F880] =	vst v63  }
0x67: {  	_ =	swait.ge [sflag:s28], $0x3400  }
0x68: {  	s30 =	sadd.s32 $0xD0, s30;
	[sflag:s28] =	ssyncset.done $0x0  }
0x69: {  	s0 =	sadd.s32 $0xFFFFFF98, s30;
	[sflag:s28] =	ssyncadd.s32 $0xFFFFCC00  }
0x6a: {  	[tilespmem:s21], [sflag:$0x2] =	stream.indirect.gather [hbm4b:s1+s22], $0x80, s0, s22, $0xb8;
	[tilespmem:$0x1F880] =	vst v63  }
0x6b: {  	_ =	swait.ge [sflag:s24], $0x3400  }
0x6c: {  	[sflag:s24] =	ssyncset.done $0x0  }
0x6d: {  	s2 =	sshra.s32 s2, $0x2;
	[sflag:s24] =	ssyncadd.s32 $0xFFFFCC00  }
0x6e: {  	[spmem:s3] =	stream.indirect.scatter.add.f32 [tilespmem:s23], [sflag:$0x3], $0x80, s2, s22, $0xb8;
	[tilespmem:$0x1F880] =	vst v63  }
0x6f: {  	_ =	swait.ge [sflag:s25], $0x3400  }
0x70: {  	[sflag:s25] =	ssyncset.done $0x0  }
0x71: {  	[sflag:s25] =	ssyncadd.s32 $0xFFFFCC00  }
0x72: {  	[tilespmem:s23], [sflag:$0x1] =	stream.indirect.gather [hbm4b:s1+s22], $0x80, s30, s22, $0xb8;
	[tilespmem:$0x1F880] =	vst v63  }
0x73: {  	_ =	swait.ge [sflag:s26], $0x3400  }
0x74: {  	[sflag:s26] =	ssyncset.done $0x0  }
0x75: {  	s0 =	sadd.s32 $0x80, s2;
	[sflag:s26] =	ssyncadd.s32 $0xFFFFCC00  }
0x76: {  	[spmem:s3] =	stream.indirect.scatter.add.f32 [tilespmem:s21], [sflag:$0x4], $0x80, s0, s22, $0xb8;
	[tilespmem:$0x1F880] =	vst v63  }
0x77: {  	_ =	swait.ge [sflag:s28], $0x3400  }
0x78: {  	[sflag:s28] =	ssyncset.done $0x0  }
0x79: {  	s5 =	simm.s32 $0x1C398;
	[sflag:s28] =	ssyncadd.s32 $0xFFFFCC00  }
0x7a: {  	[tilespmem:s21], [sflag:$0x2] =	stream.indirect.gather [hbm4b:s1+s22], $0x80, s5, s22, $0xb8;
	[tilespmem:$0x1F880] =	vst v63  }
0x7b: {  	_ =	swait.ge [sflag:s24], $0x3400  }
0x7c: {  	[sflag:s24] =	ssyncset.done $0x0  }
0x7d: {  	s6 =	simm.s32 $0x2F00;
	[sflag:s24] =	ssyncadd.s32 $0xFFFFCC00  }
0x7e: {  	[spmem:s3] =	stream.indirect.scatter.add.f32 [tilespmem:s23], [sflag:$0x5], $0x80, s6, s22, $0xb8;
	[tilespmem:$0x1F880] =	vst v63  }
0x7f: {  	_ =	swait.ge [sflag:s18], $0x3400  }
0x80: {  	[sflag:s18] =	ssyncset.done $0x0  }
0x81: {  	s30 =	simm.s32 $0x1C400;
	[sflag:s18] =	ssyncadd.s32 $0xFFFFCC00  }
0x82: {  	[tilespmem:s23], [sflag:$0x1] =	stream.indirect.gather [hbm4b:s1+s31], $0x80, s30, s31, $0xb8;
	[tilespmem:$0x1F880] =	vst v63  }
0x83: {  	_ =	swait.ge [sflag:s26], $0x3400  }
0x84: {  	[sflag:s26] =	ssyncset.done $0x0  }
0x85: {  	s2 =	simm.s32 $0x2F80;
	[sflag:s26] =	ssyncadd.s32 $0xFFFFCC00  }
0x86: {  	[spmem:s3] =	stream.indirect.scatter.add.f32 [tilespmem:s21], [sflag:$0x5], $0x80, s2, s22, $0xb8;
	[tilespmem:$0x1F880] =	vst v63  }
0x87: {  	_ =	swait.ge [sflag:s18], $0x3400  }
0x88: {  	[sflag:s18] =	ssyncset.done $0x0  }
0x89: {  	[sflag:s18] =	ssyncadd.s32 $0xFFFFCC00  }
0x8a: {  	_ =	swait.ge [sflag:s24], $0x800  }
0x8b: {  	[sflag:s24] =	ssyncset.done $0x0  }
0x8c: {  	[sflag:s24] =	ssyncadd.s32 $0xFFFFF800  }
0x8d: {  	[spmem:s3] =	stream.indirect.scatter.add.f32 [tilespmem:s23], [sflag:$0x5], $0x80, s19, s31, $0xb8;
	[tilespmem:$0x1F880] =	vst v63  }
0x8e: {  	_ =	swait.ge [sflag:s18], $0x800  }
0x8f: {  	s5 =	stileid.u32;
	[sflag:s18] =	ssyncset.done $0x0  }
0x90: {  	s0 =	sshll.u32 s5, $0x6;
	[sflag:s18] =	ssyncadd.s32 $0xFFFFF800  }
0x91: {  	s0 =	sor.u32 $0x1C05, s0;
	s6 =	sshrl.u32 s7, $0x3;
	[bflag:$0x0] =	sbarrier.arrive $0xFFFF  }
0x92: {  	[hbm:s15], [sflag:s0] =	dma.local [spmem:s6], $0x2700  }
0x93: {  	s29 =	sadd.s32 $0x1, s29;
	_ =	swait.ge [sflag:s18], $0x2700  }
0x94: {  	p0 =	sne.s32 s29, s17;
	[sflag:s18] =	ssyncset.done $0x0  }
.Ltmp2:
0x95: {  	s30 =	sshrl.u32 s14, $0x3;
	[sflag:s18] =	ssyncadd.s32 $0xFFFFD900;
	(pc) =	sbr.rel @p0 .LBB2_1-.Ltmp2, $4  }
0x96: {  	[hbm:s16], [sflag:s0] =	dma.local [spmem:s30], $0x100  }
0x97: {  	_ =	swait.ge [sflag:s18], $0x100  }
0x98: {  	[sflag:s18] =	ssyncset.done $0x0  }
0x99: {  	[sflag:s18] =	ssyncadd.s32 $0xFFFFFF00  }
0x9a: {  	_ =	sfence.sel $0x180000  }
0x9b: {  	[bflag:$0x0] =	sbarrier.arrive $0xFFFF  }
0x9c: {  	_ =	strace $0x90000050  }
0x9d: {  	s0 =	stileid.u32;
	[bflag:$0x2] =	sbarrier.arrive $0xFFFF  }
0x9e: {  	p0 =	sne.s32 s0, $0x0;
	s0 =	rddreg [dreg:$0x3]  }
0x9f: {  	s0 =	sadd.s32 @!p0 $0x100000, s0  }
0xa0: {  	[sflag:s0] =	ssyncadd.tile.s32 @!p0 $0x1;
	_ =	shalt  }
.Lfunc_end2:
_tile_overlayer_lowered:
.L_overlay_start_2:
0xa1: {  	(tag) =	ssettag $0x2  }
0xa2: {  	s0 =	rddreg [dreg:$0x0];
	s2 =	stileid.u32  }
0xa3: {  	s1 =	rddreg [dreg:$0x1];
	p0 =	sne.s32 s2, $0x0  }
0xa4: {  	s3 =	rddreg [dreg:$0x2];
	[bflag:$0x3] =	sbarrier.arrive $0xFFFF;
	s2 =	simm.s32 @!p0 $0x1C05  }
0xa5: {  	[timem:s3], [sflag:s2] =	dma.local @!p0 [hbm:s0], s1  }
0xa6: {  	s0 =	simm.s32 @!p0 $0x5  }
0xa7: {  	_ =	swait.ge @!p0 [sflag:s0], s1  }
0xa8: {  	s1 =	ssub.s32 @!p0 $0x0, s1;
	[sflag:s0] =	ssyncset.done @!p0 $0x0  }
0xa9: {  	[sflag:s0] =	ssyncadd.s32 @!p0 s1  }
0xaa: {  	[bflag:$0x3] =	sbarrier.arrive $0xFFFF  }
0xab: {  	_ =	shalt  }

</sc_bundles>
